<compile_context>
chip_gen: v7x
topology: tpu7x:2x2x1
jax: 0.10.2.dev20260603
libtpu: 0.0.44.dev20260713+nightly
codegen_flags: <defaults>
</compile_context>

<pallas_src>
import functools

import jax
import jax.numpy as jnp
from jax import lax
from jax.experimental import pallas as pl
from jax.experimental.pallas import tpu as pltpu
from jax.experimental.pallas import tpu_sc as plsc

NC = 2
NS = 16
LANES = 16
CHUNK = 128
IB = 8


def _sc_segsum_body(n_pad, ch0, ch1, d, compute_deg, x_hbm, src_hbm,
                    dst_hbm, *refs):
    if compute_deg:
        (part_out, deg_out, idx_src_v, idx_dst_v, rows_v, acc_sh, deg_v,
         sem) = refs
    else:
        part_out, idx_src_v, idx_dst_v, rows_v, acc_sh, sem = refs
        deg_out = deg_v = None

    core = lax.axis_index("c")
    sub = lax.axis_index("s")
    wid = core * NS + sub
    rpt = n_pad // NS

    zeros16 = jnp.zeros((LANES,), jnp.float32)
    ones16 = jnp.ones((LANES,), jnp.float32)

    def _zrows(i, carry):
        for j in range(d // LANES):
            rows_v[0, i, pl.ds(j * LANES, LANES)] = zeros16
        return carry
    lax.fori_loop(0, CHUNK, _zrows, 0)

    base = sub * rpt
    for k in range(rpt // CHUNK):
        pltpu.sync_copy(rows_v.at[0],
                        acc_sh.at[pl.ds(base + k * CHUNK, CHUNK)])

    if compute_deg:
        def _zdeg(i, carry):
            deg_v[pl.ds(i * LANES, LANES)] = zeros16
            return carry
        lax.fori_loop(0, n_pad // LANES, _zdeg, 0)

    plsc.subcore_barrier()

    ch = jnp.where(core == 0, ch0, ch1)
    nblk = ch // IB

    def _stage(blk, slot):
        pltpu.sync_copy(src_hbm.at[wid, pl.ds(blk * IB, IB)],
                        idx_src_v.at[slot])
        pltpu.sync_copy(dst_hbm.at[wid, pl.ds(blk * IB, IB)],
                        idx_dst_v.at[slot])

    _stage(0, 0)
    pltpu.async_copy(x_hbm.at[idx_src_v.at[0, 0]], rows_v.at[0], sem.at[0])

    def _chunk(c, carry):
        blk = c // IB
        j = c - blk * IB
        par = lax.rem(blk, 2)
        buf = lax.rem(c, 2)

        @pl.when(jnp.logical_and(j == 0, blk + 1 < nblk))
        def _():
            _stage(blk + 1, lax.rem(blk + 1, 2))

        c1 = c + 1
        blk1 = c1 // IB
        j1 = c1 - blk1 * IB
        par1 = lax.rem(blk1, 2)
        buf1 = lax.rem(c1, 2)

        @pl.when(c1 < ch)
        def _():
            pltpu.async_copy(x_hbm.at[idx_src_v.at[par1, j1]],
                             rows_v.at[buf1], sem.at[buf1])

        pltpu.make_async_copy(x_hbm.at[idx_src_v.at[par, j]],
                              rows_v.at[buf], sem.at[buf]).wait()

        pltpu.sync_copy(rows_v.at[buf], acc_sh.at[idx_dst_v.at[par, j]],
                        add=True)
        if compute_deg:
            for q in range(CHUNK // LANES):
                idx16 = idx_dst_v[par, j, pl.ds(q * LANES, LANES)]
                plsc.addupdate_scatter(deg_v, [idx16], ones16)
        return carry
    lax.fori_loop(0, ch, _chunk, 0)

    plsc.subcore_barrier()

    for k in range(rpt // CHUNK):
        sl = pl.ds(base + k * CHUNK, CHUNK)
        pltpu.sync_copy(acc_sh.at[sl], rows_v.at[k % 2])
        pltpu.sync_copy(rows_v.at[k % 2], part_out.at[core, sl])
    if compute_deg:
        pltpu.sync_copy(deg_v, deg_out.at[wid])


def _make_sc_segsum(n_pad, ch0, ch1, d, compute_deg=False):
    mesh = plsc.VectorSubcoreMesh(core_axis_name="c", subcore_axis_name="s",
                                  num_cores=NC, num_subcores=NS)
    part_t = jax.ShapeDtypeStruct((NC, n_pad, d), jnp.float32)
    scratch = [
        pltpu.VMEM((2, IB, CHUNK), jnp.int32),
        pltpu.VMEM((2, IB, CHUNK), jnp.int32),
        pltpu.VMEM((2, CHUNK, d), jnp.float32),
        pltpu.VMEM_SHARED((n_pad, d), jnp.float32),
    ]
    if compute_deg:
        out_type = (part_t,
                    jax.ShapeDtypeStruct((NC * NS, n_pad), jnp.float32))
        scratch.append(pltpu.VMEM((n_pad,), jnp.float32))
    else:
        out_type = part_t
    scratch.append(pltpu.SemaphoreType.DMA((2,)))
    return pl.kernel(
        functools.partial(_sc_segsum_body, n_pad, ch0, ch1, d, compute_deg),
        out_type=out_type, mesh=mesh, scratch_types=scratch,
        compiler_params=pltpu.CompilerParams(needs_layout_passes=False))


def _tc_layer_body(relu, p_ref, degp_ref, h_ref, wl_ref, b_ref, wr_ref,
                   o_ref):
    deg = jnp.sum(degp_ref[...], axis=0)
    s = p_ref[0] + p_ref[1]
    agg = s / jnp.maximum(deg, 1.0)[:, None]
    acc = lax.dot_general(agg, wl_ref[...], (((1,), (1,)), ((), ())),
                          preferred_element_type=jnp.float32)
    acc = acc + lax.dot_general(h_ref[...], wr_ref[...],
                                (((1,), (1,)), ((), ())),
                                preferred_element_type=jnp.float32)
    acc = acc + b_ref[...]
    o_ref[...] = jnp.maximum(acc, 0.0) if relu else acc


def _tc_layer(p, degp, h, w_l, b, w_r, relu, bn):
    n, d = h.shape
    o = w_l.shape[0]
    return pl.pallas_call(
        functools.partial(_tc_layer_body, relu),
        grid=(n // bn,),
        in_specs=[
            pl.BlockSpec((NC, bn, d), lambda i: (0, i, 0)),
            pl.BlockSpec((NC * NS, bn), lambda i: (0, i)),
            pl.BlockSpec((bn, d), lambda i: (i, 0)),
            pl.BlockSpec((o, d), lambda i: (0, 0)),
            pl.BlockSpec((1, o), lambda i: (0, 0)),
            pl.BlockSpec((o, d), lambda i: (0, 0)),
        ],
        out_specs=pl.BlockSpec((bn, o), lambda i: (i, 0)),
        out_shape=jax.ShapeDtypeStruct((n, o), jnp.float32),
    )(p, degp, h, w_l, b.reshape(1, o), w_r)


CORE0_FRAC = 0.5


def _edge_layout(idx, e, cap, ch0, ch1, fill):
    flat = jnp.concatenate(
        [idx, jnp.full((cap * CHUNK - e,), fill, jnp.int32)]
    ).reshape(cap, CHUNK)
    ch_max = max(ch0, ch1)
    a = jnp.pad(flat[:NS * ch0].reshape(NS, ch0, CHUNK),
                ((0, 0), (0, ch_max - ch0), (0, 0)))
    b = jnp.pad(flat[NS * ch0:].reshape(NS, ch1, CHUNK),
                ((0, 0), (0, ch_max - ch1), (0, 0)))
    return jnp.concatenate([a, b], axis=0)


def kernel(x, edge_index, W_l1, b1, W_r1, W_l2, b2, W_r2):
    n, d = x.shape
    e = edge_index.shape[1]

    rpt = -(-n // NS)
    rpt = -(-rpt // CHUNK) * CHUNK
    n_pad = rpt * NS
    tc_total = -(-e // CHUNK)
    ch0 = max(IB, int(round(tc_total * CORE0_FRAC / NS / IB)) * IB)
    rem = max(0, tc_total - NS * ch0)
    per_tile1 = -(-rem // NS)
    ch1 = max(IB, -(-per_tile1 // IB) * IB)
    cap = NS * (ch0 + ch1)

    src = edge_index[0].astype(jnp.int32)
    dst = edge_index[1].astype(jnp.int32)
    src_r = _edge_layout(src, e, cap, ch0, ch1, 0)
    dst_r = _edge_layout(dst, e, cap, ch0, ch1, n)

    x_p = jnp.pad(x, ((0, n_pad - n), (0, 0)))

    bn = n_pad // 5 if (n_pad // 5) % 128 == 0 else n_pad

    p1, degp = _make_sc_segsum(n_pad, ch0, ch1, d, True)(x_p, src_r, dst_r)
    h = _tc_layer(p1, degp, x_p, W_l1, b1, W_r1, True, bn)
    p2 = _make_sc_segsum(n_pad, ch0, ch1, d)(h, src_r, dst_r)
    out = _tc_layer(p2, degp, h, W_l2, b2, W_r2, False, bn)
    return out[:n]

# --- scband reference (transcript-rebuilt; emitter-appended) ---
"""Pipeline reference for scband-homo-sage-56075093016767 (READ-ONLY COPY).

The authoritative reference and input builder live on the scoring server;
editing this copy changes nothing except your own understanding.
"""

import jax, jax.numpy as jnp
import numpy as np

N = 10000
E = 320000
D = 128
H = 128
O = 128


def setup_inputs(seed: int = 0) -> dict:
    key = jax.random.key(seed)
    ks = jax.random.split(key, 8)
    x = jax.random.normal(ks[0], (N, D), dtype=jnp.float32)
    edge_index = jax.random.randint(ks[1], (2, E), 0, N)
    # SAGEConv layer 1 params: lin_l (neighbor, with bias), lin_r (root, no bias)
    s1 = 1.0 / np.sqrt(D)
    W_l1 = jax.random.uniform(ks[2], (H, D), dtype=jnp.float32, minval=-s1, maxval=s1)
    b1 = jax.random.uniform(ks[3], (H,), dtype=jnp.float32, minval=-s1, maxval=s1)
    W_r1 = jax.random.uniform(ks[4], (H, D), dtype=jnp.float32, minval=-s1, maxval=s1)
    # SAGEConv layer 2 params
    s2 = 1.0 / np.sqrt(H)
    W_l2 = jax.random.uniform(ks[5], (O, H), dtype=jnp.float32, minval=-s2, maxval=s2)
    b2 = jax.random.uniform(ks[6], (O,), dtype=jnp.float32, minval=-s2, maxval=s2)
    W_r2 = jax.random.uniform(ks[7], (O, H), dtype=jnp.float32, minval=-s2, maxval=s2)
    return {"x": x, "edge_index": edge_index, "W_l1": W_l1, "b1": b1, "W_r1": W_r1,
            "W_l2": W_l2, "b2": b2, "W_r2": W_r2}


def _sage_conv(h, edge_index, W_l, b_l, W_r):
    # PyG SAGEConv with aggr='mean': out = lin_l(mean_j(x_j)) + lin_r(x_i)
    src = edge_index[0]
    dst = edge_index[1]
    msgs = jnp.take(h, src, axis=0)                              # gather
    summed = jax.ops.segment_sum(msgs, dst, num_segments=N)       # scatter-add
    deg = jax.ops.segment_sum(jnp.ones((src.shape[0],), h.dtype), dst, num_segments=N)
    agg = summed / jnp.maximum(deg, 1.0)[:, None]
    return agg @ W_l.T + b_l + h @ W_r.T


def reference(x, edge_index, W_l1, b1, W_r1, W_l2, b2, W_r2):
    # layers=2, bn=False, dropout inactive (eval mode)
    h = _sage_conv(x, edge_index, W_l1, b1, W_r1)
    h = jax.nn.relu(h)
    h = _sage_conv(h, edge_index, W_l2, b2, W_r2)
    return h

if __name__ == "__main__":
    import jax
    _d = setup_inputs()
    print(jax.jit(kernel)(*tuple(_d.values())))

</pallas_src>

<mosaic_0001>
#map = affine_map<(d0, d1) -> (0, 0)>
#map1 = affine_map<(d0, d1) -> (0, 0, 0)>
module attributes {stable_mosaic.version = 14 : i64} {
  func.func @_sc_segsum_body(%arg0: i32, %arg1: i32, %arg2: memref<10240x128xf32, #tpu.memory_space<hbm>>, %arg3: memref<32x80x128xi32, #tpu.memory_space<hbm>>, %arg4: memref<32x80x128xi32, #tpu.memory_space<hbm>>, %arg5: memref<2x10240x128xf32, #tpu.memory_space<hbm>>, %arg6: memref<2x8x128xi32, #tpu.memory_space<vmem>>, %arg7: memref<2x8x128xi32, #tpu.memory_space<vmem>>, %arg8: memref<2x128x128xf32, #tpu.memory_space<vmem>>, %arg9: memref<10240x128xf32, #tpu.memory_space<vmem_shared>>, %arg10: memref<2x!tpu.dma_semaphore, #tpu.memory_space<semaphore_mem>>) attributes {dimension_semantics = [#tpu.dimension_semantics<core_parallel>, #tpu.dimension_semantics<subcore_parallel>], iteration_bounds = array<i64: 2, 16>, scalar_prefetch = 0 : i64, scratch_operands = 5 : i64, tpu.core_type = #tpu.core_type<sc_vector_subcore>, window_params = [{transform_indices = #map}, {transform_indices = #map1}, {transform_indices = #map1}, {transform_indices = #map1}]} {
    %mul3A = arith.constant 16 : i32
    %mul3A_0 = arith.muli %arg0, %mul3A : i32
    %add3A = arith.addi %mul3A_0, %arg1 : i32
    %broadcast_in_dim3A = arith.constant 0.000000e+00 : f32
    %broadcast_in_dim3A_1 = vector.broadcast %broadcast_in_dim3A : f32 to vector<16xf32>
    %broadcast_in_dim3A_2 = arith.constant 1.000000e+00 : f32
    %broadcast_in_dim3A_3 = vector.broadcast %broadcast_in_dim3A_2 : f32 to vector<16xf32>
    %scan3A = arith.constant 0 : i32
    %scan3A_4 = arith.constant 0 : i32
    %scan3A_5 = arith.constant 128 : i32
    %scan3A_6 = arith.addi %scan3A_4, %scan3A_5 : i32
    %scan3A_7 = arith.constant 1 : i32
    scf.for %scan3A_92 = %scan3A_4 to %scan3A_6 step %scan3A_7  : i32 {
      %swap3A = arith.constant 0 : i32
      %swap3A_93 = arith.index_cast %swap3A : i32 to index
      %swap3A_94 = arith.index_cast %scan3A_92 : i32 to index
      %swap3A_95 = arith.constant 0 : index
      %swap3A_96 = tpu.vector_load %arg8[%swap3A_93, %swap3A_94, %swap3A_95] {strides = array<i32>} : memref<2x128x128xf32, #tpu.memory_space<vmem>>, vector<16xf32>,
      tpu.vector_store %arg8[%swap3A_93, %swap3A_94, %swap3A_95], %broadcast_in_dim3A_1 {strides = array<i32>} : memref<2x128x128xf32, #tpu.memory_space<vmem>>, vector<16xf32>,
      %swap3A_97 = arith.constant 0 : i32
      %swap3A_98 = arith.index_cast %swap3A_97 : i32 to index
      %swap3A_99 = arith.index_cast %scan3A_92 : i32 to index
      %swap3A_100 = arith.constant 16 : index
      %swap3A_101 = tpu.vector_load %arg8[%swap3A_98, %swap3A_99, %swap3A_100] {strides = array<i32>} : memref<2x128x128xf32, #tpu.memory_space<vmem>>, vector<16xf32>,
      tpu.vector_store %arg8[%swap3A_98, %swap3A_99, %swap3A_100], %broadcast_in_dim3A_1 {strides = array<i32>} : memref<2x128x128xf32, #tpu.memory_space<vmem>>, vector<16xf32>,
      %swap3A_102 = arith.constant 0 : i32
      %swap3A_103 = arith.index_cast %swap3A_102 : i32 to index
      %swap3A_104 = arith.index_cast %scan3A_92 : i32 to index
      %swap3A_105 = arith.constant 32 : index
      %swap3A_106 = tpu.vector_load %arg8[%swap3A_103, %swap3A_104, %swap3A_105] {strides = array<i32>} : memref<2x128x128xf32, #tpu.memory_space<vmem>>, vector<16xf32>,
      tpu.vector_store %arg8[%swap3A_103, %swap3A_104, %swap3A_105], %broadcast_in_dim3A_1 {strides = array<i32>} : memref<2x128x128xf32, #tpu.memory_space<vmem>>, vector<16xf32>,
      %swap3A_107 = arith.constant 0 : i32
      %swap3A_108 = arith.index_cast %swap3A_107 : i32 to index
      %swap3A_109 = arith.index_cast %scan3A_92 : i32 to index
      %swap3A_110 = arith.constant 48 : index
      %swap3A_111 = tpu.vector_load %arg8[%swap3A_108, %swap3A_109, %swap3A_110] {strides = array<i32>} : memref<2x128x128xf32, #tpu.memory_space<vmem>>, vector<16xf32>,
      tpu.vector_store %arg8[%swap3A_108, %swap3A_109, %swap3A_110], %broadcast_in_dim3A_1 {strides = array<i32>} : memref<2x128x128xf32, #tpu.memory_space<vmem>>, vector<16xf32>,
      %swap3A_112 = arith.constant 0 : i32
      %swap3A_113 = arith.index_cast %swap3A_112 : i32 to index
      %swap3A_114 = arith.index_cast %scan3A_92 : i32 to index
      %swap3A_115 = arith.constant 64 : index
      %swap3A_116 = tpu.vector_load %arg8[%swap3A_113, %swap3A_114, %swap3A_115] {strides = array<i32>} : memref<2x128x128xf32, #tpu.memory_space<vmem>>, vector<16xf32>,
      tpu.vector_store %arg8[%swap3A_113, %swap3A_114, %swap3A_115], %broadcast_in_dim3A_1 {strides = array<i32>} : memref<2x128x128xf32, #tpu.memory_space<vmem>>, vector<16xf32>,
      %swap3A_117 = arith.constant 0 : i32
      %swap3A_118 = arith.index_cast %swap3A_117 : i32 to index
      %swap3A_119 = arith.index_cast %scan3A_92 : i32 to index
      %swap3A_120 = arith.constant 80 : index
      %swap3A_121 = tpu.vector_load %arg8[%swap3A_118, %swap3A_119, %swap3A_120] {strides = array<i32>} : memref<2x128x128xf32, #tpu.memory_space<vmem>>, vector<16xf32>,
      tpu.vector_store %arg8[%swap3A_118, %swap3A_119, %swap3A_120], %broadcast_in_dim3A_1 {strides = array<i32>} : memref<2x128x128xf32, #tpu.memory_space<vmem>>, vector<16xf32>,
      %swap3A_122 = arith.constant 0 : i32
      %swap3A_123 = arith.index_cast %swap3A_122 : i32 to index
      %swap3A_124 = arith.index_cast %scan3A_92 : i32 to index
      %swap3A_125 = arith.constant 96 : index
      %swap3A_126 = tpu.vector_load %arg8[%swap3A_123, %swap3A_124, %swap3A_125] {strides = array<i32>} : memref<2x128x128xf32, #tpu.memory_space<vmem>>, vector<16xf32>,
      tpu.vector_store %arg8[%swap3A_123, %swap3A_124, %swap3A_125], %broadcast_in_dim3A_1 {strides = array<i32>} : memref<2x128x128xf32, #tpu.memory_space<vmem>>, vector<16xf32>,
      %swap3A_127 = arith.constant 0 : i32
      %swap3A_128 = arith.index_cast %swap3A_127 : i32 to index
      %swap3A_129 = arith.index_cast %scan3A_92 : i32 to index
      %swap3A_130 = arith.constant 112 : index
      %swap3A_131 = tpu.vector_load %arg8[%swap3A_128, %swap3A_129, %swap3A_130] {strides = array<i32>} : memref<2x128x128xf32, #tpu.memory_space<vmem>>, vector<16xf32>,
      tpu.vector_store %arg8[%swap3A_128, %swap3A_129, %swap3A_130], %broadcast_in_dim3A_1 {strides = array<i32>} : memref<2x128x128xf32, #tpu.memory_space<vmem>>, vector<16xf32>,
    }
    %scan3A_8 = arith.constant 128 : i32
    %mul3A_9 = arith.constant 640 : i32
    %mul3A_10 = arith.muli %arg1, %mul3A_9 : i32
    %add3A_11 = arith.constant 0 : i32
    %add3A_12 = arith.addi %mul3A_10, %add3A_11 : i32
    %run_scoped3A = arith.constant 0 : i32
    "tpu.region"() ({
      %run_scoped3A_92 = tpu.sem_alloc : memref<!tpu.dma_semaphore, #tpu.memory_space<semaphore_mem>>
      %dma_start3A_93 = arith.constant 0 : i32
      %dma_start3A_94 = arith.constant 0 : i32
      %dma_start3A_95 = tpu.memref_slice %arg8[%run_scoped3A, %dma_start3A_93, %dma_start3A_94] : memref<2x128x128xf32, #tpu.memory_space<vmem>> -> memref<1x128x128xf32, #tpu.memory_space<vmem>>
      %dma_start3A_96 = tpu.memref_squeeze %dma_start3A_95 : memref<1x128x128xf32, #tpu.memory_space<vmem>> -> memref<128x128xf32, #tpu.memory_space<vmem>>
      %dma_start3A_97 = arith.constant 0 : i32
      %dma_start3A_98 = tpu.memref_slice %arg9[%add3A_12, %dma_start3A_97] : memref<10240x128xf32, #tpu.memory_space<vmem_shared>> -> memref<128x128xf32, #tpu.memory_space<vmem_shared>>
      %dma_start3A_99 = arith.constant 0 : i32
      %dma_start3A_100 = tpu.memref_slice %arg9[%add3A_12, %dma_start3A_99] : memref<10240x128xf32, #tpu.memory_space<vmem_shared>> -> memref<128x128xf32, #tpu.memory_space<vmem_shared>>
      %dma_start3A_101 = arith.constant 0 : i32
      %dma_start3A_102 = arith.constant 0 : i32
      %dma_start3A_103 = tpu.memref_slice %arg8[%run_scoped3A, %dma_start3A_101, %dma_start3A_102] : memref<2x128x128xf32, #tpu.memory_space<vmem>> -> memref<1x128x128xf32, #tpu.memory_space<vmem>>
      %dma_start3A_104 = tpu.memref_squeeze %dma_start3A_103 : memref<1x128x128xf32, #tpu.memory_space<vmem>> -> memref<128x128xf32, #tpu.memory_space<vmem>>
      tpu.enqueue_dma source(%dma_start3A_104 : memref<128x128xf32, #tpu.memory_space<vmem>>) target(%dma_start3A_100 : memref<128x128xf32, #tpu.memory_space<vmem_shared>>) target_semaphore(%run_scoped3A_92 : memref<!tpu.dma_semaphore, #tpu.memory_space<semaphore_mem>>)
      %dma_wait3A = arith.constant 0 : i32
      %dma_wait3A_105 = arith.constant 0 : i32
      %dma_wait3A_106 = tpu.memref_slice %arg8[%run_scoped3A, %dma_wait3A, %dma_wait3A_105] : memref<2x128x128xf32, #tpu.memory_space<vmem>> -> memref<1x128x128xf32, #tpu.memory_space<vmem>>
      %dma_wait3A_107 = tpu.memref_squeeze %dma_wait3A_106 : memref<1x128x128xf32, #tpu.memory_space<vmem>> -> memref<128x128xf32, #tpu.memory_space<vmem>>
      %dma_wait3A_108 = arith.constant 0 : i32
      %dma_wait3A_109 = tpu.memref_slice %arg9[%add3A_12, %dma_wait3A_108] : memref<10240x128xf32, #tpu.memory_space<vmem_shared>> -> memref<128x128xf32, #tpu.memory_space<vmem_shared>>
      %dma_wait3A_110 = arith.constant 0 : i32
      %dma_wait3A_111 = tpu.memref_slice %arg9[%add3A_12, %dma_wait3A_110] : memref<10240x128xf32, #tpu.memory_space<vmem_shared>> -> memref<128x128xf32, #tpu.memory_space<vmem_shared>>
      %dma_wait3A_112 = arith.constant 0 : i32
      %dma_wait3A_113 = arith.constant 0 : i32
      %dma_wait3A_114 = tpu.memref_slice %arg8[%run_scoped3A, %dma_wait3A_112, %dma_wait3A_113] : memref<2x128x128xf32, #tpu.memory_space<vmem>> -> memref<1x128x128xf32, #tpu.memory_space<vmem>>
      %dma_wait3A_115 = tpu.memref_squeeze %dma_wait3A_114 : memref<1x128x128xf32, #tpu.memory_space<vmem>> -> memref<128x128xf32, #tpu.memory_space<vmem>>
      tpu.wait_dma2 semaphore(%run_scoped3A_92 : memref<!tpu.dma_semaphore, #tpu.memory_space<semaphore_mem>>) src(%dma_wait3A_115 : memref<128x128xf32, #tpu.memory_space<vmem>>) dst(%dma_wait3A_111 : memref<128x128xf32, #tpu.memory_space<vmem_shared>>)
      tpu.yield
    }) : () -> ()
    %add3A_13 = arith.constant 128 : i32
    %add3A_14 = arith.addi %mul3A_10, %add3A_13 : i32
    %run_scoped3A_15 = arith.constant 0 : i32
    "tpu.region"() ({
      %run_scoped3A_92 = tpu.sem_alloc : memref<!tpu.dma_semaphore, #tpu.memory_space<semaphore_mem>>
      %dma_start3A_93 = arith.constant 0 : i32
      %dma_start3A_94 = arith.constant 0 : i32
      %dma_start3A_95 = tpu.memref_slice %arg8[%run_scoped3A_15, %dma_start3A_93, %dma_start3A_94] : memref<2x128x128xf32, #tpu.memory_space<vmem>> -> memref<1x128x128xf32, #tpu.memory_space<vmem>>
      %dma_start3A_96 = tpu.memref_squeeze %dma_start3A_95 : memref<1x128x128xf32, #tpu.memory_space<vmem>> -> memref<128x128xf32, #tpu.memory_space<vmem>>
      %dma_start3A_97 = arith.constant 0 : i32
      %dma_start3A_98 = tpu.memref_slice %arg9[%add3A_14, %dma_start3A_97] : memref<10240x128xf32, #tpu.memory_space<vmem_shared>> -> memref<128x128xf32, #tpu.memory_space<vmem_shared>>
      %dma_start3A_99 = arith.constant 0 : i32
      %dma_start3A_100 = tpu.memref_slice %arg9[%add3A_14, %dma_start3A_99] : memref<10240x128xf32, #tpu.memory_space<vmem_shared>> -> memref<128x128xf32, #tpu.memory_space<vmem_shared>>
      %dma_start3A_101 = arith.constant 0 : i32
      %dma_start3A_102 = arith.constant 0 : i32
      %dma_start3A_103 = tpu.memref_slice %arg8[%run_scoped3A_15, %dma_start3A_101, %dma_start3A_102] : memref<2x128x128xf32, #tpu.memory_space<vmem>> -> memref<1x128x128xf32, #tpu.memory_space<vmem>>
      %dma_start3A_104 = tpu.memref_squeeze %dma_start3A_103 : memref<1x128x128xf32, #tpu.memory_space<vmem>> -> memref<128x128xf32, #tpu.memory_space<vmem>>
      tpu.enqueue_dma source(%dma_start3A_104 : memref<128x128xf32, #tpu.memory_space<vmem>>) target(%dma_start3A_100 : memref<128x128xf32, #tpu.memory_space<vmem_shared>>) target_semaphore(%run_scoped3A_92 : memref<!tpu.dma_semaphore, #tpu.memory_space<semaphore_mem>>)
      %dma_wait3A = arith.constant 0 : i32
      %dma_wait3A_105 = arith.constant 0 : i32
      %dma_wait3A_106 = tpu.memref_slice %arg8[%run_scoped3A_15, %dma_wait3A, %dma_wait3A_105] : memref<2x128x128xf32, #tpu.memory_space<vmem>> -> memref<1x128x128xf32, #tpu.memory_space<vmem>>
      %dma_wait3A_107 = tpu.memref_squeeze %dma_wait3A_106 : memref<1x128x128xf32, #tpu.memory_space<vmem>> -> memref<128x128xf32, #tpu.memory_space<vmem>>
      %dma_wait3A_108 = arith.constant 0 : i32
      %dma_wait3A_109 = tpu.memref_slice %arg9[%add3A_14, %dma_wait3A_108] : memref<10240x128xf32, #tpu.memory_space<vmem_shared>> -> memref<128x128xf32, #tpu.memory_space<vmem_shared>>
      %dma_wait3A_110 = arith.constant 0 : i32
      %dma_wait3A_111 = tpu.memref_slice %arg9[%add3A_14, %dma_wait3A_110] : memref<10240x128xf32, #tpu.memory_space<vmem_shared>> -> memref<128x128xf32, #tpu.memory_space<vmem_shared>>
      %dma_wait3A_112 = arith.constant 0 : i32
      %dma_wait3A_113 = arith.constant 0 : i32
      %dma_wait3A_114 = tpu.memref_slice %arg8[%run_scoped3A_15, %dma_wait3A_112, %dma_wait3A_113] : memref<2x128x128xf32, #tpu.memory_space<vmem>> -> memref<1x128x128xf32, #tpu.memory_space<vmem>>
      %dma_wait3A_115 = tpu.memref_squeeze %dma_wait3A_114 : memref<1x128x128xf32, #tpu.memory_space<vmem>> -> memref<128x128xf32, #tpu.memory_space<vmem>>
      tpu.wait_dma2 semaphore(%run_scoped3A_92 : memref<!tpu.dma_semaphore, #tpu.memory_space<semaphore_mem>>) src(%dma_wait3A_115 : memref<128x128xf32, #tpu.memory_space<vmem>>) dst(%dma_wait3A_111 : memref<128x128xf32, #tpu.memory_space<vmem_shared>>)
      tpu.yield
    }) : () -> ()
    %add3A_16 = arith.constant 256 : i32
    %add3A_17 = arith.addi %mul3A_10, %add3A_16 : i32
    %run_scoped3A_18 = arith.constant 0 : i32
    "tpu.region"() ({
      %run_scoped3A_92 = tpu.sem_alloc : memref<!tpu.dma_semaphore, #tpu.memory_space<semaphore_mem>>
      %dma_start3A_93 = arith.constant 0 : i32
      %dma_start3A_94 = arith.constant 0 : i32
      %dma_start3A_95 = tpu.memref_slice %arg8[%run_scoped3A_18, %dma_start3A_93, %dma_start3A_94] : memref<2x128x128xf32, #tpu.memory_space<vmem>> -> memref<1x128x128xf32, #tpu.memory_space<vmem>>
      %dma_start3A_96 = tpu.memref_squeeze %dma_start3A_95 : memref<1x128x128xf32, #tpu.memory_space<vmem>> -> memref<128x128xf32, #tpu.memory_space<vmem>>
      %dma_start3A_97 = arith.constant 0 : i32
      %dma_start3A_98 = tpu.memref_slice %arg9[%add3A_17, %dma_start3A_97] : memref<10240x128xf32, #tpu.memory_space<vmem_shared>> -> memref<128x128xf32, #tpu.memory_space<vmem_shared>>
      %dma_start3A_99 = arith.constant 0 : i32
      %dma_start3A_100 = tpu.memref_slice %arg9[%add3A_17, %dma_start3A_99] : memref<10240x128xf32, #tpu.memory_space<vmem_shared>> -> memref<128x128xf32, #tpu.memory_space<vmem_shared>>
      %dma_start3A_101 = arith.constant 0 : i32
      %dma_start3A_102 = arith.constant 0 : i32
      %dma_start3A_103 = tpu.memref_slice %arg8[%run_scoped3A_18, %dma_start3A_101, %dma_start3A_102] : memref<2x128x128xf32, #tpu.memory_space<vmem>> -> memref<1x128x128xf32, #tpu.memory_space<vmem>>
      %dma_start3A_104 = tpu.memref_squeeze %dma_start3A_103 : memref<1x128x128xf32, #tpu.memory_space<vmem>> -> memref<128x128xf32, #tpu.memory_space<vmem>>
      tpu.enqueue_dma source(%dma_start3A_104 : memref<128x128xf32, #tpu.memory_space<vmem>>) target(%dma_start3A_100 : memref<128x128xf32, #tpu.memory_space<vmem_shared>>) target_semaphore(%run_scoped3A_92 : memref<!tpu.dma_semaphore, #tpu.memory_space<semaphore_mem>>)
      %dma_wait3A = arith.constant 0 : i32
      %dma_wait3A_105 = arith.constant 0 : i32
      %dma_wait3A_106 = tpu.memref_slice %arg8[%run_scoped3A_18, %dma_wait3A, %dma_wait3A_105] : memref<2x128x128xf32, #tpu.memory_space<vmem>> -> memref<1x128x128xf32, #tpu.memory_space<vmem>>
      %dma_wait3A_107 = tpu.memref_squeeze %dma_wait3A_106 : memref<1x128x128xf32, #tpu.memory_space<vmem>> -> memref<128x128xf32, #tpu.memory_space<vmem>>
      %dma_wait3A_108 = arith.constant 0 : i32
      %dma_wait3A_109 = tpu.memref_slice %arg9[%add3A_17, %dma_wait3A_108] : memref<10240x128xf32, #tpu.memory_space<vmem_shared>> -> memref<128x128xf32, #tpu.memory_space<vmem_shared>>
      %dma_wait3A_110 = arith.constant 0 : i32
      %dma_wait3A_111 = tpu.memref_slice %arg9[%add3A_17, %dma_wait3A_110] : memref<10240x128xf32, #tpu.memory_space<vmem_shared>> -> memref<128x128xf32, #tpu.memory_space<vmem_shared>>
      %dma_wait3A_112 = arith.constant 0 : i32
      %dma_wait3A_113 = arith.constant 0 : i32
      %dma_wait3A_114 = tpu.memref_slice %arg8[%run_scoped3A_18, %dma_wait3A_112, %dma_wait3A_113] : memref<2x128x128xf32, #tpu.memory_space<vmem>> -> memref<1x128x128xf32, #tpu.memory_space<vmem>>
      %dma_wait3A_115 = tpu.memref_squeeze %dma_wait3A_114 : memref<1x128x128xf32, #tpu.memory_space<vmem>> -> memref<128x128xf32, #tpu.memory_space<vmem>>
      tpu.wait_dma2 semaphore(%run_scoped3A_92 : memref<!tpu.dma_semaphore, #tpu.memory_space<semaphore_mem>>) src(%dma_wait3A_115 : memref<128x128xf32, #tpu.memory_space<vmem>>) dst(%dma_wait3A_111 : memref<128x128xf32, #tpu.memory_space<vmem_shared>>)
      tpu.yield
    }) : () -> ()
    %add3A_19 = arith.constant 384 : i32
    %add3A_20 = arith.addi %mul3A_10, %add3A_19 : i32
    %run_scoped3A_21 = arith.constant 0 : i32
    "tpu.region"() ({
      %run_scoped3A_92 = tpu.sem_alloc : memref<!tpu.dma_semaphore, #tpu.memory_space<semaphore_mem>>
      %dma_start3A_93 = arith.constant 0 : i32
      %dma_start3A_94 = arith.constant 0 : i32
      %dma_start3A_95 = tpu.memref_slice %arg8[%run_scoped3A_21, %dma_start3A_93, %dma_start3A_94] : memref<2x128x128xf32, #tpu.memory_space<vmem>> -> memref<1x128x128xf32, #tpu.memory_space<vmem>>
      %dma_start3A_96 = tpu.memref_squeeze %dma_start3A_95 : memref<1x128x128xf32, #tpu.memory_space<vmem>> -> memref<128x128xf32, #tpu.memory_space<vmem>>
      %dma_start3A_97 = arith.constant 0 : i32
      %dma_start3A_98 = tpu.memref_slice %arg9[%add3A_20, %dma_start3A_97] : memref<10240x128xf32, #tpu.memory_space<vmem_shared>> -> memref<128x128xf32, #tpu.memory_space<vmem_shared>>
      %dma_start3A_99 = arith.constant 0 : i32
      %dma_start3A_100 = tpu.memref_slice %arg9[%add3A_20, %dma_start3A_99] : memref<10240x128xf32, #tpu.memory_space<vmem_shared>> -> memref<128x128xf32, #tpu.memory_space<vmem_shared>>
      %dma_start3A_101 = arith.constant 0 : i32
      %dma_start3A_102 = arith.constant 0 : i32
      %dma_start3A_103 = tpu.memref_slice %arg8[%run_scoped3A_21, %dma_start3A_101, %dma_start3A_102] : memref<2x128x128xf32, #tpu.memory_space<vmem>> -> memref<1x128x128xf32, #tpu.memory_space<vmem>>
      %dma_start3A_104 = tpu.memref_squeeze %dma_start3A_103 : memref<1x128x128xf32, #tpu.memory_space<vmem>> -> memref<128x128xf32, #tpu.memory_space<vmem>>
      tpu.enqueue_dma source(%dma_start3A_104 : memref<128x128xf32, #tpu.memory_space<vmem>>) target(%dma_start3A_100 : memref<128x128xf32, #tpu.memory_space<vmem_shared>>) target_semaphore(%run_scoped3A_92 : memref<!tpu.dma_semaphore, #tpu.memory_space<semaphore_mem>>)
      %dma_wait3A = arith.constant 0 : i32
      %dma_wait3A_105 = arith.constant 0 : i32
      %dma_wait3A_106 = tpu.memref_slice %arg8[%run_scoped3A_21, %dma_wait3A, %dma_wait3A_105] : memref<2x128x128xf32, #tpu.memory_space<vmem>> -> memref<1x128x128xf32, #tpu.memory_space<vmem>>
      %dma_wait3A_107 = tpu.memref_squeeze %dma_wait3A_106 : memref<1x128x128xf32, #tpu.memory_space<vmem>> -> memref<128x128xf32, #tpu.memory_space<vmem>>
      %dma_wait3A_108 = arith.constant 0 : i32
      %dma_wait3A_109 = tpu.memref_slice %arg9[%add3A_20, %dma_wait3A_108] : memref<10240x128xf32, #tpu.memory_space<vmem_shared>> -> memref<128x128xf32, #tpu.memory_space<vmem_shared>>
      %dma_wait3A_110 = arith.constant 0 : i32
      %dma_wait3A_111 = tpu.memref_slice %arg9[%add3A_20, %dma_wait3A_110] : memref<10240x128xf32, #tpu.memory_space<vmem_shared>> -> memref<128x128xf32, #tpu.memory_space<vmem_shared>>
      %dma_wait3A_112 = arith.constant 0 : i32
      %dma_wait3A_113 = arith.constant 0 : i32
      %dma_wait3A_114 = tpu.memref_slice %arg8[%run_scoped3A_21, %dma_wait3A_112, %dma_wait3A_113] : memref<2x128x128xf32, #tpu.memory_space<vmem>> -> memref<1x128x128xf32, #tpu.memory_space<vmem>>
      %dma_wait3A_115 = tpu.memref_squeeze %dma_wait3A_114 : memref<1x128x128xf32, #tpu.memory_space<vmem>> -> memref<128x128xf32, #tpu.memory_space<vmem>>
      tpu.wait_dma2 semaphore(%run_scoped3A_92 : memref<!tpu.dma_semaphore, #tpu.memory_space<semaphore_mem>>) src(%dma_wait3A_115 : memref<128x128xf32, #tpu.memory_space<vmem>>) dst(%dma_wait3A_111 : memref<128x128xf32, #tpu.memory_space<vmem_shared>>)
      tpu.yield
    }) : () -> ()
    %add3A_22 = arith.constant 512 : i32
    %add3A_23 = arith.addi %mul3A_10, %add3A_22 : i32
    %run_scoped3A_24 = arith.constant 0 : i32
    "tpu.region"() ({
      %run_scoped3A_92 = tpu.sem_alloc : memref<!tpu.dma_semaphore, #tpu.memory_space<semaphore_mem>>
      %dma_start3A_93 = arith.constant 0 : i32
      %dma_start3A_94 = arith.constant 0 : i32
      %dma_start3A_95 = tpu.memref_slice %arg8[%run_scoped3A_24, %dma_start3A_93, %dma_start3A_94] : memref<2x128x128xf32, #tpu.memory_space<vmem>> -> memref<1x128x128xf32, #tpu.memory_space<vmem>>
      %dma_start3A_96 = tpu.memref_squeeze %dma_start3A_95 : memref<1x128x128xf32, #tpu.memory_space<vmem>> -> memref<128x128xf32, #tpu.memory_space<vmem>>
      %dma_start3A_97 = arith.constant 0 : i32
      %dma_start3A_98 = tpu.memref_slice %arg9[%add3A_23, %dma_start3A_97] : memref<10240x128xf32, #tpu.memory_space<vmem_shared>> -> memref<128x128xf32, #tpu.memory_space<vmem_shared>>
      %dma_start3A_99 = arith.constant 0 : i32
      %dma_start3A_100 = tpu.memref_slice %arg9[%add3A_23, %dma_start3A_99] : memref<10240x128xf32, #tpu.memory_space<vmem_shared>> -> memref<128x128xf32, #tpu.memory_space<vmem_shared>>
      %dma_start3A_101 = arith.constant 0 : i32
      %dma_start3A_102 = arith.constant 0 : i32
      %dma_start3A_103 = tpu.memref_slice %arg8[%run_scoped3A_24, %dma_start3A_101, %dma_start3A_102] : memref<2x128x128xf32, #tpu.memory_space<vmem>> -> memref<1x128x128xf32, #tpu.memory_space<vmem>>
      %dma_start3A_104 = tpu.memref_squeeze %dma_start3A_103 : memref<1x128x128xf32, #tpu.memory_space<vmem>> -> memref<128x128xf32, #tpu.memory_space<vmem>>
      tpu.enqueue_dma source(%dma_start3A_104 : memref<128x128xf32, #tpu.memory_space<vmem>>) target(%dma_start3A_100 : memref<128x128xf32, #tpu.memory_space<vmem_shared>>) target_semaphore(%run_scoped3A_92 : memref<!tpu.dma_semaphore, #tpu.memory_space<semaphore_mem>>)
      %dma_wait3A = arith.constant 0 : i32
      %dma_wait3A_105 = arith.constant 0 : i32
      %dma_wait3A_106 = tpu.memref_slice %arg8[%run_scoped3A_24, %dma_wait3A, %dma_wait3A_105] : memref<2x128x128xf32, #tpu.memory_space<vmem>> -> memref<1x128x128xf32, #tpu.memory_space<vmem>>
      %dma_wait3A_107 = tpu.memref_squeeze %dma_wait3A_106 : memref<1x128x128xf32, #tpu.memory_space<vmem>> -> memref<128x128xf32, #tpu.memory_space<vmem>>
      %dma_wait3A_108 = arith.constant 0 : i32
      %dma_wait3A_109 = tpu.memref_slice %arg9[%add3A_23, %dma_wait3A_108] : memref<10240x128xf32, #tpu.memory_space<vmem_shared>> -> memref<128x128xf32, #tpu.memory_space<vmem_shared>>
      %dma_wait3A_110 = arith.constant 0 : i32
      %dma_wait3A_111 = tpu.memref_slice %arg9[%add3A_23, %dma_wait3A_110] : memref<10240x128xf32, #tpu.memory_space<vmem_shared>> -> memref<128x128xf32, #tpu.memory_space<vmem_shared>>
      %dma_wait3A_112 = arith.constant 0 : i32
      %dma_wait3A_113 = arith.constant 0 : i32
      %dma_wait3A_114 = tpu.memref_slice %arg8[%run_scoped3A_24, %dma_wait3A_112, %dma_wait3A_113] : memref<2x128x128xf32, #tpu.memory_space<vmem>> -> memref<1x128x128xf32, #tpu.memory_space<vmem>>
      %dma_wait3A_115 = tpu.memref_squeeze %dma_wait3A_114 : memref<1x128x128xf32, #tpu.memory_space<vmem>> -> memref<128x128xf32, #tpu.memory_space<vmem>>
      tpu.wait_dma2 semaphore(%run_scoped3A_92 : memref<!tpu.dma_semaphore, #tpu.memory_space<semaphore_mem>>) src(%dma_wait3A_115 : memref<128x128xf32, #tpu.memory_space<vmem>>) dst(%dma_wait3A_111 : memref<128x128xf32, #tpu.memory_space<vmem_shared>>)
      tpu.yield
    }) : () -> ()
    %barrier3A = arith.constant 0 : index
    tpu.barrier barrier_id(%barrier3A)
    %eq3A = arith.constant 0 : i32
    %eq3A_25 = arith.cmpi eq, %arg0, %eq3A : i32
    %jit3A = arith.constant 80 : i32
    %jit3A_26 = arith.constant 80 : i32
    %select_n3A = arith.select %eq3A_25, %jit3A, %jit3A_26 : i32
    %jit3A_27 = arith.constant 8 : i32
    %div3A = arith.divsi %select_n3A, %jit3A_27 : i32
    %sign3A = arith.constant 0 : i32
    %sign3A_28 = arith.cmpi sgt, %select_n3A, %sign3A : i32
    %sign3A_29 = arith.extui %sign3A_28 : i1 to i32
    %sign3A_30 = arith.constant 0 : i32
    %sign3A_31 = arith.cmpi slt, %select_n3A, %sign3A_30 : i32
    %sign3A_32 = arith.extui %sign3A_31 : i1 to i32
    %sign3A_33 = arith.subi %sign3A_29, %sign3A_32 : i32
    %sign3A_34 = arith.constant 0 : i32
    %sign3A_35 = arith.cmpi sgt, %jit3A_27, %sign3A_34 : i32
    %sign3A_36 = arith.extui %sign3A_35 : i1 to i32
    %sign3A_37 = arith.constant 0 : i32
    %sign3A_38 = arith.cmpi slt, %jit3A_27, %sign3A_37 : i32
    %sign3A_39 = arith.extui %sign3A_38 : i1 to i32
    %sign3A_40 = arith.subi %sign3A_36, %sign3A_39 : i32
    %ne3A = arith.cmpi ne, %sign3A_33, %sign3A_40 : i32
    %rem3A = arith.remsi %select_n3A, %jit3A_27 : i32
    %ne3A_41 = arith.constant 0 : i32
    %ne3A_42 = arith.cmpi ne, %rem3A, %ne3A_41 : i32
    %and3A = arith.andi %ne3A, %ne3A_42 : i1
    %sub3A = arith.constant 1 : i32
    %sub3A_43 = arith.subi %div3A, %sub3A : i32
    %select_n3A_44 = arith.select %and3A, %sub3A_43, %div3A : i32
    %run_scoped3A_45 = arith.constant 0 : i32
    "tpu.region"() ({
      %run_scoped3A_92 = tpu.sem_alloc : memref<!tpu.dma_semaphore, #tpu.memory_space<semaphore_mem>>
      %dma_start3A_93 = arith.constant 0 : i32
      %dma_start3A_94 = arith.constant 0 : i32
      %dma_start3A_95 = tpu.memref_slice %arg6[%run_scoped3A_45, %dma_start3A_93, %dma_start3A_94] : memref<2x8x128xi32, #tpu.memory_space<vmem>> -> memref<1x8x128xi32, #tpu.memory_space<vmem>>
      %dma_start3A_96 = tpu.memref_squeeze %dma_start3A_95 : memref<1x8x128xi32, #tpu.memory_space<vmem>> -> memref<8x128xi32, #tpu.memory_space<vmem>>
      %dma_start3A_97 = arith.constant 0 : i32
      %dma_start3A_98 = arith.constant 0 : i32
      %dma_start3A_99 = tpu.memref_slice %arg3[%add3A, %dma_start3A_97, %dma_start3A_98] : memref<32x80x128xi32, #tpu.memory_space<hbm>> -> memref<1x8x128xi32, #tpu.memory_space<hbm>>
      %dma_start3A_100 = tpu.memref_squeeze %dma_start3A_99 : memref<1x8x128xi32, #tpu.memory_space<hbm>> -> memref<8x128xi32, #tpu.memory_space<hbm>>
      %dma_start3A_101 = arith.constant 0 : i32
      %dma_start3A_102 = arith.constant 0 : i32
      %dma_start3A_103 = tpu.memref_slice %arg6[%run_scoped3A_45, %dma_start3A_101, %dma_start3A_102] : memref<2x8x128xi32, #tpu.memory_space<vmem>> -> memref<1x8x128xi32, #tpu.memory_space<vmem>>
      %dma_start3A_104 = tpu.memref_squeeze %dma_start3A_103 : memref<1x8x128xi32, #tpu.memory_space<vmem>> -> memref<8x128xi32, #tpu.memory_space<vmem>>
      %dma_start3A_105 = arith.constant 0 : i32
      %dma_start3A_106 = arith.constant 0 : i32
      %dma_start3A_107 = tpu.memref_slice %arg3[%add3A, %dma_start3A_105, %dma_start3A_106] : memref<32x80x128xi32, #tpu.memory_space<hbm>> -> memref<1x8x128xi32, #tpu.memory_space<hbm>>
      %dma_start3A_108 = tpu.memref_squeeze %dma_start3A_107 : memref<1x8x128xi32, #tpu.memory_space<hbm>> -> memref<8x128xi32, #tpu.memory_space<hbm>>
      tpu.enqueue_dma source(%dma_start3A_108 : memref<8x128xi32, #tpu.memory_space<hbm>>) target(%dma_start3A_104 : memref<8x128xi32, #tpu.memory_space<vmem>>) target_semaphore(%run_scoped3A_92 : memref<!tpu.dma_semaphore, #tpu.memory_space<semaphore_mem>>)
      %dma_wait3A = arith.constant 0 : i32
      %dma_wait3A_109 = arith.constant 0 : i32
      %dma_wait3A_110 = tpu.memref_slice %arg6[%run_scoped3A_45, %dma_wait3A, %dma_wait3A_109] : memref<2x8x128xi32, #tpu.memory_space<vmem>> -> memref<1x8x128xi32, #tpu.memory_space<vmem>>
      %dma_wait3A_111 = tpu.memref_squeeze %dma_wait3A_110 : memref<1x8x128xi32, #tpu.memory_space<vmem>> -> memref<8x128xi32, #tpu.memory_space<vmem>>
      %dma_wait3A_112 = arith.constant 0 : i32
      %dma_wait3A_113 = arith.constant 0 : i32
      %dma_wait3A_114 = tpu.memref_slice %arg3[%add3A, %dma_wait3A_112, %dma_wait3A_113] : memref<32x80x128xi32, #tpu.memory_space<hbm>> -> memref<1x8x128xi32, #tpu.memory_space<hbm>>
      %dma_wait3A_115 = tpu.memref_squeeze %dma_wait3A_114 : memref<1x8x128xi32, #tpu.memory_space<hbm>> -> memref<8x128xi32, #tpu.memory_space<hbm>>
      %dma_wait3A_116 = arith.constant 0 : i32
      %dma_wait3A_117 = arith.constant 0 : i32
      %dma_wait3A_118 = tpu.memref_slice %arg6[%run_scoped3A_45, %dma_wait3A_116, %dma_wait3A_117] : memref<2x8x128xi32, #tpu.memory_space<vmem>> -> memref<1x8x128xi32, #tpu.memory_space<vmem>>
      %dma_wait3A_119 = tpu.memref_squeeze %dma_wait3A_118 : memref<1x8x128xi32, #tpu.memory_space<vmem>> -> memref<8x128xi32, #tpu.memory_space<vmem>>
      %dma_wait3A_120 = arith.constant 0 : i32
      %dma_wait3A_121 = arith.constant 0 : i32
      %dma_wait3A_122 = tpu.memref_slice %arg3[%add3A, %dma_wait3A_120, %dma_wait3A_121] : memref<32x80x128xi32, #tpu.memory_space<hbm>> -> memref<1x8x128xi32, #tpu.memory_space<hbm>>
      %dma_wait3A_123 = tpu.memref_squeeze %dma_wait3A_122 : memref<1x8x128xi32, #tpu.memory_space<hbm>> -> memref<8x128xi32, #tpu.memory_space<hbm>>
      tpu.wait_dma2 semaphore(%run_scoped3A_92 : memref<!tpu.dma_semaphore, #tpu.memory_space<semaphore_mem>>) src(%dma_wait3A_123 : memref<8x128xi32, #tpu.memory_space<hbm>>) dst(%dma_wait3A_119 : memref<8x128xi32, #tpu.memory_space<vmem>>)
      tpu.yield
    }) : () -> ()
    %run_scoped3A_46 = arith.constant 0 : i32
    "tpu.region"() ({
      %run_scoped3A_92 = tpu.sem_alloc : memref<!tpu.dma_semaphore, #tpu.memory_space<semaphore_mem>>
      %dma_start3A_93 = arith.constant 0 : i32
      %dma_start3A_94 = arith.constant 0 : i32
      %dma_start3A_95 = tpu.memref_slice %arg7[%run_scoped3A_46, %dma_start3A_93, %dma_start3A_94] : memref<2x8x128xi32, #tpu.memory_space<vmem>> -> memref<1x8x128xi32, #tpu.memory_space<vmem>>
      %dma_start3A_96 = tpu.memref_squeeze %dma_start3A_95 : memref<1x8x128xi32, #tpu.memory_space<vmem>> -> memref<8x128xi32, #tpu.memory_space<vmem>>
      %dma_start3A_97 = arith.constant 0 : i32
      %dma_start3A_98 = arith.constant 0 : i32
      %dma_start3A_99 = tpu.memref_slice %arg4[%add3A, %dma_start3A_97, %dma_start3A_98] : memref<32x80x128xi32, #tpu.memory_space<hbm>> -> memref<1x8x128xi32, #tpu.memory_space<hbm>>
      %dma_start3A_100 = tpu.memref_squeeze %dma_start3A_99 : memref<1x8x128xi32, #tpu.memory_space<hbm>> -> memref<8x128xi32, #tpu.memory_space<hbm>>
      %dma_start3A_101 = arith.constant 0 : i32
      %dma_start3A_102 = arith.constant 0 : i32
      %dma_start3A_103 = tpu.memref_slice %arg7[%run_scoped3A_46, %dma_start3A_101, %dma_start3A_102] : memref<2x8x128xi32, #tpu.memory_space<vmem>> -> memref<1x8x128xi32, #tpu.memory_space<vmem>>
      %dma_start3A_104 = tpu.memref_squeeze %dma_start3A_103 : memref<1x8x128xi32, #tpu.memory_space<vmem>> -> memref<8x128xi32, #tpu.memory_space<vmem>>
      %dma_start3A_105 = arith.constant 0 : i32
      %dma_start3A_106 = arith.constant 0 : i32
      %dma_start3A_107 = tpu.memref_slice %arg4[%add3A, %dma_start3A_105, %dma_start3A_106] : memref<32x80x128xi32, #tpu.memory_space<hbm>> -> memref<1x8x128xi32, #tpu.memory_space<hbm>>
      %dma_start3A_108 = tpu.memref_squeeze %dma_start3A_107 : memref<1x8x128xi32, #tpu.memory_space<hbm>> -> memref<8x128xi32, #tpu.memory_space<hbm>>
      tpu.enqueue_dma source(%dma_start3A_108 : memref<8x128xi32, #tpu.memory_space<hbm>>) target(%dma_start3A_104 : memref<8x128xi32, #tpu.memory_space<vmem>>) target_semaphore(%run_scoped3A_92 : memref<!tpu.dma_semaphore, #tpu.memory_space<semaphore_mem>>)
      %dma_wait3A = arith.constant 0 : i32
      %dma_wait3A_109 = arith.constant 0 : i32
      %dma_wait3A_110 = tpu.memref_slice %arg7[%run_scoped3A_46, %dma_wait3A, %dma_wait3A_109] : memref<2x8x128xi32, #tpu.memory_space<vmem>> -> memref<1x8x128xi32, #tpu.memory_space<vmem>>
      %dma_wait3A_111 = tpu.memref_squeeze %dma_wait3A_110 : memref<1x8x128xi32, #tpu.memory_space<vmem>> -> memref<8x128xi32, #tpu.memory_space<vmem>>
      %dma_wait3A_112 = arith.constant 0 : i32
      %dma_wait3A_113 = arith.constant 0 : i32
      %dma_wait3A_114 = tpu.memref_slice %arg4[%add3A, %dma_wait3A_112, %dma_wait3A_113] : memref<32x80x128xi32, #tpu.memory_space<hbm>> -> memref<1x8x128xi32, #tpu.memory_space<hbm>>
      %dma_wait3A_115 = tpu.memref_squeeze %dma_wait3A_114 : memref<1x8x128xi32, #tpu.memory_space<hbm>> -> memref<8x128xi32, #tpu.memory_space<hbm>>
      %dma_wait3A_116 = arith.constant 0 : i32
      %dma_wait3A_117 = arith.constant 0 : i32
      %dma_wait3A_118 = tpu.memref_slice %arg7[%run_scoped3A_46, %dma_wait3A_116, %dma_wait3A_117] : memref<2x8x128xi32, #tpu.memory_space<vmem>> -> memref<1x8x128xi32, #tpu.memory_space<vmem>>
      %dma_wait3A_119 = tpu.memref_squeeze %dma_wait3A_118 : memref<1x8x128xi32, #tpu.memory_space<vmem>> -> memref<8x128xi32, #tpu.memory_space<vmem>>
      %dma_wait3A_120 = arith.constant 0 : i32
      %dma_wait3A_121 = arith.constant 0 : i32
      %dma_wait3A_122 = tpu.memref_slice %arg4[%add3A, %dma_wait3A_120, %dma_wait3A_121] : memref<32x80x128xi32, #tpu.memory_space<hbm>> -> memref<1x8x128xi32, #tpu.memory_space<hbm>>
      %dma_wait3A_123 = tpu.memref_squeeze %dma_wait3A_122 : memref<1x8x128xi32, #tpu.memory_space<hbm>> -> memref<8x128xi32, #tpu.memory_space<hbm>>
      tpu.wait_dma2 semaphore(%run_scoped3A_92 : memref<!tpu.dma_semaphore, #tpu.memory_space<semaphore_mem>>) src(%dma_wait3A_123 : memref<8x128xi32, #tpu.memory_space<hbm>>) dst(%dma_wait3A_119 : memref<8x128xi32, #tpu.memory_space<vmem>>)
      tpu.yield
    }) : () -> ()
    %dma_start3A = arith.constant 0 : i32
    %dma_start3A_47 = arith.constant 0 : i32
    %dma_start3A_48 = arith.constant 0 : i32
    %dma_start3A_49 = arith.constant 0 : i32
    %dma_start3A_50 = arith.constant 0 : i32
    %dma_start3A_51 = arith.constant 0 : i32
    %dma_start3A_52 = tpu.memref_slice %arg8[%dma_start3A_48, %dma_start3A_50, %dma_start3A_51] : memref<2x128x128xf32, #tpu.memory_space<vmem>> -> memref<1x128x128xf32, #tpu.memory_space<vmem>>
    %dma_start3A_53 = tpu.memref_squeeze %dma_start3A_52 : memref<1x128x128xf32, #tpu.memory_space<vmem>> -> memref<128x128xf32, #tpu.memory_space<vmem>>
    %dma_start3A_54 = arith.constant 0 : i32
    %dma_start3A_55 = tpu.memref_slice %arg6[%dma_start3A, %dma_start3A_47, %dma_start3A_54] : memref<2x8x128xi32, #tpu.memory_space<vmem>> -> memref<1x1x128xi32, #tpu.memory_space<vmem>>
    %dma_start3A_56 = tpu.memref_squeeze %dma_start3A_55 : memref<1x1x128xi32, #tpu.memory_space<vmem>> -> memref<128xi32, #tpu.memory_space<vmem>>
    %dma_start3A_57 = arith.constant 0 : i32
    %dma_start3A_58 = arith.constant 0 : i32
    %dma_start3A_59 = tpu.memref_slice %arg2[%dma_start3A_57, %dma_start3A_58] : memref<10240x128xf32, #tpu.memory_space<hbm>> -> memref<10240x128xf32, #tpu.memory_space<hbm>>
    %dma_start3A_60 = tpu.memref_slice %arg10[%dma_start3A_49] : memref<2x!tpu.dma_semaphore, #tpu.memory_space<semaphore_mem>> -> memref<1x!tpu.dma_semaphore, #tpu.memory_space<semaphore_mem>>
    %dma_start3A_61 = tpu.memref_squeeze %dma_start3A_60 : memref<1x!tpu.dma_semaphore, #tpu.memory_space<semaphore_mem>> -> memref<!tpu.dma_semaphore, #tpu.memory_space<semaphore_mem>>
    tpu.enqueue_indirect_dma source(%dma_start3A_59 : memref<10240x128xf32, #tpu.memory_space<hbm>>) target(%dma_start3A_53 : memref<128x128xf32, #tpu.memory_space<vmem>>) offsets(%dma_start3A_56 : memref<128xi32, #tpu.memory_space<vmem>>) semaphore(%dma_start3A_61 : memref<!tpu.dma_semaphore, #tpu.memory_space<semaphore_mem>>)
    %while3A = arith.constant 0 : i32
    %while3A_62 = arith.constant 0 : i32
    %while3A_63 = arith.subi %select_n3A, %while3A_62 : i32
    %while3A_64 = arith.addi %while3A_62, %while3A_63 : i32
    %while3A_65 = arith.constant 1 : i32
    %while3A_66 = arith.divsi %while3A_63, %while3A_65 : i32
    %while3A_67 = arith.muli %while3A_66, %while3A_65 : i32
    %while3A_68 = arith.addi %while3A_62, %while3A_67 : i32
    %while3A_69 = arith.constant 1 : i32
    scf.for %while3A_92 = %while3A_62 to %while3A_68 step %while3A_69  : i32 {
      %jit3A_93 = arith.constant 8 : i32
      %div3A_94 = arith.divsi %while3A_92, %jit3A_93 : i32
      %sign3A_95 = arith.constant 0 : i32
      %sign3A_96 = arith.cmpi sgt, %while3A_92, %sign3A_95 : i32
      %sign3A_97 = arith.extui %sign3A_96 : i1 to i32
      %sign3A_98 = arith.constant 0 : i32
      %sign3A_99 = arith.cmpi slt, %while3A_92, %sign3A_98 : i32
      %sign3A_100 = arith.extui %sign3A_99 : i1 to i32
      %sign3A_101 = arith.subi %sign3A_97, %sign3A_100 : i32
      %sign3A_102 = arith.constant 0 : i32
      %sign3A_103 = arith.cmpi sgt, %jit3A_93, %sign3A_102 : i32
      %sign3A_104 = arith.extui %sign3A_103 : i1 to i32
      %sign3A_105 = arith.constant 0 : i32
      %sign3A_106 = arith.cmpi slt, %jit3A_93, %sign3A_105 : i32
      %sign3A_107 = arith.extui %sign3A_106 : i1 to i32
      %sign3A_108 = arith.subi %sign3A_104, %sign3A_107 : i32
      %ne3A_109 = arith.cmpi ne, %sign3A_101, %sign3A_108 : i32
      %rem3A_110 = arith.remsi %while3A_92, %jit3A_93 : i32
      %ne3A_111 = arith.constant 0 : i32
      %ne3A_112 = arith.cmpi ne, %rem3A_110, %ne3A_111 : i32
      %and3A_113 = arith.andi %ne3A_109, %ne3A_112 : i1
      %sub3A_114 = arith.constant 1 : i32
      %sub3A_115 = arith.subi %div3A_94, %sub3A_114 : i32
      %select_n3A_116 = arith.select %and3A_113, %sub3A_115, %div3A_94 : i32
      %mul3A_117 = arith.constant 8 : i32
      %mul3A_118 = arith.muli %select_n3A_116, %mul3A_117 : i32
      %sub3A_119 = arith.subi %while3A_92, %mul3A_118 : i32
      %rem3A_120 = arith.constant 2 : i32
      %rem3A_121 = arith.remsi %select_n3A_116, %rem3A_120 : i32
      %rem3A_122 = arith.constant 2 : i32
      %rem3A_123 = arith.remsi %while3A_92, %rem3A_122 : i32
      %eq3A_124 = arith.constant 0 : i32
      %eq3A_125 = arith.cmpi eq, %sub3A_119, %eq3A_124 : i32
      %add3A_126 = arith.constant 1 : i32
      %add3A_127 = arith.addi %select_n3A_116, %add3A_126 : i32
      %lt3A = arith.cmpi slt, %add3A_127, %select_n3A_44 : i32
      %and3A_128 = arith.andi %eq3A_125, %lt3A : i1
      %convert_element_type3A = arith.extui %and3A_128 : i1 to i32
      %cond3A = arith.constant 0 : i32
      %cond3A_129 = arith.cmpi ne, %convert_element_type3A, %cond3A : i32
      scf.if %cond3A_129 {
        %add3A_178 = arith.constant 1 : i32
        %add3A_179 = arith.addi %select_n3A_116, %add3A_178 : i32
        %add3A_180 = arith.constant 1 : i32
        %add3A_181 = arith.addi %select_n3A_116, %add3A_180 : i32
        %rem3A_182 = arith.constant 2 : i32
        %rem3A_183 = arith.remsi %add3A_181, %rem3A_182 : i32
        %mul3A_184 = arith.constant 8 : i32
        %mul3A_185 = arith.muli %add3A_179, %mul3A_184 : i32
        "tpu.region"() ({
          %run_scoped3A_188 = tpu.sem_alloc : memref<!tpu.dma_semaphore, #tpu.memory_space<semaphore_mem>>
          %dma_start3A_189 = arith.constant 0 : i32
          %dma_start3A_190 = arith.constant 0 : i32
          %dma_start3A_191 = tpu.memref_slice %arg6[%rem3A_183, %dma_start3A_189, %dma_start3A_190] : memref<2x8x128xi32, #tpu.memory_space<vmem>> -> memref<1x8x128xi32, #tpu.memory_space<vmem>>
          %dma_start3A_192 = tpu.memref_squeeze %dma_start3A_191 : memref<1x8x128xi32, #tpu.memory_space<vmem>> -> memref<8x128xi32, #tpu.memory_space<vmem>>
          %dma_start3A_193 = arith.constant 0 : i32
          %dma_start3A_194 = tpu.memref_slice %arg3[%add3A, %mul3A_185, %dma_start3A_193] : memref<32x80x128xi32, #tpu.memory_space<hbm>> -> memref<1x8x128xi32, #tpu.memory_space<hbm>>
          %dma_start3A_195 = tpu.memref_squeeze %dma_start3A_194 : memref<1x8x128xi32, #tpu.memory_space<hbm>> -> memref<8x128xi32, #tpu.memory_space<hbm>>
          %dma_start3A_196 = arith.constant 0 : i32
          %dma_start3A_197 = arith.constant 0 : i32
          %dma_start3A_198 = tpu.memref_slice %arg6[%rem3A_183, %dma_start3A_196, %dma_start3A_197] : memref<2x8x128xi32, #tpu.memory_space<vmem>> -> memref<1x8x128xi32, #tpu.memory_space<vmem>>
          %dma_start3A_199 = tpu.memref_squeeze %dma_start3A_198 : memref<1x8x128xi32, #tpu.memory_space<vmem>> -> memref<8x128xi32, #tpu.memory_space<vmem>>
          %dma_start3A_200 = arith.constant 0 : i32
          %dma_start3A_201 = tpu.memref_slice %arg3[%add3A, %mul3A_185, %dma_start3A_200] : memref<32x80x128xi32, #tpu.memory_space<hbm>> -> memref<1x8x128xi32, #tpu.memory_space<hbm>>
          %dma_start3A_202 = tpu.memref_squeeze %dma_start3A_201 : memref<1x8x128xi32, #tpu.memory_space<hbm>> -> memref<8x128xi32, #tpu.memory_space<hbm>>
          tpu.enqueue_dma source(%dma_start3A_202 : memref<8x128xi32, #tpu.memory_space<hbm>>) target(%dma_start3A_199 : memref<8x128xi32, #tpu.memory_space<vmem>>) target_semaphore(%run_scoped3A_188 : memref<!tpu.dma_semaphore, #tpu.memory_space<semaphore_mem>>)
          %dma_wait3A_203 = arith.constant 0 : i32
          %dma_wait3A_204 = arith.constant 0 : i32
          %dma_wait3A_205 = tpu.memref_slice %arg6[%rem3A_183, %dma_wait3A_203, %dma_wait3A_204] : memref<2x8x128xi32, #tpu.memory_space<vmem>> -> memref<1x8x128xi32, #tpu.memory_space<vmem>>
          %dma_wait3A_206 = tpu.memref_squeeze %dma_wait3A_205 : memref<1x8x128xi32, #tpu.memory_space<vmem>> -> memref<8x128xi32, #tpu.memory_space<vmem>>
          %dma_wait3A_207 = arith.constant 0 : i32
          %dma_wait3A_208 = tpu.memref_slice %arg3[%add3A, %mul3A_185, %dma_wait3A_207] : memref<32x80x128xi32, #tpu.memory_space<hbm>> -> memref<1x8x128xi32, #tpu.memory_space<hbm>>
          %dma_wait3A_209 = tpu.memref_squeeze %dma_wait3A_208 : memref<1x8x128xi32, #tpu.memory_space<hbm>> -> memref<8x128xi32, #tpu.memory_space<hbm>>
          %dma_wait3A_210 = arith.constant 0 : i32
          %dma_wait3A_211 = arith.constant 0 : i32
          %dma_wait3A_212 = tpu.memref_slice %arg6[%rem3A_183, %dma_wait3A_210, %dma_wait3A_211] : memref<2x8x128xi32, #tpu.memory_space<vmem>> -> memref<1x8x128xi32, #tpu.memory_space<vmem>>
          %dma_wait3A_213 = tpu.memref_squeeze %dma_wait3A_212 : memref<1x8x128xi32, #tpu.memory_space<vmem>> -> memref<8x128xi32, #tpu.memory_space<vmem>>
          %dma_wait3A_214 = arith.constant 0 : i32
          %dma_wait3A_215 = tpu.memref_slice %arg3[%add3A, %mul3A_185, %dma_wait3A_214] : memref<32x80x128xi32, #tpu.memory_space<hbm>> -> memref<1x8x128xi32, #tpu.memory_space<hbm>>
          %dma_wait3A_216 = tpu.memref_squeeze %dma_wait3A_215 : memref<1x8x128xi32, #tpu.memory_space<hbm>> -> memref<8x128xi32, #tpu.memory_space<hbm>>
          tpu.wait_dma2 semaphore(%run_scoped3A_188 : memref<!tpu.dma_semaphore, #tpu.memory_space<semaphore_mem>>) src(%dma_wait3A_216 : memref<8x128xi32, #tpu.memory_space<hbm>>) dst(%dma_wait3A_213 : memref<8x128xi32, #tpu.memory_space<vmem>>)
          tpu.yield
        }) : () -> ()
        %mul3A_186 = arith.constant 8 : i32
        %mul3A_187 = arith.muli %add3A_179, %mul3A_186 : i32
        "tpu.region"() ({
          %run_scoped3A_188 = tpu.sem_alloc : memref<!tpu.dma_semaphore, #tpu.memory_space<semaphore_mem>>
          %dma_start3A_189 = arith.constant 0 : i32
          %dma_start3A_190 = arith.constant 0 : i32
          %dma_start3A_191 = tpu.memref_slice %arg7[%rem3A_183, %dma_start3A_189, %dma_start3A_190] : memref<2x8x128xi32, #tpu.memory_space<vmem>> -> memref<1x8x128xi32, #tpu.memory_space<vmem>>
          %dma_start3A_192 = tpu.memref_squeeze %dma_start3A_191 : memref<1x8x128xi32, #tpu.memory_space<vmem>> -> memref<8x128xi32, #tpu.memory_space<vmem>>
          %dma_start3A_193 = arith.constant 0 : i32
          %dma_start3A_194 = tpu.memref_slice %arg4[%add3A, %mul3A_187, %dma_start3A_193] : memref<32x80x128xi32, #tpu.memory_space<hbm>> -> memref<1x8x128xi32, #tpu.memory_space<hbm>>
          %dma_start3A_195 = tpu.memref_squeeze %dma_start3A_194 : memref<1x8x128xi32, #tpu.memory_space<hbm>> -> memref<8x128xi32, #tpu.memory_space<hbm>>
          %dma_start3A_196 = arith.constant 0 : i32
          %dma_start3A_197 = arith.constant 0 : i32
          %dma_start3A_198 = tpu.memref_slice %arg7[%rem3A_183, %dma_start3A_196, %dma_start3A_197] : memref<2x8x128xi32, #tpu.memory_space<vmem>> -> memref<1x8x128xi32, #tpu.memory_space<vmem>>
          %dma_start3A_199 = tpu.memref_squeeze %dma_start3A_198 : memref<1x8x128xi32, #tpu.memory_space<vmem>> -> memref<8x128xi32, #tpu.memory_space<vmem>>
          %dma_start3A_200 = arith.constant 0 : i32
          %dma_start3A_201 = tpu.memref_slice %arg4[%add3A, %mul3A_187, %dma_start3A_200] : memref<32x80x128xi32, #tpu.memory_space<hbm>> -> memref<1x8x128xi32, #tpu.memory_space<hbm>>
          %dma_start3A_202 = tpu.memref_squeeze %dma_start3A_201 : memref<1x8x128xi32, #tpu.memory_space<hbm>> -> memref<8x128xi32, #tpu.memory_space<hbm>>
          tpu.enqueue_dma source(%dma_start3A_202 : memref<8x128xi32, #tpu.memory_space<hbm>>) target(%dma_start3A_199 : memref<8x128xi32, #tpu.memory_space<vmem>>) target_semaphore(%run_scoped3A_188 : memref<!tpu.dma_semaphore, #tpu.memory_space<semaphore_mem>>)
          %dma_wait3A_203 = arith.constant 0 : i32
          %dma_wait3A_204 = arith.constant 0 : i32
          %dma_wait3A_205 = tpu.memref_slice %arg7[%rem3A_183, %dma_wait3A_203, %dma_wait3A_204] : memref<2x8x128xi32, #tpu.memory_space<vmem>> -> memref<1x8x128xi32, #tpu.memory_space<vmem>>
          %dma_wait3A_206 = tpu.memref_squeeze %dma_wait3A_205 : memref<1x8x128xi32, #tpu.memory_space<vmem>> -> memref<8x128xi32, #tpu.memory_space<vmem>>
          %dma_wait3A_207 = arith.constant 0 : i32
          %dma_wait3A_208 = tpu.memref_slice %arg4[%add3A, %mul3A_187, %dma_wait3A_207] : memref<32x80x128xi32, #tpu.memory_space<hbm>> -> memref<1x8x128xi32, #tpu.memory_space<hbm>>
          %dma_wait3A_209 = tpu.memref_squeeze %dma_wait3A_208 : memref<1x8x128xi32, #tpu.memory_space<hbm>> -> memref<8x128xi32, #tpu.memory_space<hbm>>
          %dma_wait3A_210 = arith.constant 0 : i32
          %dma_wait3A_211 = arith.constant 0 : i32
          %dma_wait3A_212 = tpu.memref_slice %arg7[%rem3A_183, %dma_wait3A_210, %dma_wait3A_211] : memref<2x8x128xi32, #tpu.memory_space<vmem>> -> memref<1x8x128xi32, #tpu.memory_space<vmem>>
          %dma_wait3A_213 = tpu.memref_squeeze %dma_wait3A_212 : memref<1x8x128xi32, #tpu.memory_space<vmem>> -> memref<8x128xi32, #tpu.memory_space<vmem>>
          %dma_wait3A_214 = arith.constant 0 : i32
          %dma_wait3A_215 = tpu.memref_slice %arg4[%add3A, %mul3A_187, %dma_wait3A_214] : memref<32x80x128xi32, #tpu.memory_space<hbm>> -> memref<1x8x128xi32, #tpu.memory_space<hbm>>
          %dma_wait3A_216 = tpu.memref_squeeze %dma_wait3A_215 : memref<1x8x128xi32, #tpu.memory_space<hbm>> -> memref<8x128xi32, #tpu.memory_space<hbm>>
          tpu.wait_dma2 semaphore(%run_scoped3A_188 : memref<!tpu.dma_semaphore, #tpu.memory_space<semaphore_mem>>) src(%dma_wait3A_216 : memref<8x128xi32, #tpu.memory_space<hbm>>) dst(%dma_wait3A_213 : memref<8x128xi32, #tpu.memory_space<vmem>>)
          tpu.yield
        }) : () -> ()
      } else {
      }
      %add3A_130 = arith.constant 1 : i32
      %add3A_131 = arith.addi %while3A_92, %add3A_130 : i32
      %jit3A_132 = arith.constant 8 : i32
      %div3A_133 = arith.divsi %add3A_131, %jit3A_132 : i32
      %sign3A_134 = arith.constant 0 : i32
      %sign3A_135 = arith.cmpi sgt, %add3A_131, %sign3A_134 : i32
      %sign3A_136 = arith.extui %sign3A_135 : i1 to i32
      %sign3A_137 = arith.constant 0 : i32
      %sign3A_138 = arith.cmpi slt, %add3A_131, %sign3A_137 : i32
      %sign3A_139 = arith.extui %sign3A_138 : i1 to i32
      %sign3A_140 = arith.subi %sign3A_136, %sign3A_139 : i32
      %sign3A_141 = arith.constant 0 : i32
      %sign3A_142 = arith.cmpi sgt, %jit3A_132, %sign3A_141 : i32
      %sign3A_143 = arith.extui %sign3A_142 : i1 to i32
      %sign3A_144 = arith.constant 0 : i32
      %sign3A_145 = arith.cmpi slt, %jit3A_132, %sign3A_144 : i32
      %sign3A_146 = arith.extui %sign3A_145 : i1 to i32
      %sign3A_147 = arith.subi %sign3A_143, %sign3A_146 : i32
      %ne3A_148 = arith.cmpi ne, %sign3A_140, %sign3A_147 : i32
      %rem3A_149 = arith.remsi %add3A_131, %jit3A_132 : i32
      %ne3A_150 = arith.constant 0 : i32
      %ne3A_151 = arith.cmpi ne, %rem3A_149, %ne3A_150 : i32
      %and3A_152 = arith.andi %ne3A_148, %ne3A_151 : i1
      %sub3A_153 = arith.constant 1 : i32
      %sub3A_154 = arith.subi %div3A_133, %sub3A_153 : i32
      %select_n3A_155 = arith.select %and3A_152, %sub3A_154, %div3A_133 : i32
      %mul3A_156 = arith.constant 8 : i32
      %mul3A_157 = arith.muli %select_n3A_155, %mul3A_156 : i32
      %sub3A_158 = arith.subi %add3A_131, %mul3A_157 : i32
      %rem3A_159 = arith.constant 2 : i32
      %rem3A_160 = arith.remsi %select_n3A_155, %rem3A_159 : i32
      %rem3A_161 = arith.constant 2 : i32
      %rem3A_162 = arith.remsi %add3A_131, %rem3A_161 : i32
      %lt3A_163 = arith.cmpi slt, %add3A_131, %select_n3A : i32
      %convert_element_type3A_164 = arith.extui %lt3A_163 : i1 to i32
      %cond3A_165 = arith.constant 0 : i32
      %cond3A_166 = arith.cmpi ne, %convert_element_type3A_164, %cond3A_165 : i32
      scf.if %cond3A_166 {
        %dma_start3A_178 = arith.constant 0 : i32
        %dma_start3A_179 = arith.constant 0 : i32
        %dma_start3A_180 = tpu.memref_slice %arg8[%rem3A_162, %dma_start3A_178, %dma_start3A_179] : memref<2x128x128xf32, #tpu.memory_space<vmem>> -> memref<1x128x128xf32, #tpu.memory_space<vmem>>
        %dma_start3A_181 = tpu.memref_squeeze %dma_start3A_180 : memref<1x128x128xf32, #tpu.memory_space<vmem>> -> memref<128x128xf32, #tpu.memory_space<vmem>>
        %dma_start3A_182 = arith.constant 0 : i32
        %dma_start3A_183 = tpu.memref_slice %arg6[%rem3A_160, %sub3A_158, %dma_start3A_182] : memref<2x8x128xi32, #tpu.memory_space<vmem>> -> memref<1x1x128xi32, #tpu.memory_space<vmem>>
        %dma_start3A_184 = tpu.memref_squeeze %dma_start3A_183 : memref<1x1x128xi32, #tpu.memory_space<vmem>> -> memref<128xi32, #tpu.memory_space<vmem>>
        %dma_start3A_185 = arith.constant 0 : i32
        %dma_start3A_186 = arith.constant 0 : i32
        %dma_start3A_187 = tpu.memref_slice %arg2[%dma_start3A_185, %dma_start3A_186] : memref<10240x128xf32, #tpu.memory_space<hbm>> -> memref<10240x128xf32, #tpu.memory_space<hbm>>
        %dma_start3A_188 = tpu.memref_slice %arg10[%rem3A_162] : memref<2x!tpu.dma_semaphore, #tpu.memory_space<semaphore_mem>> -> memref<1x!tpu.dma_semaphore, #tpu.memory_space<semaphore_mem>>
        %dma_start3A_189 = tpu.memref_squeeze %dma_start3A_188 : memref<1x!tpu.dma_semaphore, #tpu.memory_space<semaphore_mem>> -> memref<!tpu.dma_semaphore, #tpu.memory_space<semaphore_mem>>
        tpu.enqueue_indirect_dma source(%dma_start3A_187 : memref<10240x128xf32, #tpu.memory_space<hbm>>) target(%dma_start3A_181 : memref<128x128xf32, #tpu.memory_space<vmem>>) offsets(%dma_start3A_184 : memref<128xi32, #tpu.memory_space<vmem>>) semaphore(%dma_start3A_189 : memref<!tpu.dma_semaphore, #tpu.memory_space<semaphore_mem>>)
      } else {
      }
      %dma_wait3A = arith.constant 0 : i32
      %dma_wait3A_167 = arith.constant 0 : i32
      %dma_wait3A_168 = tpu.memref_slice %arg8[%rem3A_123, %dma_wait3A, %dma_wait3A_167] : memref<2x128x128xf32, #tpu.memory_space<vmem>> -> memref<1x128x128xf32, #tpu.memory_space<vmem>>
      %dma_wait3A_169 = tpu.memref_squeeze %dma_wait3A_168 : memref<1x128x128xf32, #tpu.memory_space<vmem>> -> memref<128x128xf32, #tpu.memory_space<vmem>>
      %dma_wait3A_170 = arith.constant 0 : i32
      %dma_wait3A_171 = tpu.memref_slice %arg6[%rem3A_121, %sub3A_119, %dma_wait3A_170] : memref<2x8x128xi32, #tpu.memory_space<vmem>> -> memref<1x1x128xi32, #tpu.memory_space<vmem>>
      %dma_wait3A_172 = tpu.memref_squeeze %dma_wait3A_171 : memref<1x1x128xi32, #tpu.memory_space<vmem>> -> memref<128xi32, #tpu.memory_space<vmem>>
      %dma_wait3A_173 = arith.constant 0 : i32
      %dma_wait3A_174 = arith.constant 0 : i32
      %dma_wait3A_175 = tpu.memref_slice %arg2[%dma_wait3A_173, %dma_wait3A_174] : memref<10240x128xf32, #tpu.memory_space<hbm>> -> memref<10240x128xf32, #tpu.memory_space<hbm>>
      %dma_wait3A_176 = tpu.memref_slice %arg10[%rem3A_123] : memref<2x!tpu.dma_semaphore, #tpu.memory_space<semaphore_mem>> -> memref<1x!tpu.dma_semaphore, #tpu.memory_space<semaphore_mem>>
      %dma_wait3A_177 = tpu.memref_squeeze %dma_wait3A_176 : memref<1x!tpu.dma_semaphore, #tpu.memory_space<semaphore_mem>> -> memref<!tpu.dma_semaphore, #tpu.memory_space<semaphore_mem>>
      tpu.wait_indirect_dma semaphore(%dma_wait3A_177 : memref<!tpu.dma_semaphore, #tpu.memory_space<semaphore_mem>>) src(%dma_wait3A_175 : memref<10240x128xf32, #tpu.memory_space<hbm>>) dst(%dma_wait3A_169 : memref<128x128xf32, #tpu.memory_space<vmem>>)
      "tpu.region"() ({
        %run_scoped3A_178 = tpu.sem_alloc : memref<!tpu.dma_semaphore, #tpu.memory_space<semaphore_mem>>
        %dma_start3A_179 = arith.constant 0 : i32
        %dma_start3A_180 = arith.constant 0 : i32
        %dma_start3A_181 = tpu.memref_slice %arg8[%rem3A_123, %dma_start3A_179, %dma_start3A_180] : memref<2x128x128xf32, #tpu.memory_space<vmem>> -> memref<1x128x128xf32, #tpu.memory_space<vmem>>
        %dma_start3A_182 = tpu.memref_squeeze %dma_start3A_181 : memref<1x128x128xf32, #tpu.memory_space<vmem>> -> memref<128x128xf32, #tpu.memory_space<vmem>>
        %dma_start3A_183 = arith.constant 0 : i32
        %dma_start3A_184 = tpu.memref_slice %arg7[%rem3A_121, %sub3A_119, %dma_start3A_183] : memref<2x8x128xi32, #tpu.memory_space<vmem>> -> memref<1x1x128xi32, #tpu.memory_space<vmem>>
        %dma_start3A_185 = tpu.memref_squeeze %dma_start3A_184 : memref<1x1x128xi32, #tpu.memory_space<vmem>> -> memref<128xi32, #tpu.memory_space<vmem>>
        %dma_start3A_186 = arith.constant 0 : i32
        %dma_start3A_187 = arith.constant 0 : i32
        %dma_start3A_188 = tpu.memref_slice %arg9[%dma_start3A_186, %dma_start3A_187] : memref<10240x128xf32, #tpu.memory_space<vmem_shared>> -> memref<10240x128xf32, #tpu.memory_space<vmem_shared>>
        tpu.enqueue_indirect_dma source(%dma_start3A_182 : memref<128x128xf32, #tpu.memory_space<vmem>>) target(%dma_start3A_188 : memref<10240x128xf32, #tpu.memory_space<vmem_shared>>) offsets(%dma_start3A_185 : memref<128xi32, #tpu.memory_space<vmem>>) semaphore(%run_scoped3A_178 : memref<!tpu.dma_semaphore, #tpu.memory_space<semaphore_mem>>) {add = true}
        %dma_wait3A_189 = arith.constant 0 : i32
        %dma_wait3A_190 = arith.constant 0 : i32
        %dma_wait3A_191 = tpu.memref_slice %arg8[%rem3A_123, %dma_wait3A_189, %dma_wait3A_190] : memref<2x128x128xf32, #tpu.memory_space<vmem>> -> memref<1x128x128xf32, #tpu.memory_space<vmem>>
        %dma_wait3A_192 = tpu.memref_squeeze %dma_wait3A_191 : memref<1x128x128xf32, #tpu.memory_space<vmem>> -> memref<128x128xf32, #tpu.memory_space<vmem>>
        %dma_wait3A_193 = arith.constant 0 : i32
        %dma_wait3A_194 = tpu.memref_slice %arg7[%rem3A_121, %sub3A_119, %dma_wait3A_193] : memref<2x8x128xi32, #tpu.memory_space<vmem>> -> memref<1x1x128xi32, #tpu.memory_space<vmem>>
        %dma_wait3A_195 = tpu.memref_squeeze %dma_wait3A_194 : memref<1x1x128xi32, #tpu.memory_space<vmem>> -> memref<128xi32, #tpu.memory_space<vmem>>
        %dma_wait3A_196 = arith.constant 0 : i32
        %dma_wait3A_197 = arith.constant 0 : i32
        %dma_wait3A_198 = tpu.memref_slice %arg9[%dma_wait3A_196, %dma_wait3A_197] : memref<10240x128xf32, #tpu.memory_space<vmem_shared>> -> memref<10240x128xf32, #tpu.memory_space<vmem_shared>>
        tpu.wait_indirect_dma semaphore(%run_scoped3A_178 : memref<!tpu.dma_semaphore, #tpu.memory_space<semaphore_mem>>) src(%dma_wait3A_192 : memref<128x128xf32, #tpu.memory_space<vmem>>) dst(%dma_wait3A_198 : memref<10240x128xf32, #tpu.memory_space<vmem_shared>>)
        tpu.yield
      }) : () -> ()
    }
    %while3A_70 = arith.constant 1 : i32
    scf.for %while3A_92 = %while3A_68 to %while3A_64 step %while3A_70  : i32 {
      %jit3A_93 = arith.constant 8 : i32
      %div3A_94 = arith.divsi %while3A_92, %jit3A_93 : i32
      %sign3A_95 = arith.constant 0 : i32
      %sign3A_96 = arith.cmpi sgt, %while3A_92, %sign3A_95 : i32
      %sign3A_97 = arith.extui %sign3A_96 : i1 to i32
      %sign3A_98 = arith.constant 0 : i32
      %sign3A_99 = arith.cmpi slt, %while3A_92, %sign3A_98 : i32
      %sign3A_100 = arith.extui %sign3A_99 : i1 to i32
      %sign3A_101 = arith.subi %sign3A_97, %sign3A_100 : i32
      %sign3A_102 = arith.constant 0 : i32
      %sign3A_103 = arith.cmpi sgt, %jit3A_93, %sign3A_102 : i32
      %sign3A_104 = arith.extui %sign3A_103 : i1 to i32
      %sign3A_105 = arith.constant 0 : i32
      %sign3A_106 = arith.cmpi slt, %jit3A_93, %sign3A_105 : i32
      %sign3A_107 = arith.extui %sign3A_106 : i1 to i32
      %sign3A_108 = arith.subi %sign3A_104, %sign3A_107 : i32
      %ne3A_109 = arith.cmpi ne, %sign3A_101, %sign3A_108 : i32
      %rem3A_110 = arith.remsi %while3A_92, %jit3A_93 : i32
      %ne3A_111 = arith.constant 0 : i32
      %ne3A_112 = arith.cmpi ne, %rem3A_110, %ne3A_111 : i32
      %and3A_113 = arith.andi %ne3A_109, %ne3A_112 : i1
      %sub3A_114 = arith.constant 1 : i32
      %sub3A_115 = arith.subi %div3A_94, %sub3A_114 : i32
      %select_n3A_116 = arith.select %and3A_113, %sub3A_115, %div3A_94 : i32
      %mul3A_117 = arith.constant 8 : i32
      %mul3A_118 = arith.muli %select_n3A_116, %mul3A_117 : i32
      %sub3A_119 = arith.subi %while3A_92, %mul3A_118 : i32
      %rem3A_120 = arith.constant 2 : i32
      %rem3A_121 = arith.remsi %select_n3A_116, %rem3A_120 : i32
      %rem3A_122 = arith.constant 2 : i32
      %rem3A_123 = arith.remsi %while3A_92, %rem3A_122 : i32
      %eq3A_124 = arith.constant 0 : i32
      %eq3A_125 = arith.cmpi eq, %sub3A_119, %eq3A_124 : i32
      %add3A_126 = arith.constant 1 : i32
      %add3A_127 = arith.addi %select_n3A_116, %add3A_126 : i32
      %lt3A = arith.cmpi slt, %add3A_127, %select_n3A_44 : i32
      %and3A_128 = arith.andi %eq3A_125, %lt3A : i1
      %convert_element_type3A = arith.extui %and3A_128 : i1 to i32
      %cond3A = arith.constant 0 : i32
      %cond3A_129 = arith.cmpi ne, %convert_element_type3A, %cond3A : i32
      scf.if %cond3A_129 {
        %add3A_178 = arith.constant 1 : i32
        %add3A_179 = arith.addi %select_n3A_116, %add3A_178 : i32
        %add3A_180 = arith.constant 1 : i32
        %add3A_181 = arith.addi %select_n3A_116, %add3A_180 : i32
        %rem3A_182 = arith.constant 2 : i32
        %rem3A_183 = arith.remsi %add3A_181, %rem3A_182 : i32
        %mul3A_184 = arith.constant 8 : i32
        %mul3A_185 = arith.muli %add3A_179, %mul3A_184 : i32
        "tpu.region"() ({
          %run_scoped3A_188 = tpu.sem_alloc : memref<!tpu.dma_semaphore, #tpu.memory_space<semaphore_mem>>
          %dma_start3A_189 = arith.constant 0 : i32
          %dma_start3A_190 = arith.constant 0 : i32
          %dma_start3A_191 = tpu.memref_slice %arg6[%rem3A_183, %dma_start3A_189, %dma_start3A_190] : memref<2x8x128xi32, #tpu.memory_space<vmem>> -> memref<1x8x128xi32, #tpu.memory_space<vmem>>
          %dma_start3A_192 = tpu.memref_squeeze %dma_start3A_191 : memref<1x8x128xi32, #tpu.memory_space<vmem>> -> memref<8x128xi32, #tpu.memory_space<vmem>>
          %dma_start3A_193 = arith.constant 0 : i32
          %dma_start3A_194 = tpu.memref_slice %arg3[%add3A, %mul3A_185, %dma_start3A_193] : memref<32x80x128xi32, #tpu.memory_space<hbm>> -> memref<1x8x128xi32, #tpu.memory_space<hbm>>
          %dma_start3A_195 = tpu.memref_squeeze %dma_start3A_194 : memref<1x8x128xi32, #tpu.memory_space<hbm>> -> memref<8x128xi32, #tpu.memory_space<hbm>>
          %dma_start3A_196 = arith.constant 0 : i32
          %dma_start3A_197 = arith.constant 0 : i32
          %dma_start3A_198 = tpu.memref_slice %arg6[%rem3A_183, %dma_start3A_196, %dma_start3A_197] : memref<2x8x128xi32, #tpu.memory_space<vmem>> -> memref<1x8x128xi32, #tpu.memory_space<vmem>>
          %dma_start3A_199 = tpu.memref_squeeze %dma_start3A_198 : memref<1x8x128xi32, #tpu.memory_space<vmem>> -> memref<8x128xi32, #tpu.memory_space<vmem>>
          %dma_start3A_200 = arith.constant 0 : i32
          %dma_start3A_201 = tpu.memref_slice %arg3[%add3A, %mul3A_185, %dma_start3A_200] : memref<32x80x128xi32, #tpu.memory_space<hbm>> -> memref<1x8x128xi32, #tpu.memory_space<hbm>>
          %dma_start3A_202 = tpu.memref_squeeze %dma_start3A_201 : memref<1x8x128xi32, #tpu.memory_space<hbm>> -> memref<8x128xi32, #tpu.memory_space<hbm>>
          tpu.enqueue_dma source(%dma_start3A_202 : memref<8x128xi32, #tpu.memory_space<hbm>>) target(%dma_start3A_199 : memref<8x128xi32, #tpu.memory_space<vmem>>) target_semaphore(%run_scoped3A_188 : memref<!tpu.dma_semaphore, #tpu.memory_space<semaphore_mem>>)
          %dma_wait3A_203 = arith.constant 0 : i32
          %dma_wait3A_204 = arith.constant 0 : i32
          %dma_wait3A_205 = tpu.memref_slice %arg6[%rem3A_183, %dma_wait3A_203, %dma_wait3A_204] : memref<2x8x128xi32, #tpu.memory_space<vmem>> -> memref<1x8x128xi32, #tpu.memory_space<vmem>>
          %dma_wait3A_206 = tpu.memref_squeeze %dma_wait3A_205 : memref<1x8x128xi32, #tpu.memory_space<vmem>> -> memref<8x128xi32, #tpu.memory_space<vmem>>
          %dma_wait3A_207 = arith.constant 0 : i32
          %dma_wait3A_208 = tpu.memref_slice %arg3[%add3A, %mul3A_185, %dma_wait3A_207] : memref<32x80x128xi32, #tpu.memory_space<hbm>> -> memref<1x8x128xi32, #tpu.memory_space<hbm>>
          %dma_wait3A_209 = tpu.memref_squeeze %dma_wait3A_208 : memref<1x8x128xi32, #tpu.memory_space<hbm>> -> memref<8x128xi32, #tpu.memory_space<hbm>>
          %dma_wait3A_210 = arith.constant 0 : i32
          %dma_wait3A_211 = arith.constant 0 : i32
          %dma_wait3A_212 = tpu.memref_slice %arg6[%rem3A_183, %dma_wait3A_210, %dma_wait3A_211] : memref<2x8x128xi32, #tpu.memory_space<vmem>> -> memref<1x8x128xi32, #tpu.memory_space<vmem>>
          %dma_wait3A_213 = tpu.memref_squeeze %dma_wait3A_212 : memref<1x8x128xi32, #tpu.memory_space<vmem>> -> memref<8x128xi32, #tpu.memory_space<vmem>>
          %dma_wait3A_214 = arith.constant 0 : i32
          %dma_wait3A_215 = tpu.memref_slice %arg3[%add3A, %mul3A_185, %dma_wait3A_214] : memref<32x80x128xi32, #tpu.memory_space<hbm>> -> memref<1x8x128xi32, #tpu.memory_space<hbm>>
          %dma_wait3A_216 = tpu.memref_squeeze %dma_wait3A_215 : memref<1x8x128xi32, #tpu.memory_space<hbm>> -> memref<8x128xi32, #tpu.memory_space<hbm>>
          tpu.wait_dma2 semaphore(%run_scoped3A_188 : memref<!tpu.dma_semaphore, #tpu.memory_space<semaphore_mem>>) src(%dma_wait3A_216 : memref<8x128xi32, #tpu.memory_space<hbm>>) dst(%dma_wait3A_213 : memref<8x128xi32, #tpu.memory_space<vmem>>)
          tpu.yield
        }) : () -> ()
        %mul3A_186 = arith.constant 8 : i32
        %mul3A_187 = arith.muli %add3A_179, %mul3A_186 : i32
        "tpu.region"() ({
          %run_scoped3A_188 = tpu.sem_alloc : memref<!tpu.dma_semaphore, #tpu.memory_space<semaphore_mem>>
          %dma_start3A_189 = arith.constant 0 : i32
          %dma_start3A_190 = arith.constant 0 : i32
          %dma_start3A_191 = tpu.memref_slice %arg7[%rem3A_183, %dma_start3A_189, %dma_start3A_190] : memref<2x8x128xi32, #tpu.memory_space<vmem>> -> memref<1x8x128xi32, #tpu.memory_space<vmem>>
          %dma_start3A_192 = tpu.memref_squeeze %dma_start3A_191 : memref<1x8x128xi32, #tpu.memory_space<vmem>> -> memref<8x128xi32, #tpu.memory_space<vmem>>
          %dma_start3A_193 = arith.constant 0 : i32
          %dma_start3A_194 = tpu.memref_slice %arg4[%add3A, %mul3A_187, %dma_start3A_193] : memref<32x80x128xi32, #tpu.memory_space<hbm>> -> memref<1x8x128xi32, #tpu.memory_space<hbm>>
          %dma_start3A_195 = tpu.memref_squeeze %dma_start3A_194 : memref<1x8x128xi32, #tpu.memory_space<hbm>> -> memref<8x128xi32, #tpu.memory_space<hbm>>
          %dma_start3A_196 = arith.constant 0 : i32
          %dma_start3A_197 = arith.constant 0 : i32
          %dma_start3A_198 = tpu.memref_slice %arg7[%rem3A_183, %dma_start3A_196, %dma_start3A_197] : memref<2x8x128xi32, #tpu.memory_space<vmem>> -> memref<1x8x128xi32, #tpu.memory_space<vmem>>
          %dma_start3A_199 = tpu.memref_squeeze %dma_start3A_198 : memref<1x8x128xi32, #tpu.memory_space<vmem>> -> memref<8x128xi32, #tpu.memory_space<vmem>>
          %dma_start3A_200 = arith.constant 0 : i32
          %dma_start3A_201 = tpu.memref_slice %arg4[%add3A, %mul3A_187, %dma_start3A_200] : memref<32x80x128xi32, #tpu.memory_space<hbm>> -> memref<1x8x128xi32, #tpu.memory_space<hbm>>
          %dma_start3A_202 = tpu.memref_squeeze %dma_start3A_201 : memref<1x8x128xi32, #tpu.memory_space<hbm>> -> memref<8x128xi32, #tpu.memory_space<hbm>>
          tpu.enqueue_dma source(%dma_start3A_202 : memref<8x128xi32, #tpu.memory_space<hbm>>) target(%dma_start3A_199 : memref<8x128xi32, #tpu.memory_space<vmem>>) target_semaphore(%run_scoped3A_188 : memref<!tpu.dma_semaphore, #tpu.memory_space<semaphore_mem>>)
          %dma_wait3A_203 = arith.constant 0 : i32
          %dma_wait3A_204 = arith.constant 0 : i32
          %dma_wait3A_205 = tpu.memref_slice %arg7[%rem3A_183, %dma_wait3A_203, %dma_wait3A_204] : memref<2x8x128xi32, #tpu.memory_space<vmem>> -> memref<1x8x128xi32, #tpu.memory_space<vmem>>
          %dma_wait3A_206 = tpu.memref_squeeze %dma_wait3A_205 : memref<1x8x128xi32, #tpu.memory_space<vmem>> -> memref<8x128xi32, #tpu.memory_space<vmem>>
          %dma_wait3A_207 = arith.constant 0 : i32
          %dma_wait3A_208 = tpu.memref_slice %arg4[%add3A, %mul3A_187, %dma_wait3A_207] : memref<32x80x128xi32, #tpu.memory_space<hbm>> -> memref<1x8x128xi32, #tpu.memory_space<hbm>>
          %dma_wait3A_209 = tpu.memref_squeeze %dma_wait3A_208 : memref<1x8x128xi32, #tpu.memory_space<hbm>> -> memref<8x128xi32, #tpu.memory_space<hbm>>
          %dma_wait3A_210 = arith.constant 0 : i32
          %dma_wait3A_211 = arith.constant 0 : i32
          %dma_wait3A_212 = tpu.memref_slice %arg7[%rem3A_183, %dma_wait3A_210, %dma_wait3A_211] : memref<2x8x128xi32, #tpu.memory_space<vmem>> -> memref<1x8x128xi32, #tpu.memory_space<vmem>>
          %dma_wait3A_213 = tpu.memref_squeeze %dma_wait3A_212 : memref<1x8x128xi32, #tpu.memory_space<vmem>> -> memref<8x128xi32, #tpu.memory_space<vmem>>
          %dma_wait3A_214 = arith.constant 0 : i32
          %dma_wait3A_215 = tpu.memref_slice %arg4[%add3A, %mul3A_187, %dma_wait3A_214] : memref<32x80x128xi32, #tpu.memory_space<hbm>> -> memref<1x8x128xi32, #tpu.memory_space<hbm>>
          %dma_wait3A_216 = tpu.memref_squeeze %dma_wait3A_215 : memref<1x8x128xi32, #tpu.memory_space<hbm>> -> memref<8x128xi32, #tpu.memory_space<hbm>>
          tpu.wait_dma2 semaphore(%run_scoped3A_188 : memref<!tpu.dma_semaphore, #tpu.memory_space<semaphore_mem>>) src(%dma_wait3A_216 : memref<8x128xi32, #tpu.memory_space<hbm>>) dst(%dma_wait3A_213 : memref<8x128xi32, #tpu.memory_space<vmem>>)
          tpu.yield
        }) : () -> ()
      } else {
      }
      %add3A_130 = arith.constant 1 : i32
      %add3A_131 = arith.addi %while3A_92, %add3A_130 : i32
      %jit3A_132 = arith.constant 8 : i32
      %div3A_133 = arith.divsi %add3A_131, %jit3A_132 : i32
      %sign3A_134 = arith.constant 0 : i32
      %sign3A_135 = arith.cmpi sgt, %add3A_131, %sign3A_134 : i32
      %sign3A_136 = arith.extui %sign3A_135 : i1 to i32
      %sign3A_137 = arith.constant 0 : i32
      %sign3A_138 = arith.cmpi slt, %add3A_131, %sign3A_137 : i32
      %sign3A_139 = arith.extui %sign3A_138 : i1 to i32
      %sign3A_140 = arith.subi %sign3A_136, %sign3A_139 : i32
      %sign3A_141 = arith.constant 0 : i32
      %sign3A_142 = arith.cmpi sgt, %jit3A_132, %sign3A_141 : i32
      %sign3A_143 = arith.extui %sign3A_142 : i1 to i32
      %sign3A_144 = arith.constant 0 : i32
      %sign3A_145 = arith.cmpi slt, %jit3A_132, %sign3A_144 : i32
      %sign3A_146 = arith.extui %sign3A_145 : i1 to i32
      %sign3A_147 = arith.subi %sign3A_143, %sign3A_146 : i32
      %ne3A_148 = arith.cmpi ne, %sign3A_140, %sign3A_147 : i32
      %rem3A_149 = arith.remsi %add3A_131, %jit3A_132 : i32
      %ne3A_150 = arith.constant 0 : i32
      %ne3A_151 = arith.cmpi ne, %rem3A_149, %ne3A_150 : i32
      %and3A_152 = arith.andi %ne3A_148, %ne3A_151 : i1
      %sub3A_153 = arith.constant 1 : i32
      %sub3A_154 = arith.subi %div3A_133, %sub3A_153 : i32
      %select_n3A_155 = arith.select %and3A_152, %sub3A_154, %div3A_133 : i32
      %mul3A_156 = arith.constant 8 : i32
      %mul3A_157 = arith.muli %select_n3A_155, %mul3A_156 : i32
      %sub3A_158 = arith.subi %add3A_131, %mul3A_157 : i32
      %rem3A_159 = arith.constant 2 : i32
      %rem3A_160 = arith.remsi %select_n3A_155, %rem3A_159 : i32
      %rem3A_161 = arith.constant 2 : i32
      %rem3A_162 = arith.remsi %add3A_131, %rem3A_161 : i32
      %lt3A_163 = arith.cmpi slt, %add3A_131, %select_n3A : i32
      %convert_element_type3A_164 = arith.extui %lt3A_163 : i1 to i32
      %cond3A_165 = arith.constant 0 : i32
      %cond3A_166 = arith.cmpi ne, %convert_element_type3A_164, %cond3A_165 : i32
      scf.if %cond3A_166 {
        %dma_start3A_178 = arith.constant 0 : i32
        %dma_start3A_179 = arith.constant 0 : i32
        %dma_start3A_180 = tpu.memref_slice %arg8[%rem3A_162, %dma_start3A_178, %dma_start3A_179] : memref<2x128x128xf32, #tpu.memory_space<vmem>> -> memref<1x128x128xf32, #tpu.memory_space<vmem>>
        %dma_start3A_181 = tpu.memref_squeeze %dma_start3A_180 : memref<1x128x128xf32, #tpu.memory_space<vmem>> -> memref<128x128xf32, #tpu.memory_space<vmem>>
        %dma_start3A_182 = arith.constant 0 : i32
        %dma_start3A_183 = tpu.memref_slice %arg6[%rem3A_160, %sub3A_158, %dma_start3A_182] : memref<2x8x128xi32, #tpu.memory_space<vmem>> -> memref<1x1x128xi32, #tpu.memory_space<vmem>>
        %dma_start3A_184 = tpu.memref_squeeze %dma_start3A_183 : memref<1x1x128xi32, #tpu.memory_space<vmem>> -> memref<128xi32, #tpu.memory_space<vmem>>
        %dma_start3A_185 = arith.constant 0 : i32
        %dma_start3A_186 = arith.constant 0 : i32
        %dma_start3A_187 = tpu.memref_slice %arg2[%dma_start3A_185, %dma_start3A_186] : memref<10240x128xf32, #tpu.memory_space<hbm>> -> memref<10240x128xf32, #tpu.memory_space<hbm>>
        %dma_start3A_188 = tpu.memref_slice %arg10[%rem3A_162] : memref<2x!tpu.dma_semaphore, #tpu.memory_space<semaphore_mem>> -> memref<1x!tpu.dma_semaphore, #tpu.memory_space<semaphore_mem>>
        %dma_start3A_189 = tpu.memref_squeeze %dma_start3A_188 : memref<1x!tpu.dma_semaphore, #tpu.memory_space<semaphore_mem>> -> memref<!tpu.dma_semaphore, #tpu.memory_space<semaphore_mem>>
        tpu.enqueue_indirect_dma source(%dma_start3A_187 : memref<10240x128xf32, #tpu.memory_space<hbm>>) target(%dma_start3A_181 : memref<128x128xf32, #tpu.memory_space<vmem>>) offsets(%dma_start3A_184 : memref<128xi32, #tpu.memory_space<vmem>>) semaphore(%dma_start3A_189 : memref<!tpu.dma_semaphore, #tpu.memory_space<semaphore_mem>>)
      } else {
      }
      %dma_wait3A = arith.constant 0 : i32
      %dma_wait3A_167 = arith.constant 0 : i32
      %dma_wait3A_168 = tpu.memref_slice %arg8[%rem3A_123, %dma_wait3A, %dma_wait3A_167] : memref<2x128x128xf32, #tpu.memory_space<vmem>> -> memref<1x128x128xf32, #tpu.memory_space<vmem>>
      %dma_wait3A_169 = tpu.memref_squeeze %dma_wait3A_168 : memref<1x128x128xf32, #tpu.memory_space<vmem>> -> memref<128x128xf32, #tpu.memory_space<vmem>>
      %dma_wait3A_170 = arith.constant 0 : i32
      %dma_wait3A_171 = tpu.memref_slice %arg6[%rem3A_121, %sub3A_119, %dma_wait3A_170] : memref<2x8x128xi32, #tpu.memory_space<vmem>> -> memref<1x1x128xi32, #tpu.memory_space<vmem>>
      %dma_wait3A_172 = tpu.memref_squeeze %dma_wait3A_171 : memref<1x1x128xi32, #tpu.memory_space<vmem>> -> memref<128xi32, #tpu.memory_space<vmem>>
      %dma_wait3A_173 = arith.constant 0 : i32
      %dma_wait3A_174 = arith.constant 0 : i32
      %dma_wait3A_175 = tpu.memref_slice %arg2[%dma_wait3A_173, %dma_wait3A_174] : memref<10240x128xf32, #tpu.memory_space<hbm>> -> memref<10240x128xf32, #tpu.memory_space<hbm>>
      %dma_wait3A_176 = tpu.memref_slice %arg10[%rem3A_123] : memref<2x!tpu.dma_semaphore, #tpu.memory_space<semaphore_mem>> -> memref<1x!tpu.dma_semaphore, #tpu.memory_space<semaphore_mem>>
      %dma_wait3A_177 = tpu.memref_squeeze %dma_wait3A_176 : memref<1x!tpu.dma_semaphore, #tpu.memory_space<semaphore_mem>> -> memref<!tpu.dma_semaphore, #tpu.memory_space<semaphore_mem>>
      tpu.wait_indirect_dma semaphore(%dma_wait3A_177 : memref<!tpu.dma_semaphore, #tpu.memory_space<semaphore_mem>>) src(%dma_wait3A_175 : memref<10240x128xf32, #tpu.memory_space<hbm>>) dst(%dma_wait3A_169 : memref<128x128xf32, #tpu.memory_space<vmem>>)
      "tpu.region"() ({
        %run_scoped3A_178 = tpu.sem_alloc : memref<!tpu.dma_semaphore, #tpu.memory_space<semaphore_mem>>
        %dma_start3A_179 = arith.constant 0 : i32
        %dma_start3A_180 = arith.constant 0 : i32
        %dma_start3A_181 = tpu.memref_slice %arg8[%rem3A_123, %dma_start3A_179, %dma_start3A_180] : memref<2x128x128xf32, #tpu.memory_space<vmem>> -> memref<1x128x128xf32, #tpu.memory_space<vmem>>
        %dma_start3A_182 = tpu.memref_squeeze %dma_start3A_181 : memref<1x128x128xf32, #tpu.memory_space<vmem>> -> memref<128x128xf32, #tpu.memory_space<vmem>>
        %dma_start3A_183 = arith.constant 0 : i32
        %dma_start3A_184 = tpu.memref_slice %arg7[%rem3A_121, %sub3A_119, %dma_start3A_183] : memref<2x8x128xi32, #tpu.memory_space<vmem>> -> memref<1x1x128xi32, #tpu.memory_space<vmem>>
        %dma_start3A_185 = tpu.memref_squeeze %dma_start3A_184 : memref<1x1x128xi32, #tpu.memory_space<vmem>> -> memref<128xi32, #tpu.memory_space<vmem>>
        %dma_start3A_186 = arith.constant 0 : i32
        %dma_start3A_187 = arith.constant 0 : i32
        %dma_start3A_188 = tpu.memref_slice %arg9[%dma_start3A_186, %dma_start3A_187] : memref<10240x128xf32, #tpu.memory_space<vmem_shared>> -> memref<10240x128xf32, #tpu.memory_space<vmem_shared>>
        tpu.enqueue_indirect_dma source(%dma_start3A_182 : memref<128x128xf32, #tpu.memory_space<vmem>>) target(%dma_start3A_188 : memref<10240x128xf32, #tpu.memory_space<vmem_shared>>) offsets(%dma_start3A_185 : memref<128xi32, #tpu.memory_space<vmem>>) semaphore(%run_scoped3A_178 : memref<!tpu.dma_semaphore, #tpu.memory_space<semaphore_mem>>) {add = true}
        %dma_wait3A_189 = arith.constant 0 : i32
        %dma_wait3A_190 = arith.constant 0 : i32
        %dma_wait3A_191 = tpu.memref_slice %arg8[%rem3A_123, %dma_wait3A_189, %dma_wait3A_190] : memref<2x128x128xf32, #tpu.memory_space<vmem>> -> memref<1x128x128xf32, #tpu.memory_space<vmem>>
        %dma_wait3A_192 = tpu.memref_squeeze %dma_wait3A_191 : memref<1x128x128xf32, #tpu.memory_space<vmem>> -> memref<128x128xf32, #tpu.memory_space<vmem>>
        %dma_wait3A_193 = arith.constant 0 : i32
        %dma_wait3A_194 = tpu.memref_slice %arg7[%rem3A_121, %sub3A_119, %dma_wait3A_193] : memref<2x8x128xi32, #tpu.memory_space<vmem>> -> memref<1x1x128xi32, #tpu.memory_space<vmem>>
        %dma_wait3A_195 = tpu.memref_squeeze %dma_wait3A_194 : memref<1x1x128xi32, #tpu.memory_space<vmem>> -> memref<128xi32, #tpu.memory_space<vmem>>
        %dma_wait3A_196 = arith.constant 0 : i32
        %dma_wait3A_197 = arith.constant 0 : i32
        %dma_wait3A_198 = tpu.memref_slice %arg9[%dma_wait3A_196, %dma_wait3A_197] : memref<10240x128xf32, #tpu.memory_space<vmem_shared>> -> memref<10240x128xf32, #tpu.memory_space<vmem_shared>>
        tpu.wait_indirect_dma semaphore(%run_scoped3A_178 : memref<!tpu.dma_semaphore, #tpu.memory_space<semaphore_mem>>) src(%dma_wait3A_192 : memref<128x128xf32, #tpu.memory_space<vmem>>) dst(%dma_wait3A_198 : memref<10240x128xf32, #tpu.memory_space<vmem_shared>>)
        tpu.yield
      }) : () -> ()
    }
    %barrier3A_71 = arith.constant 0 : index
    tpu.barrier barrier_id(%barrier3A_71)
    %add3A_72 = arith.constant 0 : i32
    %add3A_73 = arith.addi %mul3A_10, %add3A_72 : i32
    %run_scoped3A_74 = arith.constant 0 : i32
    "tpu.region"() ({
      %run_scoped3A_92 = tpu.sem_alloc : memref<!tpu.dma_semaphore, #tpu.memory_space<semaphore_mem>>
      %dma_start3A_93 = arith.constant 0 : i32
      %dma_start3A_94 = arith.constant 0 : i32
      %dma_start3A_95 = tpu.memref_slice %arg8[%run_scoped3A_74, %dma_start3A_93, %dma_start3A_94] : memref<2x128x128xf32, #tpu.memory_space<vmem>> -> memref<1x128x128xf32, #tpu.memory_space<vmem>>
      %dma_start3A_96 = tpu.memref_squeeze %dma_start3A_95 : memref<1x128x128xf32, #tpu.memory_space<vmem>> -> memref<128x128xf32, #tpu.memory_space<vmem>>
      %dma_start3A_97 = arith.constant 0 : i32
      %dma_start3A_98 = tpu.memref_slice %arg9[%add3A_73, %dma_start3A_97] : memref<10240x128xf32, #tpu.memory_space<vmem_shared>> -> memref<128x128xf32, #tpu.memory_space<vmem_shared>>
      %dma_start3A_99 = arith.constant 0 : i32
      %dma_start3A_100 = arith.constant 0 : i32
      %dma_start3A_101 = tpu.memref_slice %arg8[%run_scoped3A_74, %dma_start3A_99, %dma_start3A_100] : memref<2x128x128xf32, #tpu.memory_space<vmem>> -> memref<1x128x128xf32, #tpu.memory_space<vmem>>
      %dma_start3A_102 = tpu.memref_squeeze %dma_start3A_101 : memref<1x128x128xf32, #tpu.memory_space<vmem>> -> memref<128x128xf32, #tpu.memory_space<vmem>>
      %dma_start3A_103 = arith.constant 0 : i32
      %dma_start3A_104 = tpu.memref_slice %arg9[%add3A_73, %dma_start3A_103] : memref<10240x128xf32, #tpu.memory_space<vmem_shared>> -> memref<128x128xf32, #tpu.memory_space<vmem_shared>>
      tpu.enqueue_dma source(%dma_start3A_104 : memref<128x128xf32, #tpu.memory_space<vmem_shared>>) target(%dma_start3A_102 : memref<128x128xf32, #tpu.memory_space<vmem>>) target_semaphore(%run_scoped3A_92 : memref<!tpu.dma_semaphore, #tpu.memory_space<semaphore_mem>>)
      %dma_wait3A = arith.constant 0 : i32
      %dma_wait3A_105 = arith.constant 0 : i32
      %dma_wait3A_106 = tpu.memref_slice %arg8[%run_scoped3A_74, %dma_wait3A, %dma_wait3A_105] : memref<2x128x128xf32, #tpu.memory_space<vmem>> -> memref<1x128x128xf32, #tpu.memory_space<vmem>>
      %dma_wait3A_107 = tpu.memref_squeeze %dma_wait3A_106 : memref<1x128x128xf32, #tpu.memory_space<vmem>> -> memref<128x128xf32, #tpu.memory_space<vmem>>
      %dma_wait3A_108 = arith.constant 0 : i32
      %dma_wait3A_109 = tpu.memref_slice %arg9[%add3A_73, %dma_wait3A_108] : memref<10240x128xf32, #tpu.memory_space<vmem_shared>> -> memref<128x128xf32, #tpu.memory_space<vmem_shared>>
      %dma_wait3A_110 = arith.constant 0 : i32
      %dma_wait3A_111 = arith.constant 0 : i32
      %dma_wait3A_112 = tpu.memref_slice %arg8[%run_scoped3A_74, %dma_wait3A_110, %dma_wait3A_111] : memref<2x128x128xf32, #tpu.memory_space<vmem>> -> memref<1x128x128xf32, #tpu.memory_space<vmem>>
      %dma_wait3A_113 = tpu.memref_squeeze %dma_wait3A_112 : memref<1x128x128xf32, #tpu.memory_space<vmem>> -> memref<128x128xf32, #tpu.memory_space<vmem>>
      %dma_wait3A_114 = arith.constant 0 : i32
      %dma_wait3A_115 = tpu.memref_slice %arg9[%add3A_73, %dma_wait3A_114] : memref<10240x128xf32, #tpu.memory_space<vmem_shared>> -> memref<128x128xf32, #tpu.memory_space<vmem_shared>>
      tpu.wait_dma2 semaphore(%run_scoped3A_92 : memref<!tpu.dma_semaphore, #tpu.memory_space<semaphore_mem>>) src(%dma_wait3A_115 : memref<128x128xf32, #tpu.memory_space<vmem_shared>>) dst(%dma_wait3A_113 : memref<128x128xf32, #tpu.memory_space<vmem>>)
      tpu.yield
    }) : () -> ()
    %run_scoped3A_75 = arith.constant 0 : i32
    "tpu.region"() ({
      %run_scoped3A_92 = tpu.sem_alloc : memref<!tpu.dma_semaphore, #tpu.memory_space<semaphore_mem>>
      %dma_start3A_93 = arith.constant 0 : i32
      %dma_start3A_94 = arith.constant 0 : i32
      %dma_start3A_95 = tpu.memref_slice %arg8[%run_scoped3A_75, %dma_start3A_93, %dma_start3A_94] : memref<2x128x128xf32, #tpu.memory_space<vmem>> -> memref<1x128x128xf32, #tpu.memory_space<vmem>>
      %dma_start3A_96 = tpu.memref_squeeze %dma_start3A_95 : memref<1x128x128xf32, #tpu.memory_space<vmem>> -> memref<128x128xf32, #tpu.memory_space<vmem>>
      %dma_start3A_97 = arith.constant 0 : i32
      %dma_start3A_98 = tpu.memref_slice %arg5[%arg0, %add3A_73, %dma_start3A_97] : memref<2x10240x128xf32, #tpu.memory_space<hbm>> -> memref<1x128x128xf32, #tpu.memory_space<hbm>>
      %dma_start3A_99 = tpu.memref_squeeze %dma_start3A_98 : memref<1x128x128xf32, #tpu.memory_space<hbm>> -> memref<128x128xf32, #tpu.memory_space<hbm>>
      %dma_start3A_100 = arith.constant 0 : i32
      %dma_start3A_101 = tpu.memref_slice %arg5[%arg0, %add3A_73, %dma_start3A_100] : memref<2x10240x128xf32, #tpu.memory_space<hbm>> -> memref<1x128x128xf32, #tpu.memory_space<hbm>>
      %dma_start3A_102 = tpu.memref_squeeze %dma_start3A_101 : memref<1x128x128xf32, #tpu.memory_space<hbm>> -> memref<128x128xf32, #tpu.memory_space<hbm>>
      %dma_start3A_103 = arith.constant 0 : i32
      %dma_start3A_104 = arith.constant 0 : i32
      %dma_start3A_105 = tpu.memref_slice %arg8[%run_scoped3A_75, %dma_start3A_103, %dma_start3A_104] : memref<2x128x128xf32, #tpu.memory_space<vmem>> -> memref<1x128x128xf32, #tpu.memory_space<vmem>>
      %dma_start3A_106 = tpu.memref_squeeze %dma_start3A_105 : memref<1x128x128xf32, #tpu.memory_space<vmem>> -> memref<128x128xf32, #tpu.memory_space<vmem>>
      tpu.enqueue_dma source(%dma_start3A_106 : memref<128x128xf32, #tpu.memory_space<vmem>>) target(%dma_start3A_102 : memref<128x128xf32, #tpu.memory_space<hbm>>) target_semaphore(%run_scoped3A_92 : memref<!tpu.dma_semaphore, #tpu.memory_space<semaphore_mem>>)
      %dma_wait3A = arith.constant 0 : i32
      %dma_wait3A_107 = arith.constant 0 : i32
      %dma_wait3A_108 = tpu.memref_slice %arg8[%run_scoped3A_75, %dma_wait3A, %dma_wait3A_107] : memref<2x128x128xf32, #tpu.memory_space<vmem>> -> memref<1x128x128xf32, #tpu.memory_space<vmem>>
      %dma_wait3A_109 = tpu.memref_squeeze %dma_wait3A_108 : memref<1x128x128xf32, #tpu.memory_space<vmem>> -> memref<128x128xf32, #tpu.memory_space<vmem>>
      %dma_wait3A_110 = arith.constant 0 : i32
      %dma_wait3A_111 = tpu.memref_slice %arg5[%arg0, %add3A_73, %dma_wait3A_110] : memref<2x10240x128xf32, #tpu.memory_space<hbm>> -> memref<1x128x128xf32, #tpu.memory_space<hbm>>
      %dma_wait3A_112 = tpu.memref_squeeze %dma_wait3A_111 : memref<1x128x128xf32, #tpu.memory_space<hbm>> -> memref<128x128xf32, #tpu.memory_space<hbm>>
      %dma_wait3A_113 = arith.constant 0 : i32
      %dma_wait3A_114 = tpu.memref_slice %arg5[%arg0, %add3A_73, %dma_wait3A_113] : memref<2x10240x128xf32, #tpu.memory_space<hbm>> -> memref<1x128x128xf32, #tpu.memory_space<hbm>>
      %dma_wait3A_115 = tpu.memref_squeeze %dma_wait3A_114 : memref<1x128x128xf32, #tpu.memory_space<hbm>> -> memref<128x128xf32, #tpu.memory_space<hbm>>
      %dma_wait3A_116 = arith.constant 0 : i32
      %dma_wait3A_117 = arith.constant 0 : i32
      %dma_wait3A_118 = tpu.memref_slice %arg8[%run_scoped3A_75, %dma_wait3A_116, %dma_wait3A_117] : memref<2x128x128xf32, #tpu.memory_space<vmem>> -> memref<1x128x128xf32, #tpu.memory_space<vmem>>
      %dma_wait3A_119 = tpu.memref_squeeze %dma_wait3A_118 : memref<1x128x128xf32, #tpu.memory_space<vmem>> -> memref<128x128xf32, #tpu.memory_space<vmem>>
      tpu.wait_dma2 semaphore(%run_scoped3A_92 : memref<!tpu.dma_semaphore, #tpu.memory_space<semaphore_mem>>) src(%dma_wait3A_119 : memref<128x128xf32, #tpu.memory_space<vmem>>) dst(%dma_wait3A_115 : memref<128x128xf32, #tpu.memory_space<hbm>>)
      tpu.yield
    }) : () -> ()
    %add3A_76 = arith.constant 128 : i32
    %add3A_77 = arith.addi %mul3A_10, %add3A_76 : i32
    %run_scoped3A_78 = arith.constant 1 : i32
    "tpu.region"() ({
      %run_scoped3A_92 = tpu.sem_alloc : memref<!tpu.dma_semaphore, #tpu.memory_space<semaphore_mem>>
      %dma_start3A_93 = arith.constant 0 : i32
      %dma_start3A_94 = arith.constant 0 : i32
      %dma_start3A_95 = tpu.memref_slice %arg8[%run_scoped3A_78, %dma_start3A_93, %dma_start3A_94] : memref<2x128x128xf32, #tpu.memory_space<vmem>> -> memref<1x128x128xf32, #tpu.memory_space<vmem>>
      %dma_start3A_96 = tpu.memref_squeeze %dma_start3A_95 : memref<1x128x128xf32, #tpu.memory_space<vmem>> -> memref<128x128xf32, #tpu.memory_space<vmem>>
      %dma_start3A_97 = arith.constant 0 : i32
      %dma_start3A_98 = tpu.memref_slice %arg9[%add3A_77, %dma_start3A_97] : memref<10240x128xf32, #tpu.memory_space<vmem_shared>> -> memref<128x128xf32, #tpu.memory_space<vmem_shared>>
      %dma_start3A_99 = arith.constant 0 : i32
      %dma_start3A_100 = arith.constant 0 : i32
      %dma_start3A_101 = tpu.memref_slice %arg8[%run_scoped3A_78, %dma_start3A_99, %dma_start3A_100] : memref<2x128x128xf32, #tpu.memory_space<vmem>> -> memref<1x128x128xf32, #tpu.memory_space<vmem>>
      %dma_start3A_102 = tpu.memref_squeeze %dma_start3A_101 : memref<1x128x128xf32, #tpu.memory_space<vmem>> -> memref<128x128xf32, #tpu.memory_space<vmem>>
      %dma_start3A_103 = arith.constant 0 : i32
      %dma_start3A_104 = tpu.memref_slice %arg9[%add3A_77, %dma_start3A_103] : memref<10240x128xf32, #tpu.memory_space<vmem_shared>> -> memref<128x128xf32, #tpu.memory_space<vmem_shared>>
      tpu.enqueue_dma source(%dma_start3A_104 : memref<128x128xf32, #tpu.memory_space<vmem_shared>>) target(%dma_start3A_102 : memref<128x128xf32, #tpu.memory_space<vmem>>) target_semaphore(%run_scoped3A_92 : memref<!tpu.dma_semaphore, #tpu.memory_space<semaphore_mem>>)
      %dma_wait3A = arith.constant 0 : i32
      %dma_wait3A_105 = arith.constant 0 : i32
      %dma_wait3A_106 = tpu.memref_slice %arg8[%run_scoped3A_78, %dma_wait3A, %dma_wait3A_105] : memref<2x128x128xf32, #tpu.memory_space<vmem>> -> memref<1x128x128xf32, #tpu.memory_space<vmem>>
      %dma_wait3A_107 = tpu.memref_squeeze %dma_wait3A_106 : memref<1x128x128xf32, #tpu.memory_space<vmem>> -> memref<128x128xf32, #tpu.memory_space<vmem>>
      %dma_wait3A_108 = arith.constant 0 : i32
      %dma_wait3A_109 = tpu.memref_slice %arg9[%add3A_77, %dma_wait3A_108] : memref<10240x128xf32, #tpu.memory_space<vmem_shared>> -> memref<128x128xf32, #tpu.memory_space<vmem_shared>>
      %dma_wait3A_110 = arith.constant 0 : i32
      %dma_wait3A_111 = arith.constant 0 : i32
      %dma_wait3A_112 = tpu.memref_slice %arg8[%run_scoped3A_78, %dma_wait3A_110, %dma_wait3A_111] : memref<2x128x128xf32, #tpu.memory_space<vmem>> -> memref<1x128x128xf32, #tpu.memory_space<vmem>>
      %dma_wait3A_113 = tpu.memref_squeeze %dma_wait3A_112 : memref<1x128x128xf32, #tpu.memory_space<vmem>> -> memref<128x128xf32, #tpu.memory_space<vmem>>
      %dma_wait3A_114 = arith.constant 0 : i32
      %dma_wait3A_115 = tpu.memref_slice %arg9[%add3A_77, %dma_wait3A_114] : memref<10240x128xf32, #tpu.memory_space<vmem_shared>> -> memref<128x128xf32, #tpu.memory_space<vmem_shared>>
      tpu.wait_dma2 semaphore(%run_scoped3A_92 : memref<!tpu.dma_semaphore, #tpu.memory_space<semaphore_mem>>) src(%dma_wait3A_115 : memref<128x128xf32, #tpu.memory_space<vmem_shared>>) dst(%dma_wait3A_113 : memref<128x128xf32, #tpu.memory_space<vmem>>)
      tpu.yield
    }) : () -> ()
    %run_scoped3A_79 = arith.constant 1 : i32
    "tpu.region"() ({
      %run_scoped3A_92 = tpu.sem_alloc : memref<!tpu.dma_semaphore, #tpu.memory_space<semaphore_mem>>
      %dma_start3A_93 = arith.constant 0 : i32
      %dma_start3A_94 = arith.constant 0 : i32
      %dma_start3A_95 = tpu.memref_slice %arg8[%run_scoped3A_79, %dma_start3A_93, %dma_start3A_94] : memref<2x128x128xf32, #tpu.memory_space<vmem>> -> memref<1x128x128xf32, #tpu.memory_space<vmem>>
      %dma_start3A_96 = tpu.memref_squeeze %dma_start3A_95 : memref<1x128x128xf32, #tpu.memory_space<vmem>> -> memref<128x128xf32, #tpu.memory_space<vmem>>
      %dma_start3A_97 = arith.constant 0 : i32
      %dma_start3A_98 = tpu.memref_slice %arg5[%arg0, %add3A_77, %dma_start3A_97] : memref<2x10240x128xf32, #tpu.memory_space<hbm>> -> memref<1x128x128xf32, #tpu.memory_space<hbm>>
      %dma_start3A_99 = tpu.memref_squeeze %dma_start3A_98 : memref<1x128x128xf32, #tpu.memory_space<hbm>> -> memref<128x128xf32, #tpu.memory_space<hbm>>
      %dma_start3A_100 = arith.constant 0 : i32
      %dma_start3A_101 = tpu.memref_slice %arg5[%arg0, %add3A_77, %dma_start3A_100] : memref<2x10240x128xf32, #tpu.memory_space<hbm>> -> memref<1x128x128xf32, #tpu.memory_space<hbm>>
      %dma_start3A_102 = tpu.memref_squeeze %dma_start3A_101 : memref<1x128x128xf32, #tpu.memory_space<hbm>> -> memref<128x128xf32, #tpu.memory_space<hbm>>
      %dma_start3A_103 = arith.constant 0 : i32
      %dma_start3A_104 = arith.constant 0 : i32
      %dma_start3A_105 = tpu.memref_slice %arg8[%run_scoped3A_79, %dma_start3A_103, %dma_start3A_104] : memref<2x128x128xf32, #tpu.memory_space<vmem>> -> memref<1x128x128xf32, #tpu.memory_space<vmem>>
      %dma_start3A_106 = tpu.memref_squeeze %dma_start3A_105 : memref<1x128x128xf32, #tpu.memory_space<vmem>> -> memref<128x128xf32, #tpu.memory_space<vmem>>
      tpu.enqueue_dma source(%dma_start3A_106 : memref<128x128xf32, #tpu.memory_space<vmem>>) target(%dma_start3A_102 : memref<128x128xf32, #tpu.memory_space<hbm>>) target_semaphore(%run_scoped3A_92 : memref<!tpu.dma_semaphore, #tpu.memory_space<semaphore_mem>>)
      %dma_wait3A = arith.constant 0 : i32
      %dma_wait3A_107 = arith.constant 0 : i32
      %dma_wait3A_108 = tpu.memref_slice %arg8[%run_scoped3A_79, %dma_wait3A, %dma_wait3A_107] : memref<2x128x128xf32, #tpu.memory_space<vmem>> -> memref<1x128x128xf32, #tpu.memory_space<vmem>>
      %dma_wait3A_109 = tpu.memref_squeeze %dma_wait3A_108 : memref<1x128x128xf32, #tpu.memory_space<vmem>> -> memref<128x128xf32, #tpu.memory_space<vmem>>
      %dma_wait3A_110 = arith.constant 0 : i32
      %dma_wait3A_111 = tpu.memref_slice %arg5[%arg0, %add3A_77, %dma_wait3A_110] : memref<2x10240x128xf32, #tpu.memory_space<hbm>> -> memref<1x128x128xf32, #tpu.memory_space<hbm>>
      %dma_wait3A_112 = tpu.memref_squeeze %dma_wait3A_111 : memref<1x128x128xf32, #tpu.memory_space<hbm>> -> memref<128x128xf32, #tpu.memory_space<hbm>>
      %dma_wait3A_113 = arith.constant 0 : i32
      %dma_wait3A_114 = tpu.memref_slice %arg5[%arg0, %add3A_77, %dma_wait3A_113] : memref<2x10240x128xf32, #tpu.memory_space<hbm>> -> memref<1x128x128xf32, #tpu.memory_space<hbm>>
      %dma_wait3A_115 = tpu.memref_squeeze %dma_wait3A_114 : memref<1x128x128xf32, #tpu.memory_space<hbm>> -> memref<128x128xf32, #tpu.memory_space<hbm>>
      %dma_wait3A_116 = arith.constant 0 : i32
      %dma_wait3A_117 = arith.constant 0 : i32
      %dma_wait3A_118 = tpu.memref_slice %arg8[%run_scoped3A_79, %dma_wait3A_116, %dma_wait3A_117] : memref<2x128x128xf32, #tpu.memory_space<vmem>> -> memref<1x128x128xf32, #tpu.memory_space<vmem>>
      %dma_wait3A_119 = tpu.memref_squeeze %dma_wait3A_118 : memref<1x128x128xf32, #tpu.memory_space<vmem>> -> memref<128x128xf32, #tpu.memory_space<vmem>>
      tpu.wait_dma2 semaphore(%run_scoped3A_92 : memref<!tpu.dma_semaphore, #tpu.memory_space<semaphore_mem>>) src(%dma_wait3A_119 : memref<128x128xf32, #tpu.memory_space<vmem>>) dst(%dma_wait3A_115 : memref<128x128xf32, #tpu.memory_space<hbm>>)
      tpu.yield
    }) : () -> ()
    %add3A_80 = arith.constant 256 : i32
    %add3A_81 = arith.addi %mul3A_10, %add3A_80 : i32
    %run_scoped3A_82 = arith.constant 0 : i32
    "tpu.region"() ({
      %run_scoped3A_92 = tpu.sem_alloc : memref<!tpu.dma_semaphore, #tpu.memory_space<semaphore_mem>>
      %dma_start3A_93 = arith.constant 0 : i32
      %dma_start3A_94 = arith.constant 0 : i32
      %dma_start3A_95 = tpu.memref_slice %arg8[%run_scoped3A_82, %dma_start3A_93, %dma_start3A_94] : memref<2x128x128xf32, #tpu.memory_space<vmem>> -> memref<1x128x128xf32, #tpu.memory_space<vmem>>
      %dma_start3A_96 = tpu.memref_squeeze %dma_start3A_95 : memref<1x128x128xf32, #tpu.memory_space<vmem>> -> memref<128x128xf32, #tpu.memory_space<vmem>>
      %dma_start3A_97 = arith.constant 0 : i32
      %dma_start3A_98 = tpu.memref_slice %arg9[%add3A_81, %dma_start3A_97] : memref<10240x128xf32, #tpu.memory_space<vmem_shared>> -> memref<128x128xf32, #tpu.memory_space<vmem_shared>>
      %dma_start3A_99 = arith.constant 0 : i32
      %dma_start3A_100 = arith.constant 0 : i32
      %dma_start3A_101 = tpu.memref_slice %arg8[%run_scoped3A_82, %dma_start3A_99, %dma_start3A_100] : memref<2x128x128xf32, #tpu.memory_space<vmem>> -> memref<1x128x128xf32, #tpu.memory_space<vmem>>
      %dma_start3A_102 = tpu.memref_squeeze %dma_start3A_101 : memref<1x128x128xf32, #tpu.memory_space<vmem>> -> memref<128x128xf32, #tpu.memory_space<vmem>>
      %dma_start3A_103 = arith.constant 0 : i32
      %dma_start3A_104 = tpu.memref_slice %arg9[%add3A_81, %dma_start3A_103] : memref<10240x128xf32, #tpu.memory_space<vmem_shared>> -> memref<128x128xf32, #tpu.memory_space<vmem_shared>>
      tpu.enqueue_dma source(%dma_start3A_104 : memref<128x128xf32, #tpu.memory_space<vmem_shared>>) target(%dma_start3A_102 : memref<128x128xf32, #tpu.memory_space<vmem>>) target_semaphore(%run_scoped3A_92 : memref<!tpu.dma_semaphore, #tpu.memory_space<semaphore_mem>>)
      %dma_wait3A = arith.constant 0 : i32
      %dma_wait3A_105 = arith.constant 0 : i32
      %dma_wait3A_106 = tpu.memref_slice %arg8[%run_scoped3A_82, %dma_wait3A, %dma_wait3A_105] : memref<2x128x128xf32, #tpu.memory_space<vmem>> -> memref<1x128x128xf32, #tpu.memory_space<vmem>>
      %dma_wait3A_107 = tpu.memref_squeeze %dma_wait3A_106 : memref<1x128x128xf32, #tpu.memory_space<vmem>> -> memref<128x128xf32, #tpu.memory_space<vmem>>
      %dma_wait3A_108 = arith.constant 0 : i32
      %dma_wait3A_109 = tpu.memref_slice %arg9[%add3A_81, %dma_wait3A_108] : memref<10240x128xf32, #tpu.memory_space<vmem_shared>> -> memref<128x128xf32, #tpu.memory_space<vmem_shared>>
      %dma_wait3A_110 = arith.constant 0 : i32
      %dma_wait3A_111 = arith.constant 0 : i32
      %dma_wait3A_112 = tpu.memref_slice %arg8[%run_scoped3A_82, %dma_wait3A_110, %dma_wait3A_111] : memref<2x128x128xf32, #tpu.memory_space<vmem>> -> memref<1x128x128xf32, #tpu.memory_space<vmem>>
      %dma_wait3A_113 = tpu.memref_squeeze %dma_wait3A_112 : memref<1x128x128xf32, #tpu.memory_space<vmem>> -> memref<128x128xf32, #tpu.memory_space<vmem>>
      %dma_wait3A_114 = arith.constant 0 : i32
      %dma_wait3A_115 = tpu.memref_slice %arg9[%add3A_81, %dma_wait3A_114] : memref<10240x128xf32, #tpu.memory_space<vmem_shared>> -> memref<128x128xf32, #tpu.memory_space<vmem_shared>>
      tpu.wait_dma2 semaphore(%run_scoped3A_92 : memref<!tpu.dma_semaphore, #tpu.memory_space<semaphore_mem>>) src(%dma_wait3A_115 : memref<128x128xf32, #tpu.memory_space<vmem_shared>>) dst(%dma_wait3A_113 : memref<128x128xf32, #tpu.memory_space<vmem>>)
      tpu.yield
    }) : () -> ()
    %run_scoped3A_83 = arith.constant 0 : i32
    "tpu.region"() ({
      %run_scoped3A_92 = tpu.sem_alloc : memref<!tpu.dma_semaphore, #tpu.memory_space<semaphore_mem>>
      %dma_start3A_93 = arith.constant 0 : i32
      %dma_start3A_94 = arith.constant 0 : i32
      %dma_start3A_95 = tpu.memref_slice %arg8[%run_scoped3A_83, %dma_start3A_93, %dma_start3A_94] : memref<2x128x128xf32, #tpu.memory_space<vmem>> -> memref<1x128x128xf32, #tpu.memory_space<vmem>>
      %dma_start3A_96 = tpu.memref_squeeze %dma_start3A_95 : memref<1x128x128xf32, #tpu.memory_space<vmem>> -> memref<128x128xf32, #tpu.memory_space<vmem>>
      %dma_start3A_97 = arith.constant 0 : i32
      %dma_start3A_98 = tpu.memref_slice %arg5[%arg0, %add3A_81, %dma_start3A_97] : memref<2x10240x128xf32, #tpu.memory_space<hbm>> -> memref<1x128x128xf32, #tpu.memory_space<hbm>>
      %dma_start3A_99 = tpu.memref_squeeze %dma_start3A_98 : memref<1x128x128xf32, #tpu.memory_space<hbm>> -> memref<128x128xf32, #tpu.memory_space<hbm>>
      %dma_start3A_100 = arith.constant 0 : i32
      %dma_start3A_101 = tpu.memref_slice %arg5[%arg0, %add3A_81, %dma_start3A_100] : memref<2x10240x128xf32, #tpu.memory_space<hbm>> -> memref<1x128x128xf32, #tpu.memory_space<hbm>>
      %dma_start3A_102 = tpu.memref_squeeze %dma_start3A_101 : memref<1x128x128xf32, #tpu.memory_space<hbm>> -> memref<128x128xf32, #tpu.memory_space<hbm>>
      %dma_start3A_103 = arith.constant 0 : i32
      %dma_start3A_104 = arith.constant 0 : i32
      %dma_start3A_105 = tpu.memref_slice %arg8[%run_scoped3A_83, %dma_start3A_103, %dma_start3A_104] : memref<2x128x128xf32, #tpu.memory_space<vmem>> -> memref<1x128x128xf32, #tpu.memory_space<vmem>>
      %dma_start3A_106 = tpu.memref_squeeze %dma_start3A_105 : memref<1x128x128xf32, #tpu.memory_space<vmem>> -> memref<128x128xf32, #tpu.memory_space<vmem>>
      tpu.enqueue_dma source(%dma_start3A_106 : memref<128x128xf32, #tpu.memory_space<vmem>>) target(%dma_start3A_102 : memref<128x128xf32, #tpu.memory_space<hbm>>) target_semaphore(%run_scoped3A_92 : memref<!tpu.dma_semaphore, #tpu.memory_space<semaphore_mem>>)
      %dma_wait3A = arith.constant 0 : i32
      %dma_wait3A_107 = arith.constant 0 : i32
      %dma_wait3A_108 = tpu.memref_slice %arg8[%run_scoped3A_83, %dma_wait3A, %dma_wait3A_107] : memref<2x128x128xf32, #tpu.memory_space<vmem>> -> memref<1x128x128xf32, #tpu.memory_space<vmem>>
      %dma_wait3A_109 = tpu.memref_squeeze %dma_wait3A_108 : memref<1x128x128xf32, #tpu.memory_space<vmem>> -> memref<128x128xf32, #tpu.memory_space<vmem>>
      %dma_wait3A_110 = arith.constant 0 : i32
      %dma_wait3A_111 = tpu.memref_slice %arg5[%arg0, %add3A_81, %dma_wait3A_110] : memref<2x10240x128xf32, #tpu.memory_space<hbm>> -> memref<1x128x128xf32, #tpu.memory_space<hbm>>
      %dma_wait3A_112 = tpu.memref_squeeze %dma_wait3A_111 : memref<1x128x128xf32, #tpu.memory_space<hbm>> -> memref<128x128xf32, #tpu.memory_space<hbm>>
      %dma_wait3A_113 = arith.constant 0 : i32
      %dma_wait3A_114 = tpu.memref_slice %arg5[%arg0, %add3A_81, %dma_wait3A_113] : memref<2x10240x128xf32, #tpu.memory_space<hbm>> -> memref<1x128x128xf32, #tpu.memory_space<hbm>>
      %dma_wait3A_115 = tpu.memref_squeeze %dma_wait3A_114 : memref<1x128x128xf32, #tpu.memory_space<hbm>> -> memref<128x128xf32, #tpu.memory_space<hbm>>
      %dma_wait3A_116 = arith.constant 0 : i32
      %dma_wait3A_117 = arith.constant 0 : i32
      %dma_wait3A_118 = tpu.memref_slice %arg8[%run_scoped3A_83, %dma_wait3A_116, %dma_wait3A_117] : memref<2x128x128xf32, #tpu.memory_space<vmem>> -> memref<1x128x128xf32, #tpu.memory_space<vmem>>
      %dma_wait3A_119 = tpu.memref_squeeze %dma_wait3A_118 : memref<1x128x128xf32, #tpu.memory_space<vmem>> -> memref<128x128xf32, #tpu.memory_space<vmem>>
      tpu.wait_dma2 semaphore(%run_scoped3A_92 : memref<!tpu.dma_semaphore, #tpu.memory_space<semaphore_mem>>) src(%dma_wait3A_119 : memref<128x128xf32, #tpu.memory_space<vmem>>) dst(%dma_wait3A_115 : memref<128x128xf32, #tpu.memory_space<hbm>>)
      tpu.yield
    }) : () -> ()
    %add3A_84 = arith.constant 384 : i32
    %add3A_85 = arith.addi %mul3A_10, %add3A_84 : i32
    %run_scoped3A_86 = arith.constant 1 : i32
    "tpu.region"() ({
      %run_scoped3A_92 = tpu.sem_alloc : memref<!tpu.dma_semaphore, #tpu.memory_space<semaphore_mem>>
      %dma_start3A_93 = arith.constant 0 : i32
      %dma_start3A_94 = arith.constant 0 : i32
      %dma_start3A_95 = tpu.memref_slice %arg8[%run_scoped3A_86, %dma_start3A_93, %dma_start3A_94] : memref<2x128x128xf32, #tpu.memory_space<vmem>> -> memref<1x128x128xf32, #tpu.memory_space<vmem>>
      %dma_start3A_96 = tpu.memref_squeeze %dma_start3A_95 : memref<1x128x128xf32, #tpu.memory_space<vmem>> -> memref<128x128xf32, #tpu.memory_space<vmem>>
      %dma_start3A_97 = arith.constant 0 : i32
      %dma_start3A_98 = tpu.memref_slice %arg9[%add3A_85, %dma_start3A_97] : memref<10240x128xf32, #tpu.memory_space<vmem_shared>> -> memref<128x128xf32, #tpu.memory_space<vmem_shared>>
      %dma_start3A_99 = arith.constant 0 : i32
      %dma_start3A_100 = arith.constant 0 : i32
      %dma_start3A_101 = tpu.memref_slice %arg8[%run_scoped3A_86, %dma_start3A_99, %dma_start3A_100] : memref<2x128x128xf32, #tpu.memory_space<vmem>> -> memref<1x128x128xf32, #tpu.memory_space<vmem>>
      %dma_start3A_102 = tpu.memref_squeeze %dma_start3A_101 : memref<1x128x128xf32, #tpu.memory_space<vmem>> -> memref<128x128xf32, #tpu.memory_space<vmem>>
      %dma_start3A_103 = arith.constant 0 : i32
      %dma_start3A_104 = tpu.memref_slice %arg9[%add3A_85, %dma_start3A_103] : memref<10240x128xf32, #tpu.memory_space<vmem_shared>> -> memref<128x128xf32, #tpu.memory_space<vmem_shared>>
      tpu.enqueue_dma source(%dma_start3A_104 : memref<128x128xf32, #tpu.memory_space<vmem_shared>>) target(%dma_start3A_102 : memref<128x128xf32, #tpu.memory_space<vmem>>) target_semaphore(%run_scoped3A_92 : memref<!tpu.dma_semaphore, #tpu.memory_space<semaphore_mem>>)
      %dma_wait3A = arith.constant 0 : i32
      %dma_wait3A_105 = arith.constant 0 : i32
      %dma_wait3A_106 = tpu.memref_slice %arg8[%run_scoped3A_86, %dma_wait3A, %dma_wait3A_105] : memref<2x128x128xf32, #tpu.memory_space<vmem>> -> memref<1x128x128xf32, #tpu.memory_space<vmem>>
      %dma_wait3A_107 = tpu.memref_squeeze %dma_wait3A_106 : memref<1x128x128xf32, #tpu.memory_space<vmem>> -> memref<128x128xf32, #tpu.memory_space<vmem>>
      %dma_wait3A_108 = arith.constant 0 : i32
      %dma_wait3A_109 = tpu.memref_slice %arg9[%add3A_85, %dma_wait3A_108] : memref<10240x128xf32, #tpu.memory_space<vmem_shared>> -> memref<128x128xf32, #tpu.memory_space<vmem_shared>>
      %dma_wait3A_110 = arith.constant 0 : i32
      %dma_wait3A_111 = arith.constant 0 : i32
      %dma_wait3A_112 = tpu.memref_slice %arg8[%run_scoped3A_86, %dma_wait3A_110, %dma_wait3A_111] : memref<2x128x128xf32, #tpu.memory_space<vmem>> -> memref<1x128x128xf32, #tpu.memory_space<vmem>>
      %dma_wait3A_113 = tpu.memref_squeeze %dma_wait3A_112 : memref<1x128x128xf32, #tpu.memory_space<vmem>> -> memref<128x128xf32, #tpu.memory_space<vmem>>
      %dma_wait3A_114 = arith.constant 0 : i32
      %dma_wait3A_115 = tpu.memref_slice %arg9[%add3A_85, %dma_wait3A_114] : memref<10240x128xf32, #tpu.memory_space<vmem_shared>> -> memref<128x128xf32, #tpu.memory_space<vmem_shared>>
      tpu.wait_dma2 semaphore(%run_scoped3A_92 : memref<!tpu.dma_semaphore, #tpu.memory_space<semaphore_mem>>) src(%dma_wait3A_115 : memref<128x128xf32, #tpu.memory_space<vmem_shared>>) dst(%dma_wait3A_113 : memref<128x128xf32, #tpu.memory_space<vmem>>)
      tpu.yield
    }) : () -> ()
    %run_scoped3A_87 = arith.constant 1 : i32
    "tpu.region"() ({
      %run_scoped3A_92 = tpu.sem_alloc : memref<!tpu.dma_semaphore, #tpu.memory_space<semaphore_mem>>
      %dma_start3A_93 = arith.constant 0 : i32
      %dma_start3A_94 = arith.constant 0 : i32
      %dma_start3A_95 = tpu.memref_slice %arg8[%run_scoped3A_87, %dma_start3A_93, %dma_start3A_94] : memref<2x128x128xf32, #tpu.memory_space<vmem>> -> memref<1x128x128xf32, #tpu.memory_space<vmem>>
      %dma_start3A_96 = tpu.memref_squeeze %dma_start3A_95 : memref<1x128x128xf32, #tpu.memory_space<vmem>> -> memref<128x128xf32, #tpu.memory_space<vmem>>
      %dma_start3A_97 = arith.constant 0 : i32
      %dma_start3A_98 = tpu.memref_slice %arg5[%arg0, %add3A_85, %dma_start3A_97] : memref<2x10240x128xf32, #tpu.memory_space<hbm>> -> memref<1x128x128xf32, #tpu.memory_space<hbm>>
      %dma_start3A_99 = tpu.memref_squeeze %dma_start3A_98 : memref<1x128x128xf32, #tpu.memory_space<hbm>> -> memref<128x128xf32, #tpu.memory_space<hbm>>
      %dma_start3A_100 = arith.constant 0 : i32
      %dma_start3A_101 = tpu.memref_slice %arg5[%arg0, %add3A_85, %dma_start3A_100] : memref<2x10240x128xf32, #tpu.memory_space<hbm>> -> memref<1x128x128xf32, #tpu.memory_space<hbm>>
      %dma_start3A_102 = tpu.memref_squeeze %dma_start3A_101 : memref<1x128x128xf32, #tpu.memory_space<hbm>> -> memref<128x128xf32, #tpu.memory_space<hbm>>
      %dma_start3A_103 = arith.constant 0 : i32
      %dma_start3A_104 = arith.constant 0 : i32
      %dma_start3A_105 = tpu.memref_slice %arg8[%run_scoped3A_87, %dma_start3A_103, %dma_start3A_104] : memref<2x128x128xf32, #tpu.memory_space<vmem>> -> memref<1x128x128xf32, #tpu.memory_space<vmem>>
      %dma_start3A_106 = tpu.memref_squeeze %dma_start3A_105 : memref<1x128x128xf32, #tpu.memory_space<vmem>> -> memref<128x128xf32, #tpu.memory_space<vmem>>
      tpu.enqueue_dma source(%dma_start3A_106 : memref<128x128xf32, #tpu.memory_space<vmem>>) target(%dma_start3A_102 : memref<128x128xf32, #tpu.memory_space<hbm>>) target_semaphore(%run_scoped3A_92 : memref<!tpu.dma_semaphore, #tpu.memory_space<semaphore_mem>>)
      %dma_wait3A = arith.constant 0 : i32
      %dma_wait3A_107 = arith.constant 0 : i32
      %dma_wait3A_108 = tpu.memref_slice %arg8[%run_scoped3A_87, %dma_wait3A, %dma_wait3A_107] : memref<2x128x128xf32, #tpu.memory_space<vmem>> -> memref<1x128x128xf32, #tpu.memory_space<vmem>>
      %dma_wait3A_109 = tpu.memref_squeeze %dma_wait3A_108 : memref<1x128x128xf32, #tpu.memory_space<vmem>> -> memref<128x128xf32, #tpu.memory_space<vmem>>
      %dma_wait3A_110 = arith.constant 0 : i32
      %dma_wait3A_111 = tpu.memref_slice %arg5[%arg0, %add3A_85, %dma_wait3A_110] : memref<2x10240x128xf32, #tpu.memory_space<hbm>> -> memref<1x128x128xf32, #tpu.memory_space<hbm>>
      %dma_wait3A_112 = tpu.memref_squeeze %dma_wait3A_111 : memref<1x128x128xf32, #tpu.memory_space<hbm>> -> memref<128x128xf32, #tpu.memory_space<hbm>>
      %dma_wait3A_113 = arith.constant 0 : i32
      %dma_wait3A_114 = tpu.memref_slice %arg5[%arg0, %add3A_85, %dma_wait3A_113] : memref<2x10240x128xf32, #tpu.memory_space<hbm>> -> memref<1x128x128xf32, #tpu.memory_space<hbm>>
      %dma_wait3A_115 = tpu.memref_squeeze %dma_wait3A_114 : memref<1x128x128xf32, #tpu.memory_space<hbm>> -> memref<128x128xf32, #tpu.memory_space<hbm>>
      %dma_wait3A_116 = arith.constant 0 : i32
      %dma_wait3A_117 = arith.constant 0 : i32
      %dma_wait3A_118 = tpu.memref_slice %arg8[%run_scoped3A_87, %dma_wait3A_116, %dma_wait3A_117] : memref<2x128x128xf32, #tpu.memory_space<vmem>> -> memref<1x128x128xf32, #tpu.memory_space<vmem>>
      %dma_wait3A_119 = tpu.memref_squeeze %dma_wait3A_118 : memref<1x128x128xf32, #tpu.memory_space<vmem>> -> memref<128x128xf32, #tpu.memory_space<vmem>>
      tpu.wait_dma2 semaphore(%run_scoped3A_92 : memref<!tpu.dma_semaphore, #tpu.memory_space<semaphore_mem>>) src(%dma_wait3A_119 : memref<128x128xf32, #tpu.memory_space<vmem>>) dst(%dma_wait3A_115 : memref<128x128xf32, #tpu.memory_space<hbm>>)
      tpu.yield
    }) : () -> ()
    %add3A_88 = arith.constant 512 : i32
    %add3A_89 = arith.addi %mul3A_10, %add3A_88 : i32
    %run_scoped3A_90 = arith.constant 0 : i32
    "tpu.region"() ({
      %run_scoped3A_92 = tpu.sem_alloc : memref<!tpu.dma_semaphore, #tpu.memory_space<semaphore_mem>>
      %dma_start3A_93 = arith.constant 0 : i32
      %dma_start3A_94 = arith.constant 0 : i32
      %dma_start3A_95 = tpu.memref_slice %arg8[%run_scoped3A_90, %dma_start3A_93, %dma_start3A_94] : memref<2x128x128xf32, #tpu.memory_space<vmem>> -> memref<1x128x128xf32, #tpu.memory_space<vmem>>
      %dma_start3A_96 = tpu.memref_squeeze %dma_start3A_95 : memref<1x128x128xf32, #tpu.memory_space<vmem>> -> memref<128x128xf32, #tpu.memory_space<vmem>>
      %dma_start3A_97 = arith.constant 0 : i32
      %dma_start3A_98 = tpu.memref_slice %arg9[%add3A_89, %dma_start3A_97] : memref<10240x128xf32, #tpu.memory_space<vmem_shared>> -> memref<128x128xf32, #tpu.memory_space<vmem_shared>>
      %dma_start3A_99 = arith.constant 0 : i32
      %dma_start3A_100 = arith.constant 0 : i32
      %dma_start3A_101 = tpu.memref_slice %arg8[%run_scoped3A_90, %dma_start3A_99, %dma_start3A_100] : memref<2x128x128xf32, #tpu.memory_space<vmem>> -> memref<1x128x128xf32, #tpu.memory_space<vmem>>
      %dma_start3A_102 = tpu.memref_squeeze %dma_start3A_101 : memref<1x128x128xf32, #tpu.memory_space<vmem>> -> memref<128x128xf32, #tpu.memory_space<vmem>>
      %dma_start3A_103 = arith.constant 0 : i32
      %dma_start3A_104 = tpu.memref_slice %arg9[%add3A_89, %dma_start3A_103] : memref<10240x128xf32, #tpu.memory_space<vmem_shared>> -> memref<128x128xf32, #tpu.memory_space<vmem_shared>>
      tpu.enqueue_dma source(%dma_start3A_104 : memref<128x128xf32, #tpu.memory_space<vmem_shared>>) target(%dma_start3A_102 : memref<128x128xf32, #tpu.memory_space<vmem>>) target_semaphore(%run_scoped3A_92 : memref<!tpu.dma_semaphore, #tpu.memory_space<semaphore_mem>>)
      %dma_wait3A = arith.constant 0 : i32
      %dma_wait3A_105 = arith.constant 0 : i32
      %dma_wait3A_106 = tpu.memref_slice %arg8[%run_scoped3A_90, %dma_wait3A, %dma_wait3A_105] : memref<2x128x128xf32, #tpu.memory_space<vmem>> -> memref<1x128x128xf32, #tpu.memory_space<vmem>>
      %dma_wait3A_107 = tpu.memref_squeeze %dma_wait3A_106 : memref<1x128x128xf32, #tpu.memory_space<vmem>> -> memref<128x128xf32, #tpu.memory_space<vmem>>
      %dma_wait3A_108 = arith.constant 0 : i32
      %dma_wait3A_109 = tpu.memref_slice %arg9[%add3A_89, %dma_wait3A_108] : memref<10240x128xf32, #tpu.memory_space<vmem_shared>> -> memref<128x128xf32, #tpu.memory_space<vmem_shared>>
      %dma_wait3A_110 = arith.constant 0 : i32
      %dma_wait3A_111 = arith.constant 0 : i32
      %dma_wait3A_112 = tpu.memref_slice %arg8[%run_scoped3A_90, %dma_wait3A_110, %dma_wait3A_111] : memref<2x128x128xf32, #tpu.memory_space<vmem>> -> memref<1x128x128xf32, #tpu.memory_space<vmem>>
      %dma_wait3A_113 = tpu.memref_squeeze %dma_wait3A_112 : memref<1x128x128xf32, #tpu.memory_space<vmem>> -> memref<128x128xf32, #tpu.memory_space<vmem>>
      %dma_wait3A_114 = arith.constant 0 : i32
      %dma_wait3A_115 = tpu.memref_slice %arg9[%add3A_89, %dma_wait3A_114] : memref<10240x128xf32, #tpu.memory_space<vmem_shared>> -> memref<128x128xf32, #tpu.memory_space<vmem_shared>>
      tpu.wait_dma2 semaphore(%run_scoped3A_92 : memref<!tpu.dma_semaphore, #tpu.memory_space<semaphore_mem>>) src(%dma_wait3A_115 : memref<128x128xf32, #tpu.memory_space<vmem_shared>>) dst(%dma_wait3A_113 : memref<128x128xf32, #tpu.memory_space<vmem>>)
      tpu.yield
    }) : () -> ()
    %run_scoped3A_91 = arith.constant 0 : i32
    "tpu.region"() ({
      %run_scoped3A_92 = tpu.sem_alloc : memref<!tpu.dma_semaphore, #tpu.memory_space<semaphore_mem>>
      %dma_start3A_93 = arith.constant 0 : i32
      %dma_start3A_94 = arith.constant 0 : i32
      %dma_start3A_95 = tpu.memref_slice %arg8[%run_scoped3A_91, %dma_start3A_93, %dma_start3A_94] : memref<2x128x128xf32, #tpu.memory_space<vmem>> -> memref<1x128x128xf32, #tpu.memory_space<vmem>>
      %dma_start3A_96 = tpu.memref_squeeze %dma_start3A_95 : memref<1x128x128xf32, #tpu.memory_space<vmem>> -> memref<128x128xf32, #tpu.memory_space<vmem>>
      %dma_start3A_97 = arith.constant 0 : i32
      %dma_start3A_98 = tpu.memref_slice %arg5[%arg0, %add3A_89, %dma_start3A_97] : memref<2x10240x128xf32, #tpu.memory_space<hbm>> -> memref<1x128x128xf32, #tpu.memory_space<hbm>>
      %dma_start3A_99 = tpu.memref_squeeze %dma_start3A_98 : memref<1x128x128xf32, #tpu.memory_space<hbm>> -> memref<128x128xf32, #tpu.memory_space<hbm>>
      %dma_start3A_100 = arith.constant 0 : i32
      %dma_start3A_101 = tpu.memref_slice %arg5[%arg0, %add3A_89, %dma_start3A_100] : memref<2x10240x128xf32, #tpu.memory_space<hbm>> -> memref<1x128x128xf32, #tpu.memory_space<hbm>>
      %dma_start3A_102 = tpu.memref_squeeze %dma_start3A_101 : memref<1x128x128xf32, #tpu.memory_space<hbm>> -> memref<128x128xf32, #tpu.memory_space<hbm>>
      %dma_start3A_103 = arith.constant 0 : i32
      %dma_start3A_104 = arith.constant 0 : i32
      %dma_start3A_105 = tpu.memref_slice %arg8[%run_scoped3A_91, %dma_start3A_103, %dma_start3A_104] : memref<2x128x128xf32, #tpu.memory_space<vmem>> -> memref<1x128x128xf32, #tpu.memory_space<vmem>>
      %dma_start3A_106 = tpu.memref_squeeze %dma_start3A_105 : memref<1x128x128xf32, #tpu.memory_space<vmem>> -> memref<128x128xf32, #tpu.memory_space<vmem>>
      tpu.enqueue_dma source(%dma_start3A_106 : memref<128x128xf32, #tpu.memory_space<vmem>>) target(%dma_start3A_102 : memref<128x128xf32, #tpu.memory_space<hbm>>) target_semaphore(%run_scoped3A_92 : memref<!tpu.dma_semaphore, #tpu.memory_space<semaphore_mem>>)
      %dma_wait3A = arith.constant 0 : i32
      %dma_wait3A_107 = arith.constant 0 : i32
      %dma_wait3A_108 = tpu.memref_slice %arg8[%run_scoped3A_91, %dma_wait3A, %dma_wait3A_107] : memref<2x128x128xf32, #tpu.memory_space<vmem>> -> memref<1x128x128xf32, #tpu.memory_space<vmem>>
      %dma_wait3A_109 = tpu.memref_squeeze %dma_wait3A_108 : memref<1x128x128xf32, #tpu.memory_space<vmem>> -> memref<128x128xf32, #tpu.memory_space<vmem>>
      %dma_wait3A_110 = arith.constant 0 : i32
      %dma_wait3A_111 = tpu.memref_slice %arg5[%arg0, %add3A_89, %dma_wait3A_110] : memref<2x10240x128xf32, #tpu.memory_space<hbm>> -> memref<1x128x128xf32, #tpu.memory_space<hbm>>
      %dma_wait3A_112 = tpu.memref_squeeze %dma_wait3A_111 : memref<1x128x128xf32, #tpu.memory_space<hbm>> -> memref<128x128xf32, #tpu.memory_space<hbm>>
      %dma_wait3A_113 = arith.constant 0 : i32
      %dma_wait3A_114 = tpu.memref_slice %arg5[%arg0, %add3A_89, %dma_wait3A_113] : memref<2x10240x128xf32, #tpu.memory_space<hbm>> -> memref<1x128x128xf32, #tpu.memory_space<hbm>>
      %dma_wait3A_115 = tpu.memref_squeeze %dma_wait3A_114 : memref<1x128x128xf32, #tpu.memory_space<hbm>> -> memref<128x128xf32, #tpu.memory_space<hbm>>
      %dma_wait3A_116 = arith.constant 0 : i32
      %dma_wait3A_117 = arith.constant 0 : i32
      %dma_wait3A_118 = tpu.memref_slice %arg8[%run_scoped3A_91, %dma_wait3A_116, %dma_wait3A_117] : memref<2x128x128xf32, #tpu.memory_space<vmem>> -> memref<1x128x128xf32, #tpu.memory_space<vmem>>
      %dma_wait3A_119 = tpu.memref_squeeze %dma_wait3A_118 : memref<1x128x128xf32, #tpu.memory_space<vmem>> -> memref<128x128xf32, #tpu.memory_space<vmem>>
      tpu.wait_dma2 semaphore(%run_scoped3A_92 : memref<!tpu.dma_semaphore, #tpu.memory_space<semaphore_mem>>) src(%dma_wait3A_119 : memref<128x128xf32, #tpu.memory_space<vmem>>) dst(%dma_wait3A_115 : memref<128x128xf32, #tpu.memory_space<hbm>>)
      tpu.yield
    }) : () -> ()
    return
  }
}

#map = affine_map<(d0, d1) -> (0, 0)>
#map1 = affine_map<(d0, d1) -> (0, 0, 0)>
module attributes {stable_mosaic.version = 14 : i64} {
  func.func @_sc_segsum_body(%arg0: i32, %arg1: i32, %arg2: memref<10240x128xf32, #tpu.memory_space<hbm>>, %arg3: memref<32x80x128xi32, #tpu.memory_space<hbm>>, %arg4: memref<32x80x128xi32, #tpu.memory_space<hbm>>, %arg5: memref<2x10240x128xf32, #tpu.memory_space<hbm>>, %arg6: memref<32x10240xf32, #tpu.memory_space<hbm>>, %arg7: memref<2x8x128xi32, #tpu.memory_space<vmem>>, %arg8: memref<2x8x128xi32, #tpu.memory_space<vmem>>, %arg9: memref<2x128x128xf32, #tpu.memory_space<vmem>>, %arg10: memref<10240x128xf32, #tpu.memory_space<vmem_shared>>, %arg11: memref<10240xf32, #tpu.memory_space<vmem>>, %arg12: memref<2x!tpu.dma_semaphore, #tpu.memory_space<semaphore_mem>>) attributes {dimension_semantics = [#tpu.dimension_semantics<core_parallel>, #tpu.dimension_semantics<subcore_parallel>], iteration_bounds = array<i64: 2, 16>, scalar_prefetch = 0 : i64, scratch_operands = 6 : i64, tpu.core_type = #tpu.core_type<sc_vector_subcore>, window_params = [{transform_indices = #map}, {transform_indices = #map1}, {transform_indices = #map1}, {transform_indices = #map1}, {transform_indices = #map}]} {
    %mul3A = arith.constant 16 : i32
    %mul3A_0 = arith.muli %arg0, %mul3A : i32
    %add3A = arith.addi %mul3A_0, %arg1 : i32
    %broadcast_in_dim3A = arith.constant 0.000000e+00 : f32
    %broadcast_in_dim3A_1 = vector.broadcast %broadcast_in_dim3A : f32 to vector<16xf32>
    %broadcast_in_dim3A_2 = arith.constant 1.000000e+00 : f32
    %broadcast_in_dim3A_3 = vector.broadcast %broadcast_in_dim3A_2 : f32 to vector<16xf32>
    %scan3A = arith.constant 0 : i32
    %scan3A_4 = arith.constant 0 : i32
    %scan3A_5 = arith.constant 128 : i32
    %scan3A_6 = arith.addi %scan3A_4, %scan3A_5 : i32
    %scan3A_7 = arith.constant 1 : i32
    scf.for %scan3A_98 = %scan3A_4 to %scan3A_6 step %scan3A_7  : i32 {
      %swap3A = arith.constant 0 : i32
      %swap3A_99 = arith.index_cast %swap3A : i32 to index
      %swap3A_100 = arith.index_cast %scan3A_98 : i32 to index
      %swap3A_101 = arith.constant 0 : index
      %swap3A_102 = tpu.vector_load %arg9[%swap3A_99, %swap3A_100, %swap3A_101] {strides = array<i32>} : memref<2x128x128xf32, #tpu.memory_space<vmem>>, vector<16xf32>,
      tpu.vector_store %arg9[%swap3A_99, %swap3A_100, %swap3A_101], %broadcast_in_dim3A_1 {strides = array<i32>} : memref<2x128x128xf32, #tpu.memory_space<vmem>>, vector<16xf32>,
      %swap3A_103 = arith.constant 0 : i32
      %swap3A_104 = arith.index_cast %swap3A_103 : i32 to index
      %swap3A_105 = arith.index_cast %scan3A_98 : i32 to index
      %swap3A_106 = arith.constant 16 : index
      %swap3A_107 = tpu.vector_load %arg9[%swap3A_104, %swap3A_105, %swap3A_106] {strides = array<i32>} : memref<2x128x128xf32, #tpu.memory_space<vmem>>, vector<16xf32>,
      tpu.vector_store %arg9[%swap3A_104, %swap3A_105, %swap3A_106], %broadcast_in_dim3A_1 {strides = array<i32>} : memref<2x128x128xf32, #tpu.memory_space<vmem>>, vector<16xf32>,
      %swap3A_108 = arith.constant 0 : i32
      %swap3A_109 = arith.index_cast %swap3A_108 : i32 to index
      %swap3A_110 = arith.index_cast %scan3A_98 : i32 to index
      %swap3A_111 = arith.constant 32 : index
      %swap3A_112 = tpu.vector_load %arg9[%swap3A_109, %swap3A_110, %swap3A_111] {strides = array<i32>} : memref<2x128x128xf32, #tpu.memory_space<vmem>>, vector<16xf32>,
      tpu.vector_store %arg9[%swap3A_109, %swap3A_110, %swap3A_111], %broadcast_in_dim3A_1 {strides = array<i32>} : memref<2x128x128xf32, #tpu.memory_space<vmem>>, vector<16xf32>,
      %swap3A_113 = arith.constant 0 : i32
      %swap3A_114 = arith.index_cast %swap3A_113 : i32 to index
      %swap3A_115 = arith.index_cast %scan3A_98 : i32 to index
      %swap3A_116 = arith.constant 48 : index
      %swap3A_117 = tpu.vector_load %arg9[%swap3A_114, %swap3A_115, %swap3A_116] {strides = array<i32>} : memref<2x128x128xf32, #tpu.memory_space<vmem>>, vector<16xf32>,
      tpu.vector_store %arg9[%swap3A_114, %swap3A_115, %swap3A_116], %broadcast_in_dim3A_1 {strides = array<i32>} : memref<2x128x128xf32, #tpu.memory_space<vmem>>, vector<16xf32>,
      %swap3A_118 = arith.constant 0 : i32
      %swap3A_119 = arith.index_cast %swap3A_118 : i32 to index
      %swap3A_120 = arith.index_cast %scan3A_98 : i32 to index
      %swap3A_121 = arith.constant 64 : index
      %swap3A_122 = tpu.vector_load %arg9[%swap3A_119, %swap3A_120, %swap3A_121] {strides = array<i32>} : memref<2x128x128xf32, #tpu.memory_space<vmem>>, vector<16xf32>,
      tpu.vector_store %arg9[%swap3A_119, %swap3A_120, %swap3A_121], %broadcast_in_dim3A_1 {strides = array<i32>} : memref<2x128x128xf32, #tpu.memory_space<vmem>>, vector<16xf32>,
      %swap3A_123 = arith.constant 0 : i32
      %swap3A_124 = arith.index_cast %swap3A_123 : i32 to index
      %swap3A_125 = arith.index_cast %scan3A_98 : i32 to index
      %swap3A_126 = arith.constant 80 : index
      %swap3A_127 = tpu.vector_load %arg9[%swap3A_124, %swap3A_125, %swap3A_126] {strides = array<i32>} : memref<2x128x128xf32, #tpu.memory_space<vmem>>, vector<16xf32>,
      tpu.vector_store %arg9[%swap3A_124, %swap3A_125, %swap3A_126], %broadcast_in_dim3A_1 {strides = array<i32>} : memref<2x128x128xf32, #tpu.memory_space<vmem>>, vector<16xf32>,
      %swap3A_128 = arith.constant 0 : i32
      %swap3A_129 = arith.index_cast %swap3A_128 : i32 to index
      %swap3A_130 = arith.index_cast %scan3A_98 : i32 to index
      %swap3A_131 = arith.constant 96 : index
      %swap3A_132 = tpu.vector_load %arg9[%swap3A_129, %swap3A_130, %swap3A_131] {strides = array<i32>} : memref<2x128x128xf32, #tpu.memory_space<vmem>>, vector<16xf32>,
      tpu.vector_store %arg9[%swap3A_129, %swap3A_130, %swap3A_131], %broadcast_in_dim3A_1 {strides = array<i32>} : memref<2x128x128xf32, #tpu.memory_space<vmem>>, vector<16xf32>,
      %swap3A_133 = arith.constant 0 : i32
      %swap3A_134 = arith.index_cast %swap3A_133 : i32 to index
      %swap3A_135 = arith.index_cast %scan3A_98 : i32 to index
      %swap3A_136 = arith.constant 112 : index
      %swap3A_137 = tpu.vector_load %arg9[%swap3A_134, %swap3A_135, %swap3A_136] {strides = array<i32>} : memref<2x128x128xf32, #tpu.memory_space<vmem>>, vector<16xf32>,
      tpu.vector_store %arg9[%swap3A_134, %swap3A_135, %swap3A_136], %broadcast_in_dim3A_1 {strides = array<i32>} : memref<2x128x128xf32, #tpu.memory_space<vmem>>, vector<16xf32>,
    }
    %scan3A_8 = arith.constant 128 : i32
    %mul3A_9 = arith.constant 640 : i32
    %mul3A_10 = arith.muli %arg1, %mul3A_9 : i32
    %add3A_11 = arith.constant 0 : i32
    %add3A_12 = arith.addi %mul3A_10, %add3A_11 : i32
    %run_scoped3A = arith.constant 0 : i32
    "tpu.region"() ({
      %run_scoped3A_98 = tpu.sem_alloc : memref<!tpu.dma_semaphore, #tpu.memory_space<semaphore_mem>>
      %dma_start3A_99 = arith.constant 0 : i32
      %dma_start3A_100 = arith.constant 0 : i32
      %dma_start3A_101 = tpu.memref_slice %arg9[%run_scoped3A, %dma_start3A_99, %dma_start3A_100] : memref<2x128x128xf32, #tpu.memory_space<vmem>> -> memref<1x128x128xf32, #tpu.memory_space<vmem>>
      %dma_start3A_102 = tpu.memref_squeeze %dma_start3A_101 : memref<1x128x128xf32, #tpu.memory_space<vmem>> -> memref<128x128xf32, #tpu.memory_space<vmem>>
      %dma_start3A_103 = arith.constant 0 : i32
      %dma_start3A_104 = tpu.memref_slice %arg10[%add3A_12, %dma_start3A_103] : memref<10240x128xf32, #tpu.memory_space<vmem_shared>> -> memref<128x128xf32, #tpu.memory_space<vmem_shared>>
      %dma_start3A_105 = arith.constant 0 : i32
      %dma_start3A_106 = tpu.memref_slice %arg10[%add3A_12, %dma_start3A_105] : memref<10240x128xf32, #tpu.memory_space<vmem_shared>> -> memref<128x128xf32, #tpu.memory_space<vmem_shared>>
      %dma_start3A_107 = arith.constant 0 : i32
      %dma_start3A_108 = arith.constant 0 : i32
      %dma_start3A_109 = tpu.memref_slice %arg9[%run_scoped3A, %dma_start3A_107, %dma_start3A_108] : memref<2x128x128xf32, #tpu.memory_space<vmem>> -> memref<1x128x128xf32, #tpu.memory_space<vmem>>
      %dma_start3A_110 = tpu.memref_squeeze %dma_start3A_109 : memref<1x128x128xf32, #tpu.memory_space<vmem>> -> memref<128x128xf32, #tpu.memory_space<vmem>>
      tpu.enqueue_dma source(%dma_start3A_110 : memref<128x128xf32, #tpu.memory_space<vmem>>) target(%dma_start3A_106 : memref<128x128xf32, #tpu.memory_space<vmem_shared>>) target_semaphore(%run_scoped3A_98 : memref<!tpu.dma_semaphore, #tpu.memory_space<semaphore_mem>>)
      %dma_wait3A = arith.constant 0 : i32
      %dma_wait3A_111 = arith.constant 0 : i32
      %dma_wait3A_112 = tpu.memref_slice %arg9[%run_scoped3A, %dma_wait3A, %dma_wait3A_111] : memref<2x128x128xf32, #tpu.memory_space<vmem>> -> memref<1x128x128xf32, #tpu.memory_space<vmem>>
      %dma_wait3A_113 = tpu.memref_squeeze %dma_wait3A_112 : memref<1x128x128xf32, #tpu.memory_space<vmem>> -> memref<128x128xf32, #tpu.memory_space<vmem>>
      %dma_wait3A_114 = arith.constant 0 : i32
      %dma_wait3A_115 = tpu.memref_slice %arg10[%add3A_12, %dma_wait3A_114] : memref<10240x128xf32, #tpu.memory_space<vmem_shared>> -> memref<128x128xf32, #tpu.memory_space<vmem_shared>>
      %dma_wait3A_116 = arith.constant 0 : i32
      %dma_wait3A_117 = tpu.memref_slice %arg10[%add3A_12, %dma_wait3A_116] : memref<10240x128xf32, #tpu.memory_space<vmem_shared>> -> memref<128x128xf32, #tpu.memory_space<vmem_shared>>
      %dma_wait3A_118 = arith.constant 0 : i32
      %dma_wait3A_119 = arith.constant 0 : i32
      %dma_wait3A_120 = tpu.memref_slice %arg9[%run_scoped3A, %dma_wait3A_118, %dma_wait3A_119] : memref<2x128x128xf32, #tpu.memory_space<vmem>> -> memref<1x128x128xf32, #tpu.memory_space<vmem>>
      %dma_wait3A_121 = tpu.memref_squeeze %dma_wait3A_120 : memref<1x128x128xf32, #tpu.memory_space<vmem>> -> memref<128x128xf32, #tpu.memory_space<vmem>>
      tpu.wait_dma2 semaphore(%run_scoped3A_98 : memref<!tpu.dma_semaphore, #tpu.memory_space<semaphore_mem>>) src(%dma_wait3A_121 : memref<128x128xf32, #tpu.memory_space<vmem>>) dst(%dma_wait3A_117 : memref<128x128xf32, #tpu.memory_space<vmem_shared>>)
      tpu.yield
    }) : () -> ()
    %add3A_13 = arith.constant 128 : i32
    %add3A_14 = arith.addi %mul3A_10, %add3A_13 : i32
    %run_scoped3A_15 = arith.constant 0 : i32
    "tpu.region"() ({
      %run_scoped3A_98 = tpu.sem_alloc : memref<!tpu.dma_semaphore, #tpu.memory_space<semaphore_mem>>
      %dma_start3A_99 = arith.constant 0 : i32
      %dma_start3A_100 = arith.constant 0 : i32
      %dma_start3A_101 = tpu.memref_slice %arg9[%run_scoped3A_15, %dma_start3A_99, %dma_start3A_100] : memref<2x128x128xf32, #tpu.memory_space<vmem>> -> memref<1x128x128xf32, #tpu.memory_space<vmem>>
      %dma_start3A_102 = tpu.memref_squeeze %dma_start3A_101 : memref<1x128x128xf32, #tpu.memory_space<vmem>> -> memref<128x128xf32, #tpu.memory_space<vmem>>
      %dma_start3A_103 = arith.constant 0 : i32
      %dma_start3A_104 = tpu.memref_slice %arg10[%add3A_14, %dma_start3A_103] : memref<10240x128xf32, #tpu.memory_space<vmem_shared>> -> memref<128x128xf32, #tpu.memory_space<vmem_shared>>
      %dma_start3A_105 = arith.constant 0 : i32
      %dma_start3A_106 = tpu.memref_slice %arg10[%add3A_14, %dma_start3A_105] : memref<10240x128xf32, #tpu.memory_space<vmem_shared>> -> memref<128x128xf32, #tpu.memory_space<vmem_shared>>
      %dma_start3A_107 = arith.constant 0 : i32
      %dma_start3A_108 = arith.constant 0 : i32
      %dma_start3A_109 = tpu.memref_slice %arg9[%run_scoped3A_15, %dma_start3A_107, %dma_start3A_108] : memref<2x128x128xf32, #tpu.memory_space<vmem>> -> memref<1x128x128xf32, #tpu.memory_space<vmem>>
      %dma_start3A_110 = tpu.memref_squeeze %dma_start3A_109 : memref<1x128x128xf32, #tpu.memory_space<vmem>> -> memref<128x128xf32, #tpu.memory_space<vmem>>
      tpu.enqueue_dma source(%dma_start3A_110 : memref<128x128xf32, #tpu.memory_space<vmem>>) target(%dma_start3A_106 : memref<128x128xf32, #tpu.memory_space<vmem_shared>>) target_semaphore(%run_scoped3A_98 : memref<!tpu.dma_semaphore, #tpu.memory_space<semaphore_mem>>)
      %dma_wait3A = arith.constant 0 : i32
      %dma_wait3A_111 = arith.constant 0 : i32
      %dma_wait3A_112 = tpu.memref_slice %arg9[%run_scoped3A_15, %dma_wait3A, %dma_wait3A_111] : memref<2x128x128xf32, #tpu.memory_space<vmem>> -> memref<1x128x128xf32, #tpu.memory_space<vmem>>
      %dma_wait3A_113 = tpu.memref_squeeze %dma_wait3A_112 : memref<1x128x128xf32, #tpu.memory_space<vmem>> -> memref<128x128xf32, #tpu.memory_space<vmem>>
      %dma_wait3A_114 = arith.constant 0 : i32
      %dma_wait3A_115 = tpu.memref_slice %arg10[%add3A_14, %dma_wait3A_114] : memref<10240x128xf32, #tpu.memory_space<vmem_shared>> -> memref<128x128xf32, #tpu.memory_space<vmem_shared>>
      %dma_wait3A_116 = arith.constant 0 : i32
      %dma_wait3A_117 = tpu.memref_slice %arg10[%add3A_14, %dma_wait3A_116] : memref<10240x128xf32, #tpu.memory_space<vmem_shared>> -> memref<128x128xf32, #tpu.memory_space<vmem_shared>>
      %dma_wait3A_118 = arith.constant 0 : i32
      %dma_wait3A_119 = arith.constant 0 : i32
      %dma_wait3A_120 = tpu.memref_slice %arg9[%run_scoped3A_15, %dma_wait3A_118, %dma_wait3A_119] : memref<2x128x128xf32, #tpu.memory_space<vmem>> -> memref<1x128x128xf32, #tpu.memory_space<vmem>>
      %dma_wait3A_121 = tpu.memref_squeeze %dma_wait3A_120 : memref<1x128x128xf32, #tpu.memory_space<vmem>> -> memref<128x128xf32, #tpu.memory_space<vmem>>
      tpu.wait_dma2 semaphore(%run_scoped3A_98 : memref<!tpu.dma_semaphore, #tpu.memory_space<semaphore_mem>>) src(%dma_wait3A_121 : memref<128x128xf32, #tpu.memory_space<vmem>>) dst(%dma_wait3A_117 : memref<128x128xf32, #tpu.memory_space<vmem_shared>>)
      tpu.yield
    }) : () -> ()
    %add3A_16 = arith.constant 256 : i32
    %add3A_17 = arith.addi %mul3A_10, %add3A_16 : i32
    %run_scoped3A_18 = arith.constant 0 : i32
    "tpu.region"() ({
      %run_scoped3A_98 = tpu.sem_alloc : memref<!tpu.dma_semaphore, #tpu.memory_space<semaphore_mem>>
      %dma_start3A_99 = arith.constant 0 : i32
      %dma_start3A_100 = arith.constant 0 : i32
      %dma_start3A_101 = tpu.memref_slice %arg9[%run_scoped3A_18, %dma_start3A_99, %dma_start3A_100] : memref<2x128x128xf32, #tpu.memory_space<vmem>> -> memref<1x128x128xf32, #tpu.memory_space<vmem>>
      %dma_start3A_102 = tpu.memref_squeeze %dma_start3A_101 : memref<1x128x128xf32, #tpu.memory_space<vmem>> -> memref<128x128xf32, #tpu.memory_space<vmem>>
      %dma_start3A_103 = arith.constant 0 : i32
      %dma_start3A_104 = tpu.memref_slice %arg10[%add3A_17, %dma_start3A_103] : memref<10240x128xf32, #tpu.memory_space<vmem_shared>> -> memref<128x128xf32, #tpu.memory_space<vmem_shared>>
      %dma_start3A_105 = arith.constant 0 : i32
      %dma_start3A_106 = tpu.memref_slice %arg10[%add3A_17, %dma_start3A_105] : memref<10240x128xf32, #tpu.memory_space<vmem_shared>> -> memref<128x128xf32, #tpu.memory_space<vmem_shared>>
      %dma_start3A_107 = arith.constant 0 : i32
      %dma_start3A_108 = arith.constant 0 : i32
      %dma_start3A_109 = tpu.memref_slice %arg9[%run_scoped3A_18, %dma_start3A_107, %dma_start3A_108] : memref<2x128x128xf32, #tpu.memory_space<vmem>> -> memref<1x128x128xf32, #tpu.memory_space<vmem>>
      %dma_start3A_110 = tpu.memref_squeeze %dma_start3A_109 : memref<1x128x128xf32, #tpu.memory_space<vmem>> -> memref<128x128xf32, #tpu.memory_space<vmem>>
      tpu.enqueue_dma source(%dma_start3A_110 : memref<128x128xf32, #tpu.memory_space<vmem>>) target(%dma_start3A_106 : memref<128x128xf32, #tpu.memory_space<vmem_shared>>) target_semaphore(%run_scoped3A_98 : memref<!tpu.dma_semaphore, #tpu.memory_space<semaphore_mem>>)
      %dma_wait3A = arith.constant 0 : i32
      %dma_wait3A_111 = arith.constant 0 : i32
      %dma_wait3A_112 = tpu.memref_slice %arg9[%run_scoped3A_18, %dma_wait3A, %dma_wait3A_111] : memref<2x128x128xf32, #tpu.memory_space<vmem>> -> memref<1x128x128xf32, #tpu.memory_space<vmem>>
      %dma_wait3A_113 = tpu.memref_squeeze %dma_wait3A_112 : memref<1x128x128xf32, #tpu.memory_space<vmem>> -> memref<128x128xf32, #tpu.memory_space<vmem>>
      %dma_wait3A_114 = arith.constant 0 : i32
      %dma_wait3A_115 = tpu.memref_slice %arg10[%add3A_17, %dma_wait3A_114] : memref<10240x128xf32, #tpu.memory_space<vmem_shared>> -> memref<128x128xf32, #tpu.memory_space<vmem_shared>>
      %dma_wait3A_116 = arith.constant 0 : i32
      %dma_wait3A_117 = tpu.memref_slice %arg10[%add3A_17, %dma_wait3A_116] : memref<10240x128xf32, #tpu.memory_space<vmem_shared>> -> memref<128x128xf32, #tpu.memory_space<vmem_shared>>
      %dma_wait3A_118 = arith.constant 0 : i32
      %dma_wait3A_119 = arith.constant 0 : i32
      %dma_wait3A_120 = tpu.memref_slice %arg9[%run_scoped3A_18, %dma_wait3A_118, %dma_wait3A_119] : memref<2x128x128xf32, #tpu.memory_space<vmem>> -> memref<1x128x128xf32, #tpu.memory_space<vmem>>
      %dma_wait3A_121 = tpu.memref_squeeze %dma_wait3A_120 : memref<1x128x128xf32, #tpu.memory_space<vmem>> -> memref<128x128xf32, #tpu.memory_space<vmem>>
      tpu.wait_dma2 semaphore(%run_scoped3A_98 : memref<!tpu.dma_semaphore, #tpu.memory_space<semaphore_mem>>) src(%dma_wait3A_121 : memref<128x128xf32, #tpu.memory_space<vmem>>) dst(%dma_wait3A_117 : memref<128x128xf32, #tpu.memory_space<vmem_shared>>)
      tpu.yield
    }) : () -> ()
    %add3A_19 = arith.constant 384 : i32
    %add3A_20 = arith.addi %mul3A_10, %add3A_19 : i32
    %run_scoped3A_21 = arith.constant 0 : i32
    "tpu.region"() ({
      %run_scoped3A_98 = tpu.sem_alloc : memref<!tpu.dma_semaphore, #tpu.memory_space<semaphore_mem>>
      %dma_start3A_99 = arith.constant 0 : i32
      %dma_start3A_100 = arith.constant 0 : i32
      %dma_start3A_101 = tpu.memref_slice %arg9[%run_scoped3A_21, %dma_start3A_99, %dma_start3A_100] : memref<2x128x128xf32, #tpu.memory_space<vmem>> -> memref<1x128x128xf32, #tpu.memory_space<vmem>>
      %dma_start3A_102 = tpu.memref_squeeze %dma_start3A_101 : memref<1x128x128xf32, #tpu.memory_space<vmem>> -> memref<128x128xf32, #tpu.memory_space<vmem>>
      %dma_start3A_103 = arith.constant 0 : i32
      %dma_start3A_104 = tpu.memref_slice %arg10[%add3A_20, %dma_start3A_103] : memref<10240x128xf32, #tpu.memory_space<vmem_shared>> -> memref<128x128xf32, #tpu.memory_space<vmem_shared>>
      %dma_start3A_105 = arith.constant 0 : i32
      %dma_start3A_106 = tpu.memref_slice %arg10[%add3A_20, %dma_start3A_105] : memref<10240x128xf32, #tpu.memory_space<vmem_shared>> -> memref<128x128xf32, #tpu.memory_space<vmem_shared>>
      %dma_start3A_107 = arith.constant 0 : i32
      %dma_start3A_108 = arith.constant 0 : i32
      %dma_start3A_109 = tpu.memref_slice %arg9[%run_scoped3A_21, %dma_start3A_107, %dma_start3A_108] : memref<2x128x128xf32, #tpu.memory_space<vmem>> -> memref<1x128x128xf32, #tpu.memory_space<vmem>>
      %dma_start3A_110 = tpu.memref_squeeze %dma_start3A_109 : memref<1x128x128xf32, #tpu.memory_space<vmem>> -> memref<128x128xf32, #tpu.memory_space<vmem>>
      tpu.enqueue_dma source(%dma_start3A_110 : memref<128x128xf32, #tpu.memory_space<vmem>>) target(%dma_start3A_106 : memref<128x128xf32, #tpu.memory_space<vmem_shared>>) target_semaphore(%run_scoped3A_98 : memref<!tpu.dma_semaphore, #tpu.memory_space<semaphore_mem>>)
      %dma_wait3A = arith.constant 0 : i32
      %dma_wait3A_111 = arith.constant 0 : i32
      %dma_wait3A_112 = tpu.memref_slice %arg9[%run_scoped3A_21, %dma_wait3A, %dma_wait3A_111] : memref<2x128x128xf32, #tpu.memory_space<vmem>> -> memref<1x128x128xf32, #tpu.memory_space<vmem>>
      %dma_wait3A_113 = tpu.memref_squeeze %dma_wait3A_112 : memref<1x128x128xf32, #tpu.memory_space<vmem>> -> memref<128x128xf32, #tpu.memory_space<vmem>>
      %dma_wait3A_114 = arith.constant 0 : i32
      %dma_wait3A_115 = tpu.memref_slice %arg10[%add3A_20, %dma_wait3A_114] : memref<10240x128xf32, #tpu.memory_space<vmem_shared>> -> memref<128x128xf32, #tpu.memory_space<vmem_shared>>
      %dma_wait3A_116 = arith.constant 0 : i32
      %dma_wait3A_117 = tpu.memref_slice %arg10[%add3A_20, %dma_wait3A_116] : memref<10240x128xf32, #tpu.memory_space<vmem_shared>> -> memref<128x128xf32, #tpu.memory_space<vmem_shared>>
      %dma_wait3A_118 = arith.constant 0 : i32
      %dma_wait3A_119 = arith.constant 0 : i32
      %dma_wait3A_120 = tpu.memref_slice %arg9[%run_scoped3A_21, %dma_wait3A_118, %dma_wait3A_119] : memref<2x128x128xf32, #tpu.memory_space<vmem>> -> memref<1x128x128xf32, #tpu.memory_space<vmem>>
      %dma_wait3A_121 = tpu.memref_squeeze %dma_wait3A_120 : memref<1x128x128xf32, #tpu.memory_space<vmem>> -> memref<128x128xf32, #tpu.memory_space<vmem>>
      tpu.wait_dma2 semaphore(%run_scoped3A_98 : memref<!tpu.dma_semaphore, #tpu.memory_space<semaphore_mem>>) src(%dma_wait3A_121 : memref<128x128xf32, #tpu.memory_space<vmem>>) dst(%dma_wait3A_117 : memref<128x128xf32, #tpu.memory_space<vmem_shared>>)
      tpu.yield
    }) : () -> ()
    %add3A_22 = arith.constant 512 : i32
    %add3A_23 = arith.addi %mul3A_10, %add3A_22 : i32
    %run_scoped3A_24 = arith.constant 0 : i32
    "tpu.region"() ({
      %run_scoped3A_98 = tpu.sem_alloc : memref<!tpu.dma_semaphore, #tpu.memory_space<semaphore_mem>>
      %dma_start3A_99 = arith.constant 0 : i32
      %dma_start3A_100 = arith.constant 0 : i32
      %dma_start3A_101 = tpu.memref_slice %arg9[%run_scoped3A_24, %dma_start3A_99, %dma_start3A_100] : memref<2x128x128xf32, #tpu.memory_space<vmem>> -> memref<1x128x128xf32, #tpu.memory_space<vmem>>
      %dma_start3A_102 = tpu.memref_squeeze %dma_start3A_101 : memref<1x128x128xf32, #tpu.memory_space<vmem>> -> memref<128x128xf32, #tpu.memory_space<vmem>>
      %dma_start3A_103 = arith.constant 0 : i32
      %dma_start3A_104 = tpu.memref_slice %arg10[%add3A_23, %dma_start3A_103] : memref<10240x128xf32, #tpu.memory_space<vmem_shared>> -> memref<128x128xf32, #tpu.memory_space<vmem_shared>>
      %dma_start3A_105 = arith.constant 0 : i32
      %dma_start3A_106 = tpu.memref_slice %arg10[%add3A_23, %dma_start3A_105] : memref<10240x128xf32, #tpu.memory_space<vmem_shared>> -> memref<128x128xf32, #tpu.memory_space<vmem_shared>>
      %dma_start3A_107 = arith.constant 0 : i32
      %dma_start3A_108 = arith.constant 0 : i32
      %dma_start3A_109 = tpu.memref_slice %arg9[%run_scoped3A_24, %dma_start3A_107, %dma_start3A_108] : memref<2x128x128xf32, #tpu.memory_space<vmem>> -> memref<1x128x128xf32, #tpu.memory_space<vmem>>
      %dma_start3A_110 = tpu.memref_squeeze %dma_start3A_109 : memref<1x128x128xf32, #tpu.memory_space<vmem>> -> memref<128x128xf32, #tpu.memory_space<vmem>>
      tpu.enqueue_dma source(%dma_start3A_110 : memref<128x128xf32, #tpu.memory_space<vmem>>) target(%dma_start3A_106 : memref<128x128xf32, #tpu.memory_space<vmem_shared>>) target_semaphore(%run_scoped3A_98 : memref<!tpu.dma_semaphore, #tpu.memory_space<semaphore_mem>>)
      %dma_wait3A = arith.constant 0 : i32
      %dma_wait3A_111 = arith.constant 0 : i32
      %dma_wait3A_112 = tpu.memref_slice %arg9[%run_scoped3A_24, %dma_wait3A, %dma_wait3A_111] : memref<2x128x128xf32, #tpu.memory_space<vmem>> -> memref<1x128x128xf32, #tpu.memory_space<vmem>>
      %dma_wait3A_113 = tpu.memref_squeeze %dma_wait3A_112 : memref<1x128x128xf32, #tpu.memory_space<vmem>> -> memref<128x128xf32, #tpu.memory_space<vmem>>
      %dma_wait3A_114 = arith.constant 0 : i32
      %dma_wait3A_115 = tpu.memref_slice %arg10[%add3A_23, %dma_wait3A_114] : memref<10240x128xf32, #tpu.memory_space<vmem_shared>> -> memref<128x128xf32, #tpu.memory_space<vmem_shared>>
      %dma_wait3A_116 = arith.constant 0 : i32
      %dma_wait3A_117 = tpu.memref_slice %arg10[%add3A_23, %dma_wait3A_116] : memref<10240x128xf32, #tpu.memory_space<vmem_shared>> -> memref<128x128xf32, #tpu.memory_space<vmem_shared>>
      %dma_wait3A_118 = arith.constant 0 : i32
      %dma_wait3A_119 = arith.constant 0 : i32
      %dma_wait3A_120 = tpu.memref_slice %arg9[%run_scoped3A_24, %dma_wait3A_118, %dma_wait3A_119] : memref<2x128x128xf32, #tpu.memory_space<vmem>> -> memref<1x128x128xf32, #tpu.memory_space<vmem>>
      %dma_wait3A_121 = tpu.memref_squeeze %dma_wait3A_120 : memref<1x128x128xf32, #tpu.memory_space<vmem>> -> memref<128x128xf32, #tpu.memory_space<vmem>>
      tpu.wait_dma2 semaphore(%run_scoped3A_98 : memref<!tpu.dma_semaphore, #tpu.memory_space<semaphore_mem>>) src(%dma_wait3A_121 : memref<128x128xf32, #tpu.memory_space<vmem>>) dst(%dma_wait3A_117 : memref<128x128xf32, #tpu.memory_space<vmem_shared>>)
      tpu.yield
    }) : () -> ()
    %scan3A_25 = arith.constant 0 : i32
    %scan3A_26 = arith.constant 0 : i32
    %scan3A_27 = arith.constant 640 : i32
    %scan3A_28 = arith.addi %scan3A_26, %scan3A_27 : i32
    %scan3A_29 = arith.constant 1 : i32
    scf.for %scan3A_98 = %scan3A_26 to %scan3A_28 step %scan3A_29  : i32 {
      %mul3A_99 = arith.constant 16 : i32
      %mul3A_100 = arith.muli %scan3A_98, %mul3A_99 : i32
      %swap3A = arith.index_cast %mul3A_100 : i32 to index
      %swap3A_101 = tpu.vector_load %arg11[%swap3A] {strides = array<i32>} : memref<10240xf32, #tpu.memory_space<vmem>>, vector<16xf32>,
      tpu.vector_store %arg11[%swap3A], %broadcast_in_dim3A_1 {strides = array<i32>} : memref<10240xf32, #tpu.memory_space<vmem>>, vector<16xf32>,
    }
    %scan3A_30 = arith.constant 640 : i32
    %barrier3A = arith.constant 0 : index
    tpu.barrier barrier_id(%barrier3A)
    %eq3A = arith.constant 0 : i32
    %eq3A_31 = arith.cmpi eq, %arg0, %eq3A : i32
    %jit3A = arith.constant 80 : i32
    %jit3A_32 = arith.constant 80 : i32
    %select_n3A = arith.select %eq3A_31, %jit3A, %jit3A_32 : i32
    %jit3A_33 = arith.constant 8 : i32
    %div3A = arith.divsi %select_n3A, %jit3A_33 : i32
    %sign3A = arith.constant 0 : i32
    %sign3A_34 = arith.cmpi sgt, %select_n3A, %sign3A : i32
    %sign3A_35 = arith.extui %sign3A_34 : i1 to i32
    %sign3A_36 = arith.constant 0 : i32
    %sign3A_37 = arith.cmpi slt, %select_n3A, %sign3A_36 : i32
    %sign3A_38 = arith.extui %sign3A_37 : i1 to i32
    %sign3A_39 = arith.subi %sign3A_35, %sign3A_38 : i32
    %sign3A_40 = arith.constant 0 : i32
    %sign3A_41 = arith.cmpi sgt, %jit3A_33, %sign3A_40 : i32
    %sign3A_42 = arith.extui %sign3A_41 : i1 to i32
    %sign3A_43 = arith.constant 0 : i32
    %sign3A_44 = arith.cmpi slt, %jit3A_33, %sign3A_43 : i32
    %sign3A_45 = arith.extui %sign3A_44 : i1 to i32
    %sign3A_46 = arith.subi %sign3A_42, %sign3A_45 : i32
    %ne3A = arith.cmpi ne, %sign3A_39, %sign3A_46 : i32
    %rem3A = arith.remsi %select_n3A, %jit3A_33 : i32
    %ne3A_47 = arith.constant 0 : i32
    %ne3A_48 = arith.cmpi ne, %rem3A, %ne3A_47 : i32
    %and3A = arith.andi %ne3A, %ne3A_48 : i1
    %sub3A = arith.constant 1 : i32
    %sub3A_49 = arith.subi %div3A, %sub3A : i32
    %select_n3A_50 = arith.select %and3A, %sub3A_49, %div3A : i32
    %run_scoped3A_51 = arith.constant 0 : i32
    "tpu.region"() ({
      %run_scoped3A_98 = tpu.sem_alloc : memref<!tpu.dma_semaphore, #tpu.memory_space<semaphore_mem>>
      %dma_start3A_99 = arith.constant 0 : i32
      %dma_start3A_100 = arith.constant 0 : i32
      %dma_start3A_101 = tpu.memref_slice %arg7[%run_scoped3A_51, %dma_start3A_99, %dma_start3A_100] : memref<2x8x128xi32, #tpu.memory_space<vmem>> -> memref<1x8x128xi32, #tpu.memory_space<vmem>>
      %dma_start3A_102 = tpu.memref_squeeze %dma_start3A_101 : memref<1x8x128xi32, #tpu.memory_space<vmem>> -> memref<8x128xi32, #tpu.memory_space<vmem>>
      %dma_start3A_103 = arith.constant 0 : i32
      %dma_start3A_104 = arith.constant 0 : i32
      %dma_start3A_105 = tpu.memref_slice %arg3[%add3A, %dma_start3A_103, %dma_start3A_104] : memref<32x80x128xi32, #tpu.memory_space<hbm>> -> memref<1x8x128xi32, #tpu.memory_space<hbm>>
      %dma_start3A_106 = tpu.memref_squeeze %dma_start3A_105 : memref<1x8x128xi32, #tpu.memory_space<hbm>> -> memref<8x128xi32, #tpu.memory_space<hbm>>
      %dma_start3A_107 = arith.constant 0 : i32
      %dma_start3A_108 = arith.constant 0 : i32
      %dma_start3A_109 = tpu.memref_slice %arg7[%run_scoped3A_51, %dma_start3A_107, %dma_start3A_108] : memref<2x8x128xi32, #tpu.memory_space<vmem>> -> memref<1x8x128xi32, #tpu.memory_space<vmem>>
      %dma_start3A_110 = tpu.memref_squeeze %dma_start3A_109 : memref<1x8x128xi32, #tpu.memory_space<vmem>> -> memref<8x128xi32, #tpu.memory_space<vmem>>
      %dma_start3A_111 = arith.constant 0 : i32
      %dma_start3A_112 = arith.constant 0 : i32
      %dma_start3A_113 = tpu.memref_slice %arg3[%add3A, %dma_start3A_111, %dma_start3A_112] : memref<32x80x128xi32, #tpu.memory_space<hbm>> -> memref<1x8x128xi32, #tpu.memory_space<hbm>>
      %dma_start3A_114 = tpu.memref_squeeze %dma_start3A_113 : memref<1x8x128xi32, #tpu.memory_space<hbm>> -> memref<8x128xi32, #tpu.memory_space<hbm>>
      tpu.enqueue_dma source(%dma_start3A_114 : memref<8x128xi32, #tpu.memory_space<hbm>>) target(%dma_start3A_110 : memref<8x128xi32, #tpu.memory_space<vmem>>) target_semaphore(%run_scoped3A_98 : memref<!tpu.dma_semaphore, #tpu.memory_space<semaphore_mem>>)
      %dma_wait3A = arith.constant 0 : i32
      %dma_wait3A_115 = arith.constant 0 : i32
      %dma_wait3A_116 = tpu.memref_slice %arg7[%run_scoped3A_51, %dma_wait3A, %dma_wait3A_115] : memref<2x8x128xi32, #tpu.memory_space<vmem>> -> memref<1x8x128xi32, #tpu.memory_space<vmem>>
      %dma_wait3A_117 = tpu.memref_squeeze %dma_wait3A_116 : memref<1x8x128xi32, #tpu.memory_space<vmem>> -> memref<8x128xi32, #tpu.memory_space<vmem>>
      %dma_wait3A_118 = arith.constant 0 : i32
      %dma_wait3A_119 = arith.constant 0 : i32
      %dma_wait3A_120 = tpu.memref_slice %arg3[%add3A, %dma_wait3A_118, %dma_wait3A_119] : memref<32x80x128xi32, #tpu.memory_space<hbm>> -> memref<1x8x128xi32, #tpu.memory_space<hbm>>
      %dma_wait3A_121 = tpu.memref_squeeze %dma_wait3A_120 : memref<1x8x128xi32, #tpu.memory_space<hbm>> -> memref<8x128xi32, #tpu.memory_space<hbm>>
      %dma_wait3A_122 = arith.constant 0 : i32
      %dma_wait3A_123 = arith.constant 0 : i32
      %dma_wait3A_124 = tpu.memref_slice %arg7[%run_scoped3A_51, %dma_wait3A_122, %dma_wait3A_123] : memref<2x8x128xi32, #tpu.memory_space<vmem>> -> memref<1x8x128xi32, #tpu.memory_space<vmem>>
      %dma_wait3A_125 = tpu.memref_squeeze %dma_wait3A_124 : memref<1x8x128xi32, #tpu.memory_space<vmem>> -> memref<8x128xi32, #tpu.memory_space<vmem>>
      %dma_wait3A_126 = arith.constant 0 : i32
      %dma_wait3A_127 = arith.constant 0 : i32
      %dma_wait3A_128 = tpu.memref_slice %arg3[%add3A, %dma_wait3A_126, %dma_wait3A_127] : memref<32x80x128xi32, #tpu.memory_space<hbm>> -> memref<1x8x128xi32, #tpu.memory_space<hbm>>
      %dma_wait3A_129 = tpu.memref_squeeze %dma_wait3A_128 : memref<1x8x128xi32, #tpu.memory_space<hbm>> -> memref<8x128xi32, #tpu.memory_space<hbm>>
      tpu.wait_dma2 semaphore(%run_scoped3A_98 : memref<!tpu.dma_semaphore, #tpu.memory_space<semaphore_mem>>) src(%dma_wait3A_129 : memref<8x128xi32, #tpu.memory_space<hbm>>) dst(%dma_wait3A_125 : memref<8x128xi32, #tpu.memory_space<vmem>>)
      tpu.yield
    }) : () -> ()
    %run_scoped3A_52 = arith.constant 0 : i32
    "tpu.region"() ({
      %run_scoped3A_98 = tpu.sem_alloc : memref<!tpu.dma_semaphore, #tpu.memory_space<semaphore_mem>>
      %dma_start3A_99 = arith.constant 0 : i32
      %dma_start3A_100 = arith.constant 0 : i32
      %dma_start3A_101 = tpu.memref_slice %arg8[%run_scoped3A_52, %dma_start3A_99, %dma_start3A_100] : memref<2x8x128xi32, #tpu.memory_space<vmem>> -> memref<1x8x128xi32, #tpu.memory_space<vmem>>
      %dma_start3A_102 = tpu.memref_squeeze %dma_start3A_101 : memref<1x8x128xi32, #tpu.memory_space<vmem>> -> memref<8x128xi32, #tpu.memory_space<vmem>>
      %dma_start3A_103 = arith.constant 0 : i32
      %dma_start3A_104 = arith.constant 0 : i32
      %dma_start3A_105 = tpu.memref_slice %arg4[%add3A, %dma_start3A_103, %dma_start3A_104] : memref<32x80x128xi32, #tpu.memory_space<hbm>> -> memref<1x8x128xi32, #tpu.memory_space<hbm>>
      %dma_start3A_106 = tpu.memref_squeeze %dma_start3A_105 : memref<1x8x128xi32, #tpu.memory_space<hbm>> -> memref<8x128xi32, #tpu.memory_space<hbm>>
      %dma_start3A_107 = arith.constant 0 : i32
      %dma_start3A_108 = arith.constant 0 : i32
      %dma_start3A_109 = tpu.memref_slice %arg8[%run_scoped3A_52, %dma_start3A_107, %dma_start3A_108] : memref<2x8x128xi32, #tpu.memory_space<vmem>> -> memref<1x8x128xi32, #tpu.memory_space<vmem>>
      %dma_start3A_110 = tpu.memref_squeeze %dma_start3A_109 : memref<1x8x128xi32, #tpu.memory_space<vmem>> -> memref<8x128xi32, #tpu.memory_space<vmem>>
      %dma_start3A_111 = arith.constant 0 : i32
      %dma_start3A_112 = arith.constant 0 : i32
      %dma_start3A_113 = tpu.memref_slice %arg4[%add3A, %dma_start3A_111, %dma_start3A_112] : memref<32x80x128xi32, #tpu.memory_space<hbm>> -> memref<1x8x128xi32, #tpu.memory_space<hbm>>
      %dma_start3A_114 = tpu.memref_squeeze %dma_start3A_113 : memref<1x8x128xi32, #tpu.memory_space<hbm>> -> memref<8x128xi32, #tpu.memory_space<hbm>>
      tpu.enqueue_dma source(%dma_start3A_114 : memref<8x128xi32, #tpu.memory_space<hbm>>) target(%dma_start3A_110 : memref<8x128xi32, #tpu.memory_space<vmem>>) target_semaphore(%run_scoped3A_98 : memref<!tpu.dma_semaphore, #tpu.memory_space<semaphore_mem>>)
      %dma_wait3A = arith.constant 0 : i32
      %dma_wait3A_115 = arith.constant 0 : i32
      %dma_wait3A_116 = tpu.memref_slice %arg8[%run_scoped3A_52, %dma_wait3A, %dma_wait3A_115] : memref<2x8x128xi32, #tpu.memory_space<vmem>> -> memref<1x8x128xi32, #tpu.memory_space<vmem>>
      %dma_wait3A_117 = tpu.memref_squeeze %dma_wait3A_116 : memref<1x8x128xi32, #tpu.memory_space<vmem>> -> memref<8x128xi32, #tpu.memory_space<vmem>>
      %dma_wait3A_118 = arith.constant 0 : i32
      %dma_wait3A_119 = arith.constant 0 : i32
      %dma_wait3A_120 = tpu.memref_slice %arg4[%add3A, %dma_wait3A_118, %dma_wait3A_119] : memref<32x80x128xi32, #tpu.memory_space<hbm>> -> memref<1x8x128xi32, #tpu.memory_space<hbm>>
      %dma_wait3A_121 = tpu.memref_squeeze %dma_wait3A_120 : memref<1x8x128xi32, #tpu.memory_space<hbm>> -> memref<8x128xi32, #tpu.memory_space<hbm>>
      %dma_wait3A_122 = arith.constant 0 : i32
      %dma_wait3A_123 = arith.constant 0 : i32
      %dma_wait3A_124 = tpu.memref_slice %arg8[%run_scoped3A_52, %dma_wait3A_122, %dma_wait3A_123] : memref<2x8x128xi32, #tpu.memory_space<vmem>> -> memref<1x8x128xi32, #tpu.memory_space<vmem>>
      %dma_wait3A_125 = tpu.memref_squeeze %dma_wait3A_124 : memref<1x8x128xi32, #tpu.memory_space<vmem>> -> memref<8x128xi32, #tpu.memory_space<vmem>>
      %dma_wait3A_126 = arith.constant 0 : i32
      %dma_wait3A_127 = arith.constant 0 : i32
      %dma_wait3A_128 = tpu.memref_slice %arg4[%add3A, %dma_wait3A_126, %dma_wait3A_127] : memref<32x80x128xi32, #tpu.memory_space<hbm>> -> memref<1x8x128xi32, #tpu.memory_space<hbm>>
      %dma_wait3A_129 = tpu.memref_squeeze %dma_wait3A_128 : memref<1x8x128xi32, #tpu.memory_space<hbm>> -> memref<8x128xi32, #tpu.memory_space<hbm>>
      tpu.wait_dma2 semaphore(%run_scoped3A_98 : memref<!tpu.dma_semaphore, #tpu.memory_space<semaphore_mem>>) src(%dma_wait3A_129 : memref<8x128xi32, #tpu.memory_space<hbm>>) dst(%dma_wait3A_125 : memref<8x128xi32, #tpu.memory_space<vmem>>)
      tpu.yield
    }) : () -> ()
    %dma_start3A = arith.constant 0 : i32
    %dma_start3A_53 = arith.constant 0 : i32
    %dma_start3A_54 = arith.constant 0 : i32
    %dma_start3A_55 = arith.constant 0 : i32
    %dma_start3A_56 = arith.constant 0 : i32
    %dma_start3A_57 = arith.constant 0 : i32
    %dma_start3A_58 = tpu.memref_slice %arg9[%dma_start3A_54, %dma_start3A_56, %dma_start3A_57] : memref<2x128x128xf32, #tpu.memory_space<vmem>> -> memref<1x128x128xf32, #tpu.memory_space<vmem>>
    %dma_start3A_59 = tpu.memref_squeeze %dma_start3A_58 : memref<1x128x128xf32, #tpu.memory_space<vmem>> -> memref<128x128xf32, #tpu.memory_space<vmem>>
    %dma_start3A_60 = arith.constant 0 : i32
    %dma_start3A_61 = tpu.memref_slice %arg7[%dma_start3A, %dma_start3A_53, %dma_start3A_60] : memref<2x8x128xi32, #tpu.memory_space<vmem>> -> memref<1x1x128xi32, #tpu.memory_space<vmem>>
    %dma_start3A_62 = tpu.memref_squeeze %dma_start3A_61 : memref<1x1x128xi32, #tpu.memory_space<vmem>> -> memref<128xi32, #tpu.memory_space<vmem>>
    %dma_start3A_63 = arith.constant 0 : i32
    %dma_start3A_64 = arith.constant 0 : i32
    %dma_start3A_65 = tpu.memref_slice %arg2[%dma_start3A_63, %dma_start3A_64] : memref<10240x128xf32, #tpu.memory_space<hbm>> -> memref<10240x128xf32, #tpu.memory_space<hbm>>
    %dma_start3A_66 = tpu.memref_slice %arg12[%dma_start3A_55] : memref<2x!tpu.dma_semaphore, #tpu.memory_space<semaphore_mem>> -> memref<1x!tpu.dma_semaphore, #tpu.memory_space<semaphore_mem>>
    %dma_start3A_67 = tpu.memref_squeeze %dma_start3A_66 : memref<1x!tpu.dma_semaphore, #tpu.memory_space<semaphore_mem>> -> memref<!tpu.dma_semaphore, #tpu.memory_space<semaphore_mem>>
    tpu.enqueue_indirect_dma source(%dma_start3A_65 : memref<10240x128xf32, #tpu.memory_space<hbm>>) target(%dma_start3A_59 : memref<128x128xf32, #tpu.memory_space<vmem>>) offsets(%dma_start3A_62 : memref<128xi32, #tpu.memory_space<vmem>>) semaphore(%dma_start3A_67 : memref<!tpu.dma_semaphore, #tpu.memory_space<semaphore_mem>>)
    %while3A = arith.constant 0 : i32
    %while3A_68 = arith.constant 0 : i32
    %while3A_69 = arith.subi %select_n3A, %while3A_68 : i32
    %while3A_70 = arith.addi %while3A_68, %while3A_69 : i32
    %while3A_71 = arith.constant 1 : i32
    %while3A_72 = arith.divsi %while3A_69, %while3A_71 : i32
    %while3A_73 = arith.muli %while3A_72, %while3A_71 : i32
    %while3A_74 = arith.addi %while3A_68, %while3A_73 : i32
    %while3A_75 = arith.constant 1 : i32
    scf.for %while3A_98 = %while3A_68 to %while3A_74 step %while3A_75  : i32 {
      %jit3A_99 = arith.constant 8 : i32
      %div3A_100 = arith.divsi %while3A_98, %jit3A_99 : i32
      %sign3A_101 = arith.constant 0 : i32
      %sign3A_102 = arith.cmpi sgt, %while3A_98, %sign3A_101 : i32
      %sign3A_103 = arith.extui %sign3A_102 : i1 to i32
      %sign3A_104 = arith.constant 0 : i32
      %sign3A_105 = arith.cmpi slt, %while3A_98, %sign3A_104 : i32
      %sign3A_106 = arith.extui %sign3A_105 : i1 to i32
      %sign3A_107 = arith.subi %sign3A_103, %sign3A_106 : i32
      %sign3A_108 = arith.constant 0 : i32
      %sign3A_109 = arith.cmpi sgt, %jit3A_99, %sign3A_108 : i32
      %sign3A_110 = arith.extui %sign3A_109 : i1 to i32
      %sign3A_111 = arith.constant 0 : i32
      %sign3A_112 = arith.cmpi slt, %jit3A_99, %sign3A_111 : i32
      %sign3A_113 = arith.extui %sign3A_112 : i1 to i32
      %sign3A_114 = arith.subi %sign3A_110, %sign3A_113 : i32
      %ne3A_115 = arith.cmpi ne, %sign3A_107, %sign3A_114 : i32
      %rem3A_116 = arith.remsi %while3A_98, %jit3A_99 : i32
      %ne3A_117 = arith.constant 0 : i32
      %ne3A_118 = arith.cmpi ne, %rem3A_116, %ne3A_117 : i32
      %and3A_119 = arith.andi %ne3A_115, %ne3A_118 : i1
      %sub3A_120 = arith.constant 1 : i32
      %sub3A_121 = arith.subi %div3A_100, %sub3A_120 : i32
      %select_n3A_122 = arith.select %and3A_119, %sub3A_121, %div3A_100 : i32
      %mul3A_123 = arith.constant 8 : i32
      %mul3A_124 = arith.muli %select_n3A_122, %mul3A_123 : i32
      %sub3A_125 = arith.subi %while3A_98, %mul3A_124 : i32
      %rem3A_126 = arith.constant 2 : i32
      %rem3A_127 = arith.remsi %select_n3A_122, %rem3A_126 : i32
      %rem3A_128 = arith.constant 2 : i32
      %rem3A_129 = arith.remsi %while3A_98, %rem3A_128 : i32
      %eq3A_130 = arith.constant 0 : i32
      %eq3A_131 = arith.cmpi eq, %sub3A_125, %eq3A_130 : i32
      %add3A_132 = arith.constant 1 : i32
      %add3A_133 = arith.addi %select_n3A_122, %add3A_132 : i32
      %lt3A = arith.cmpi slt, %add3A_133, %select_n3A_50 : i32
      %and3A_134 = arith.andi %eq3A_131, %lt3A : i1
      %convert_element_type3A = arith.extui %and3A_134 : i1 to i32
      %cond3A = arith.constant 0 : i32
      %cond3A_135 = arith.cmpi ne, %convert_element_type3A, %cond3A : i32
      scf.if %cond3A_135 {
        %add3A_215 = arith.constant 1 : i32
        %add3A_216 = arith.addi %select_n3A_122, %add3A_215 : i32
        %add3A_217 = arith.constant 1 : i32
        %add3A_218 = arith.addi %select_n3A_122, %add3A_217 : i32
        %rem3A_219 = arith.constant 2 : i32
        %rem3A_220 = arith.remsi %add3A_218, %rem3A_219 : i32
        %mul3A_221 = arith.constant 8 : i32
        %mul3A_222 = arith.muli %add3A_216, %mul3A_221 : i32
        "tpu.region"() ({
          %run_scoped3A_225 = tpu.sem_alloc : memref<!tpu.dma_semaphore, #tpu.memory_space<semaphore_mem>>
          %dma_start3A_226 = arith.constant 0 : i32
          %dma_start3A_227 = arith.constant 0 : i32
          %dma_start3A_228 = tpu.memref_slice %arg7[%rem3A_220, %dma_start3A_226, %dma_start3A_227] : memref<2x8x128xi32, #tpu.memory_space<vmem>> -> memref<1x8x128xi32, #tpu.memory_space<vmem>>
          %dma_start3A_229 = tpu.memref_squeeze %dma_start3A_228 : memref<1x8x128xi32, #tpu.memory_space<vmem>> -> memref<8x128xi32, #tpu.memory_space<vmem>>
          %dma_start3A_230 = arith.constant 0 : i32
          %dma_start3A_231 = tpu.memref_slice %arg3[%add3A, %mul3A_222, %dma_start3A_230] : memref<32x80x128xi32, #tpu.memory_space<hbm>> -> memref<1x8x128xi32, #tpu.memory_space<hbm>>
          %dma_start3A_232 = tpu.memref_squeeze %dma_start3A_231 : memref<1x8x128xi32, #tpu.memory_space<hbm>> -> memref<8x128xi32, #tpu.memory_space<hbm>>
          %dma_start3A_233 = arith.constant 0 : i32
          %dma_start3A_234 = arith.constant 0 : i32
          %dma_start3A_235 = tpu.memref_slice %arg7[%rem3A_220, %dma_start3A_233, %dma_start3A_234] : memref<2x8x128xi32, #tpu.memory_space<vmem>> -> memref<1x8x128xi32, #tpu.memory_space<vmem>>
          %dma_start3A_236 = tpu.memref_squeeze %dma_start3A_235 : memref<1x8x128xi32, #tpu.memory_space<vmem>> -> memref<8x128xi32, #tpu.memory_space<vmem>>
          %dma_start3A_237 = arith.constant 0 : i32
          %dma_start3A_238 = tpu.memref_slice %arg3[%add3A, %mul3A_222, %dma_start3A_237] : memref<32x80x128xi32, #tpu.memory_space<hbm>> -> memref<1x8x128xi32, #tpu.memory_space<hbm>>
          %dma_start3A_239 = tpu.memref_squeeze %dma_start3A_238 : memref<1x8x128xi32, #tpu.memory_space<hbm>> -> memref<8x128xi32, #tpu.memory_space<hbm>>
          tpu.enqueue_dma source(%dma_start3A_239 : memref<8x128xi32, #tpu.memory_space<hbm>>) target(%dma_start3A_236 : memref<8x128xi32, #tpu.memory_space<vmem>>) target_semaphore(%run_scoped3A_225 : memref<!tpu.dma_semaphore, #tpu.memory_space<semaphore_mem>>)
          %dma_wait3A_240 = arith.constant 0 : i32
          %dma_wait3A_241 = arith.constant 0 : i32
          %dma_wait3A_242 = tpu.memref_slice %arg7[%rem3A_220, %dma_wait3A_240, %dma_wait3A_241] : memref<2x8x128xi32, #tpu.memory_space<vmem>> -> memref<1x8x128xi32, #tpu.memory_space<vmem>>
          %dma_wait3A_243 = tpu.memref_squeeze %dma_wait3A_242 : memref<1x8x128xi32, #tpu.memory_space<vmem>> -> memref<8x128xi32, #tpu.memory_space<vmem>>
          %dma_wait3A_244 = arith.constant 0 : i32
          %dma_wait3A_245 = tpu.memref_slice %arg3[%add3A, %mul3A_222, %dma_wait3A_244] : memref<32x80x128xi32, #tpu.memory_space<hbm>> -> memref<1x8x128xi32, #tpu.memory_space<hbm>>
          %dma_wait3A_246 = tpu.memref_squeeze %dma_wait3A_245 : memref<1x8x128xi32, #tpu.memory_space<hbm>> -> memref<8x128xi32, #tpu.memory_space<hbm>>
          %dma_wait3A_247 = arith.constant 0 : i32
          %dma_wait3A_248 = arith.constant 0 : i32
          %dma_wait3A_249 = tpu.memref_slice %arg7[%rem3A_220, %dma_wait3A_247, %dma_wait3A_248] : memref<2x8x128xi32, #tpu.memory_space<vmem>> -> memref<1x8x128xi32, #tpu.memory_space<vmem>>
          %dma_wait3A_250 = tpu.memref_squeeze %dma_wait3A_249 : memref<1x8x128xi32, #tpu.memory_space<vmem>> -> memref<8x128xi32, #tpu.memory_space<vmem>>
          %dma_wait3A_251 = arith.constant 0 : i32
          %dma_wait3A_252 = tpu.memref_slice %arg3[%add3A, %mul3A_222, %dma_wait3A_251] : memref<32x80x128xi32, #tpu.memory_space<hbm>> -> memref<1x8x128xi32, #tpu.memory_space<hbm>>
          %dma_wait3A_253 = tpu.memref_squeeze %dma_wait3A_252 : memref<1x8x128xi32, #tpu.memory_space<hbm>> -> memref<8x128xi32, #tpu.memory_space<hbm>>
          tpu.wait_dma2 semaphore(%run_scoped3A_225 : memref<!tpu.dma_semaphore, #tpu.memory_space<semaphore_mem>>) src(%dma_wait3A_253 : memref<8x128xi32, #tpu.memory_space<hbm>>) dst(%dma_wait3A_250 : memref<8x128xi32, #tpu.memory_space<vmem>>)
          tpu.yield
        }) : () -> ()
        %mul3A_223 = arith.constant 8 : i32
        %mul3A_224 = arith.muli %add3A_216, %mul3A_223 : i32
        "tpu.region"() ({
          %run_scoped3A_225 = tpu.sem_alloc : memref<!tpu.dma_semaphore, #tpu.memory_space<semaphore_mem>>
          %dma_start3A_226 = arith.constant 0 : i32
          %dma_start3A_227 = arith.constant 0 : i32
          %dma_start3A_228 = tpu.memref_slice %arg8[%rem3A_220, %dma_start3A_226, %dma_start3A_227] : memref<2x8x128xi32, #tpu.memory_space<vmem>> -> memref<1x8x128xi32, #tpu.memory_space<vmem>>
          %dma_start3A_229 = tpu.memref_squeeze %dma_start3A_228 : memref<1x8x128xi32, #tpu.memory_space<vmem>> -> memref<8x128xi32, #tpu.memory_space<vmem>>
          %dma_start3A_230 = arith.constant 0 : i32
          %dma_start3A_231 = tpu.memref_slice %arg4[%add3A, %mul3A_224, %dma_start3A_230] : memref<32x80x128xi32, #tpu.memory_space<hbm>> -> memref<1x8x128xi32, #tpu.memory_space<hbm>>
          %dma_start3A_232 = tpu.memref_squeeze %dma_start3A_231 : memref<1x8x128xi32, #tpu.memory_space<hbm>> -> memref<8x128xi32, #tpu.memory_space<hbm>>
          %dma_start3A_233 = arith.constant 0 : i32
          %dma_start3A_234 = arith.constant 0 : i32
          %dma_start3A_235 = tpu.memref_slice %arg8[%rem3A_220, %dma_start3A_233, %dma_start3A_234] : memref<2x8x128xi32, #tpu.memory_space<vmem>> -> memref<1x8x128xi32, #tpu.memory_space<vmem>>
          %dma_start3A_236 = tpu.memref_squeeze %dma_start3A_235 : memref<1x8x128xi32, #tpu.memory_space<vmem>> -> memref<8x128xi32, #tpu.memory_space<vmem>>
          %dma_start3A_237 = arith.constant 0 : i32
          %dma_start3A_238 = tpu.memref_slice %arg4[%add3A, %mul3A_224, %dma_start3A_237] : memref<32x80x128xi32, #tpu.memory_space<hbm>> -> memref<1x8x128xi32, #tpu.memory_space<hbm>>
          %dma_start3A_239 = tpu.memref_squeeze %dma_start3A_238 : memref<1x8x128xi32, #tpu.memory_space<hbm>> -> memref<8x128xi32, #tpu.memory_space<hbm>>
          tpu.enqueue_dma source(%dma_start3A_239 : memref<8x128xi32, #tpu.memory_space<hbm>>) target(%dma_start3A_236 : memref<8x128xi32, #tpu.memory_space<vmem>>) target_semaphore(%run_scoped3A_225 : memref<!tpu.dma_semaphore, #tpu.memory_space<semaphore_mem>>)
          %dma_wait3A_240 = arith.constant 0 : i32
          %dma_wait3A_241 = arith.constant 0 : i32
          %dma_wait3A_242 = tpu.memref_slice %arg8[%rem3A_220, %dma_wait3A_240, %dma_wait3A_241] : memref<2x8x128xi32, #tpu.memory_space<vmem>> -> memref<1x8x128xi32, #tpu.memory_space<vmem>>
          %dma_wait3A_243 = tpu.memref_squeeze %dma_wait3A_242 : memref<1x8x128xi32, #tpu.memory_space<vmem>> -> memref<8x128xi32, #tpu.memory_space<vmem>>
          %dma_wait3A_244 = arith.constant 0 : i32
          %dma_wait3A_245 = tpu.memref_slice %arg4[%add3A, %mul3A_224, %dma_wait3A_244] : memref<32x80x128xi32, #tpu.memory_space<hbm>> -> memref<1x8x128xi32, #tpu.memory_space<hbm>>
          %dma_wait3A_246 = tpu.memref_squeeze %dma_wait3A_245 : memref<1x8x128xi32, #tpu.memory_space<hbm>> -> memref<8x128xi32, #tpu.memory_space<hbm>>
          %dma_wait3A_247 = arith.constant 0 : i32
          %dma_wait3A_248 = arith.constant 0 : i32
          %dma_wait3A_249 = tpu.memref_slice %arg8[%rem3A_220, %dma_wait3A_247, %dma_wait3A_248] : memref<2x8x128xi32, #tpu.memory_space<vmem>> -> memref<1x8x128xi32, #tpu.memory_space<vmem>>
          %dma_wait3A_250 = tpu.memref_squeeze %dma_wait3A_249 : memref<1x8x128xi32, #tpu.memory_space<vmem>> -> memref<8x128xi32, #tpu.memory_space<vmem>>
          %dma_wait3A_251 = arith.constant 0 : i32
          %dma_wait3A_252 = tpu.memref_slice %arg4[%add3A, %mul3A_224, %dma_wait3A_251] : memref<32x80x128xi32, #tpu.memory_space<hbm>> -> memref<1x8x128xi32, #tpu.memory_space<hbm>>
          %dma_wait3A_253 = tpu.memref_squeeze %dma_wait3A_252 : memref<1x8x128xi32, #tpu.memory_space<hbm>> -> memref<8x128xi32, #tpu.memory_space<hbm>>
          tpu.wait_dma2 semaphore(%run_scoped3A_225 : memref<!tpu.dma_semaphore, #tpu.memory_space<semaphore_mem>>) src(%dma_wait3A_253 : memref<8x128xi32, #tpu.memory_space<hbm>>) dst(%dma_wait3A_250 : memref<8x128xi32, #tpu.memory_space<vmem>>)
          tpu.yield
        }) : () -> ()
      } else {
      }
      %add3A_136 = arith.constant 1 : i32
      %add3A_137 = arith.addi %while3A_98, %add3A_136 : i32
      %jit3A_138 = arith.constant 8 : i32
      %div3A_139 = arith.divsi %add3A_137, %jit3A_138 : i32
      %sign3A_140 = arith.constant 0 : i32
      %sign3A_141 = arith.cmpi sgt, %add3A_137, %sign3A_140 : i32
      %sign3A_142 = arith.extui %sign3A_141 : i1 to i32
      %sign3A_143 = arith.constant 0 : i32
      %sign3A_144 = arith.cmpi slt, %add3A_137, %sign3A_143 : i32
      %sign3A_145 = arith.extui %sign3A_144 : i1 to i32
      %sign3A_146 = arith.subi %sign3A_142, %sign3A_145 : i32
      %sign3A_147 = arith.constant 0 : i32
      %sign3A_148 = arith.cmpi sgt, %jit3A_138, %sign3A_147 : i32
      %sign3A_149 = arith.extui %sign3A_148 : i1 to i32
      %sign3A_150 = arith.constant 0 : i32
      %sign3A_151 = arith.cmpi slt, %jit3A_138, %sign3A_150 : i32
      %sign3A_152 = arith.extui %sign3A_151 : i1 to i32
      %sign3A_153 = arith.subi %sign3A_149, %sign3A_152 : i32
      %ne3A_154 = arith.cmpi ne, %sign3A_146, %sign3A_153 : i32
      %rem3A_155 = arith.remsi %add3A_137, %jit3A_138 : i32
      %ne3A_156 = arith.constant 0 : i32
      %ne3A_157 = arith.cmpi ne, %rem3A_155, %ne3A_156 : i32
      %and3A_158 = arith.andi %ne3A_154, %ne3A_157 : i1
      %sub3A_159 = arith.constant 1 : i32
      %sub3A_160 = arith.subi %div3A_139, %sub3A_159 : i32
      %select_n3A_161 = arith.select %and3A_158, %sub3A_160, %div3A_139 : i32
      %mul3A_162 = arith.constant 8 : i32
      %mul3A_163 = arith.muli %select_n3A_161, %mul3A_162 : i32
      %sub3A_164 = arith.subi %add3A_137, %mul3A_163 : i32
      %rem3A_165 = arith.constant 2 : i32
      %rem3A_166 = arith.remsi %select_n3A_161, %rem3A_165 : i32
      %rem3A_167 = arith.constant 2 : i32
      %rem3A_168 = arith.remsi %add3A_137, %rem3A_167 : i32
      %lt3A_169 = arith.cmpi slt, %add3A_137, %select_n3A : i32
      %convert_element_type3A_170 = arith.extui %lt3A_169 : i1 to i32
      %cond3A_171 = arith.constant 0 : i32
      %cond3A_172 = arith.cmpi ne, %convert_element_type3A_170, %cond3A_171 : i32
      scf.if %cond3A_172 {
        %dma_start3A_215 = arith.constant 0 : i32
        %dma_start3A_216 = arith.constant 0 : i32
        %dma_start3A_217 = tpu.memref_slice %arg9[%rem3A_168, %dma_start3A_215, %dma_start3A_216] : memref<2x128x128xf32, #tpu.memory_space<vmem>> -> memref<1x128x128xf32, #tpu.memory_space<vmem>>
        %dma_start3A_218 = tpu.memref_squeeze %dma_start3A_217 : memref<1x128x128xf32, #tpu.memory_space<vmem>> -> memref<128x128xf32, #tpu.memory_space<vmem>>
        %dma_start3A_219 = arith.constant 0 : i32
        %dma_start3A_220 = tpu.memref_slice %arg7[%rem3A_166, %sub3A_164, %dma_start3A_219] : memref<2x8x128xi32, #tpu.memory_space<vmem>> -> memref<1x1x128xi32, #tpu.memory_space<vmem>>
        %dma_start3A_221 = tpu.memref_squeeze %dma_start3A_220 : memref<1x1x128xi32, #tpu.memory_space<vmem>> -> memref<128xi32, #tpu.memory_space<vmem>>
        %dma_start3A_222 = arith.constant 0 : i32
        %dma_start3A_223 = arith.constant 0 : i32
        %dma_start3A_224 = tpu.memref_slice %arg2[%dma_start3A_222, %dma_start3A_223] : memref<10240x128xf32, #tpu.memory_space<hbm>> -> memref<10240x128xf32, #tpu.memory_space<hbm>>
        %dma_start3A_225 = tpu.memref_slice %arg12[%rem3A_168] : memref<2x!tpu.dma_semaphore, #tpu.memory_space<semaphore_mem>> -> memref<1x!tpu.dma_semaphore, #tpu.memory_space<semaphore_mem>>
        %dma_start3A_226 = tpu.memref_squeeze %dma_start3A_225 : memref<1x!tpu.dma_semaphore, #tpu.memory_space<semaphore_mem>> -> memref<!tpu.dma_semaphore, #tpu.memory_space<semaphore_mem>>
        tpu.enqueue_indirect_dma source(%dma_start3A_224 : memref<10240x128xf32, #tpu.memory_space<hbm>>) target(%dma_start3A_218 : memref<128x128xf32, #tpu.memory_space<vmem>>) offsets(%dma_start3A_221 : memref<128xi32, #tpu.memory_space<vmem>>) semaphore(%dma_start3A_226 : memref<!tpu.dma_semaphore, #tpu.memory_space<semaphore_mem>>)
      } else {
      }
      %dma_wait3A = arith.constant 0 : i32
      %dma_wait3A_173 = arith.constant 0 : i32
      %dma_wait3A_174 = tpu.memref_slice %arg9[%rem3A_129, %dma_wait3A, %dma_wait3A_173] : memref<2x128x128xf32, #tpu.memory_space<vmem>> -> memref<1x128x128xf32, #tpu.memory_space<vmem>>
      %dma_wait3A_175 = tpu.memref_squeeze %dma_wait3A_174 : memref<1x128x128xf32, #tpu.memory_space<vmem>> -> memref<128x128xf32, #tpu.memory_space<vmem>>
      %dma_wait3A_176 = arith.constant 0 : i32
      %dma_wait3A_177 = tpu.memref_slice %arg7[%rem3A_127, %sub3A_125, %dma_wait3A_176] : memref<2x8x128xi32, #tpu.memory_space<vmem>> -> memref<1x1x128xi32, #tpu.memory_space<vmem>>
      %dma_wait3A_178 = tpu.memref_squeeze %dma_wait3A_177 : memref<1x1x128xi32, #tpu.memory_space<vmem>> -> memref<128xi32, #tpu.memory_space<vmem>>
      %dma_wait3A_179 = arith.constant 0 : i32
      %dma_wait3A_180 = arith.constant 0 : i32
      %dma_wait3A_181 = tpu.memref_slice %arg2[%dma_wait3A_179, %dma_wait3A_180] : memref<10240x128xf32, #tpu.memory_space<hbm>> -> memref<10240x128xf32, #tpu.memory_space<hbm>>
      %dma_wait3A_182 = tpu.memref_slice %arg12[%rem3A_129] : memref<2x!tpu.dma_semaphore, #tpu.memory_space<semaphore_mem>> -> memref<1x!tpu.dma_semaphore, #tpu.memory_space<semaphore_mem>>
      %dma_wait3A_183 = tpu.memref_squeeze %dma_wait3A_182 : memref<1x!tpu.dma_semaphore, #tpu.memory_space<semaphore_mem>> -> memref<!tpu.dma_semaphore, #tpu.memory_space<semaphore_mem>>
      tpu.wait_indirect_dma semaphore(%dma_wait3A_183 : memref<!tpu.dma_semaphore, #tpu.memory_space<semaphore_mem>>) src(%dma_wait3A_181 : memref<10240x128xf32, #tpu.memory_space<hbm>>) dst(%dma_wait3A_175 : memref<128x128xf32, #tpu.memory_space<vmem>>)
      "tpu.region"() ({
        %run_scoped3A_215 = tpu.sem_alloc : memref<!tpu.dma_semaphore, #tpu.memory_space<semaphore_mem>>
        %dma_start3A_216 = arith.constant 0 : i32
        %dma_start3A_217 = arith.constant 0 : i32
        %dma_start3A_218 = tpu.memref_slice %arg9[%rem3A_129, %dma_start3A_216, %dma_start3A_217] : memref<2x128x128xf32, #tpu.memory_space<vmem>> -> memref<1x128x128xf32, #tpu.memory_space<vmem>>
        %dma_start3A_219 = tpu.memref_squeeze %dma_start3A_218 : memref<1x128x128xf32, #tpu.memory_space<vmem>> -> memref<128x128xf32, #tpu.memory_space<vmem>>
        %dma_start3A_220 = arith.constant 0 : i32
        %dma_start3A_221 = tpu.memref_slice %arg8[%rem3A_127, %sub3A_125, %dma_start3A_220] : memref<2x8x128xi32, #tpu.memory_space<vmem>> -> memref<1x1x128xi32, #tpu.memory_space<vmem>>
        %dma_start3A_222 = tpu.memref_squeeze %dma_start3A_221 : memref<1x1x128xi32, #tpu.memory_space<vmem>> -> memref<128xi32, #tpu.memory_space<vmem>>
        %dma_start3A_223 = arith.constant 0 : i32
        %dma_start3A_224 = arith.constant 0 : i32
        %dma_start3A_225 = tpu.memref_slice %arg10[%dma_start3A_223, %dma_start3A_224] : memref<10240x128xf32, #tpu.memory_space<vmem_shared>> -> memref<10240x128xf32, #tpu.memory_space<vmem_shared>>
        tpu.enqueue_indirect_dma source(%dma_start3A_219 : memref<128x128xf32, #tpu.memory_space<vmem>>) target(%dma_start3A_225 : memref<10240x128xf32, #tpu.memory_space<vmem_shared>>) offsets(%dma_start3A_222 : memref<128xi32, #tpu.memory_space<vmem>>) semaphore(%run_scoped3A_215 : memref<!tpu.dma_semaphore, #tpu.memory_space<semaphore_mem>>) {add = true}
        %dma_wait3A_226 = arith.constant 0 : i32
        %dma_wait3A_227 = arith.constant 0 : i32
        %dma_wait3A_228 = tpu.memref_slice %arg9[%rem3A_129, %dma_wait3A_226, %dma_wait3A_227] : memref<2x128x128xf32, #tpu.memory_space<vmem>> -> memref<1x128x128xf32, #tpu.memory_space<vmem>>
        %dma_wait3A_229 = tpu.memref_squeeze %dma_wait3A_228 : memref<1x128x128xf32, #tpu.memory_space<vmem>> -> memref<128x128xf32, #tpu.memory_space<vmem>>
        %dma_wait3A_230 = arith.constant 0 : i32
        %dma_wait3A_231 = tpu.memref_slice %arg8[%rem3A_127, %sub3A_125, %dma_wait3A_230] : memref<2x8x128xi32, #tpu.memory_space<vmem>> -> memref<1x1x128xi32, #tpu.memory_space<vmem>>
        %dma_wait3A_232 = tpu.memref_squeeze %dma_wait3A_231 : memref<1x1x128xi32, #tpu.memory_space<vmem>> -> memref<128xi32, #tpu.memory_space<vmem>>
        %dma_wait3A_233 = arith.constant 0 : i32
        %dma_wait3A_234 = arith.constant 0 : i32
        %dma_wait3A_235 = tpu.memref_slice %arg10[%dma_wait3A_233, %dma_wait3A_234] : memref<10240x128xf32, #tpu.memory_space<vmem_shared>> -> memref<10240x128xf32, #tpu.memory_space<vmem_shared>>
        tpu.wait_indirect_dma semaphore(%run_scoped3A_215 : memref<!tpu.dma_semaphore, #tpu.memory_space<semaphore_mem>>) src(%dma_wait3A_229 : memref<128x128xf32, #tpu.memory_space<vmem>>) dst(%dma_wait3A_235 : memref<10240x128xf32, #tpu.memory_space<vmem_shared>>)
        tpu.yield
      }) : () -> ()
      %get3A = arith.index_cast %rem3A_127 : i32 to index
      %get3A_184 = arith.index_cast %sub3A_125 : i32 to index
      %get3A_185 = arith.constant 0 : index
      %get3A_186 = tpu.vector_load %arg8[%get3A, %get3A_184, %get3A_185] {strides = array<i32>} : memref<2x8x128xi32, #tpu.memory_space<vmem>>, vector<16xi32>,
      tpu.vector_store_idx %arg11[%get3A_186], %broadcast_in_dim3A_3 {add = true} : memref<10240xf32, #tpu.memory_space<vmem>>[vector<16xi32>], vector<16xf32>,
      %get3A_187 = arith.index_cast %rem3A_127 : i32 to index
      %get3A_188 = arith.index_cast %sub3A_125 : i32 to index
      %get3A_189 = arith.constant 16 : index
      %get3A_190 = tpu.vector_load %arg8[%get3A_187, %get3A_188, %get3A_189] {strides = array<i32>} : memref<2x8x128xi32, #tpu.memory_space<vmem>>, vector<16xi32>,
      tpu.vector_store_idx %arg11[%get3A_190], %broadcast_in_dim3A_3 {add = true} : memref<10240xf32, #tpu.memory_space<vmem>>[vector<16xi32>], vector<16xf32>,
      %get3A_191 = arith.index_cast %rem3A_127 : i32 to index
      %get3A_192 = arith.index_cast %sub3A_125 : i32 to index
      %get3A_193 = arith.constant 32 : index
      %get3A_194 = tpu.vector_load %arg8[%get3A_191, %get3A_192, %get3A_193] {strides = array<i32>} : memref<2x8x128xi32, #tpu.memory_space<vmem>>, vector<16xi32>,
      tpu.vector_store_idx %arg11[%get3A_194], %broadcast_in_dim3A_3 {add = true} : memref<10240xf32, #tpu.memory_space<vmem>>[vector<16xi32>], vector<16xf32>,
      %get3A_195 = arith.index_cast %rem3A_127 : i32 to index
      %get3A_196 = arith.index_cast %sub3A_125 : i32 to index
      %get3A_197 = arith.constant 48 : index
      %get3A_198 = tpu.vector_load %arg8[%get3A_195, %get3A_196, %get3A_197] {strides = array<i32>} : memref<2x8x128xi32, #tpu.memory_space<vmem>>, vector<16xi32>,
      tpu.vector_store_idx %arg11[%get3A_198], %broadcast_in_dim3A_3 {add = true} : memref<10240xf32, #tpu.memory_space<vmem>>[vector<16xi32>], vector<16xf32>,
      %get3A_199 = arith.index_cast %rem3A_127 : i32 to index
      %get3A_200 = arith.index_cast %sub3A_125 : i32 to index
      %get3A_201 = arith.constant 64 : index
      %get3A_202 = tpu.vector_load %arg8[%get3A_199, %get3A_200, %get3A_201] {strides = array<i32>} : memref<2x8x128xi32, #tpu.memory_space<vmem>>, vector<16xi32>,
      tpu.vector_store_idx %arg11[%get3A_202], %broadcast_in_dim3A_3 {add = true} : memref<10240xf32, #tpu.memory_space<vmem>>[vector<16xi32>], vector<16xf32>,
      %get3A_203 = arith.index_cast %rem3A_127 : i32 to index
      %get3A_204 = arith.index_cast %sub3A_125 : i32 to index
      %get3A_205 = arith.constant 80 : index
      %get3A_206 = tpu.vector_load %arg8[%get3A_203, %get3A_204, %get3A_205] {strides = array<i32>} : memref<2x8x128xi32, #tpu.memory_space<vmem>>, vector<16xi32>,
      tpu.vector_store_idx %arg11[%get3A_206], %broadcast_in_dim3A_3 {add = true} : memref<10240xf32, #tpu.memory_space<vmem>>[vector<16xi32>], vector<16xf32>,
      %get3A_207 = arith.index_cast %rem3A_127 : i32 to index
      %get3A_208 = arith.index_cast %sub3A_125 : i32 to index
      %get3A_209 = arith.constant 96 : index
      %get3A_210 = tpu.vector_load %arg8[%get3A_207, %get3A_208, %get3A_209] {strides = array<i32>} : memref<2x8x128xi32, #tpu.memory_space<vmem>>, vector<16xi32>,
      tpu.vector_store_idx %arg11[%get3A_210], %broadcast_in_dim3A_3 {add = true} : memref<10240xf32, #tpu.memory_space<vmem>>[vector<16xi32>], vector<16xf32>,
      %get3A_211 = arith.index_cast %rem3A_127 : i32 to index
      %get3A_212 = arith.index_cast %sub3A_125 : i32 to index
      %get3A_213 = arith.constant 112 : index
      %get3A_214 = tpu.vector_load %arg8[%get3A_211, %get3A_212, %get3A_213] {strides = array<i32>} : memref<2x8x128xi32, #tpu.memory_space<vmem>>, vector<16xi32>,
      tpu.vector_store_idx %arg11[%get3A_214], %broadcast_in_dim3A_3 {add = true} : memref<10240xf32, #tpu.memory_space<vmem>>[vector<16xi32>], vector<16xf32>,
    }
    %while3A_76 = arith.constant 1 : i32
    scf.for %while3A_98 = %while3A_74 to %while3A_70 step %while3A_76  : i32 {
      %jit3A_99 = arith.constant 8 : i32
      %div3A_100 = arith.divsi %while3A_98, %jit3A_99 : i32
      %sign3A_101 = arith.constant 0 : i32
      %sign3A_102 = arith.cmpi sgt, %while3A_98, %sign3A_101 : i32
      %sign3A_103 = arith.extui %sign3A_102 : i1 to i32
      %sign3A_104 = arith.constant 0 : i32
      %sign3A_105 = arith.cmpi slt, %while3A_98, %sign3A_104 : i32
      %sign3A_106 = arith.extui %sign3A_105 : i1 to i32
      %sign3A_107 = arith.subi %sign3A_103, %sign3A_106 : i32
      %sign3A_108 = arith.constant 0 : i32
      %sign3A_109 = arith.cmpi sgt, %jit3A_99, %sign3A_108 : i32
      %sign3A_110 = arith.extui %sign3A_109 : i1 to i32
      %sign3A_111 = arith.constant 0 : i32
      %sign3A_112 = arith.cmpi slt, %jit3A_99, %sign3A_111 : i32
      %sign3A_113 = arith.extui %sign3A_112 : i1 to i32
      %sign3A_114 = arith.subi %sign3A_110, %sign3A_113 : i32
      %ne3A_115 = arith.cmpi ne, %sign3A_107, %sign3A_114 : i32
      %rem3A_116 = arith.remsi %while3A_98, %jit3A_99 : i32
      %ne3A_117 = arith.constant 0 : i32
      %ne3A_118 = arith.cmpi ne, %rem3A_116, %ne3A_117 : i32
      %and3A_119 = arith.andi %ne3A_115, %ne3A_118 : i1
      %sub3A_120 = arith.constant 1 : i32
      %sub3A_121 = arith.subi %div3A_100, %sub3A_120 : i32
      %select_n3A_122 = arith.select %and3A_119, %sub3A_121, %div3A_100 : i32
      %mul3A_123 = arith.constant 8 : i32
      %mul3A_124 = arith.muli %select_n3A_122, %mul3A_123 : i32
      %sub3A_125 = arith.subi %while3A_98, %mul3A_124 : i32
      %rem3A_126 = arith.constant 2 : i32
      %rem3A_127 = arith.remsi %select_n3A_122, %rem3A_126 : i32
      %rem3A_128 = arith.constant 2 : i32
      %rem3A_129 = arith.remsi %while3A_98, %rem3A_128 : i32
      %eq3A_130 = arith.constant 0 : i32
      %eq3A_131 = arith.cmpi eq, %sub3A_125, %eq3A_130 : i32
      %add3A_132 = arith.constant 1 : i32
      %add3A_133 = arith.addi %select_n3A_122, %add3A_132 : i32
      %lt3A = arith.cmpi slt, %add3A_133, %select_n3A_50 : i32
      %and3A_134 = arith.andi %eq3A_131, %lt3A : i1
      %convert_element_type3A = arith.extui %and3A_134 : i1 to i32
      %cond3A = arith.constant 0 : i32
      %cond3A_135 = arith.cmpi ne, %convert_element_type3A, %cond3A : i32
      scf.if %cond3A_135 {
        %add3A_215 = arith.constant 1 : i32
        %add3A_216 = arith.addi %select_n3A_122, %add3A_215 : i32
        %add3A_217 = arith.constant 1 : i32
        %add3A_218 = arith.addi %select_n3A_122, %add3A_217 : i32
        %rem3A_219 = arith.constant 2 : i32
        %rem3A_220 = arith.remsi %add3A_218, %rem3A_219 : i32
        %mul3A_221 = arith.constant 8 : i32
        %mul3A_222 = arith.muli %add3A_216, %mul3A_221 : i32
        "tpu.region"() ({
          %run_scoped3A_225 = tpu.sem_alloc : memref<!tpu.dma_semaphore, #tpu.memory_space<semaphore_mem>>
          %dma_start3A_226 = arith.constant 0 : i32
          %dma_start3A_227 = arith.constant 0 : i32
          %dma_start3A_228 = tpu.memref_slice %arg7[%rem3A_220, %dma_start3A_226, %dma_start3A_227] : memref<2x8x128xi32, #tpu.memory_space<vmem>> -> memref<1x8x128xi32, #tpu.memory_space<vmem>>
          %dma_start3A_229 = tpu.memref_squeeze %dma_start3A_228 : memref<1x8x128xi32, #tpu.memory_space<vmem>> -> memref<8x128xi32, #tpu.memory_space<vmem>>
          %dma_start3A_230 = arith.constant 0 : i32
          %dma_start3A_231 = tpu.memref_slice %arg3[%add3A, %mul3A_222, %dma_start3A_230] : memref<32x80x128xi32, #tpu.memory_space<hbm>> -> memref<1x8x128xi32, #tpu.memory_space<hbm>>
          %dma_start3A_232 = tpu.memref_squeeze %dma_start3A_231 : memref<1x8x128xi32, #tpu.memory_space<hbm>> -> memref<8x128xi32, #tpu.memory_space<hbm>>
          %dma_start3A_233 = arith.constant 0 : i32
          %dma_start3A_234 = arith.constant 0 : i32
          %dma_start3A_235 = tpu.memref_slice %arg7[%rem3A_220, %dma_start3A_233, %dma_start3A_234] : memref<2x8x128xi32, #tpu.memory_space<vmem>> -> memref<1x8x128xi32, #tpu.memory_space<vmem>>
          %dma_start3A_236 = tpu.memref_squeeze %dma_start3A_235 : memref<1x8x128xi32, #tpu.memory_space<vmem>> -> memref<8x128xi32, #tpu.memory_space<vmem>>
          %dma_start3A_237 = arith.constant 0 : i32
          %dma_start3A_238 = tpu.memref_slice %arg3[%add3A, %mul3A_222, %dma_start3A_237] : memref<32x80x128xi32, #tpu.memory_space<hbm>> -> memref<1x8x128xi32, #tpu.memory_space<hbm>>
          %dma_start3A_239 = tpu.memref_squeeze %dma_start3A_238 : memref<1x8x128xi32, #tpu.memory_space<hbm>> -> memref<8x128xi32, #tpu.memory_space<hbm>>
          tpu.enqueue_dma source(%dma_start3A_239 : memref<8x128xi32, #tpu.memory_space<hbm>>) target(%dma_start3A_236 : memref<8x128xi32, #tpu.memory_space<vmem>>) target_semaphore(%run_scoped3A_225 : memref<!tpu.dma_semaphore, #tpu.memory_space<semaphore_mem>>)
          %dma_wait3A_240 = arith.constant 0 : i32
          %dma_wait3A_241 = arith.constant 0 : i32
          %dma_wait3A_242 = tpu.memref_slice %arg7[%rem3A_220, %dma_wait3A_240, %dma_wait3A_241] : memref<2x8x128xi32, #tpu.memory_space<vmem>> -> memref<1x8x128xi32, #tpu.memory_space<vmem>>
          %dma_wait3A_243 = tpu.memref_squeeze %dma_wait3A_242 : memref<1x8x128xi32, #tpu.memory_space<vmem>> -> memref<8x128xi32, #tpu.memory_space<vmem>>
          %dma_wait3A_244 = arith.constant 0 : i32
          %dma_wait3A_245 = tpu.memref_slice %arg3[%add3A, %mul3A_222, %dma_wait3A_244] : memref<32x80x128xi32, #tpu.memory_space<hbm>> -> memref<1x8x128xi32, #tpu.memory_space<hbm>>
          %dma_wait3A_246 = tpu.memref_squeeze %dma_wait3A_245 : memref<1x8x128xi32, #tpu.memory_space<hbm>> -> memref<8x128xi32, #tpu.memory_space<hbm>>
          %dma_wait3A_247 = arith.constant 0 : i32
          %dma_wait3A_248 = arith.constant 0 : i32
          %dma_wait3A_249 = tpu.memref_slice %arg7[%rem3A_220, %dma_wait3A_247, %dma_wait3A_248] : memref<2x8x128xi32, #tpu.memory_space<vmem>> -> memref<1x8x128xi32, #tpu.memory_space<vmem>>
          %dma_wait3A_250 = tpu.memref_squeeze %dma_wait3A_249 : memref<1x8x128xi32, #tpu.memory_space<vmem>> -> memref<8x128xi32, #tpu.memory_space<vmem>>
          %dma_wait3A_251 = arith.constant 0 : i32
          %dma_wait3A_252 = tpu.memref_slice %arg3[%add3A, %mul3A_222, %dma_wait3A_251] : memref<32x80x128xi32, #tpu.memory_space<hbm>> -> memref<1x8x128xi32, #tpu.memory_space<hbm>>
          %dma_wait3A_253 = tpu.memref_squeeze %dma_wait3A_252 : memref<1x8x128xi32, #tpu.memory_space<hbm>> -> memref<8x128xi32, #tpu.memory_space<hbm>>
          tpu.wait_dma2 semaphore(%run_scoped3A_225 : memref<!tpu.dma_semaphore, #tpu.memory_space<semaphore_mem>>) src(%dma_wait3A_253 : memref<8x128xi32, #tpu.memory_space<hbm>>) dst(%dma_wait3A_250 : memref<8x128xi32, #tpu.memory_space<vmem>>)
          tpu.yield
        }) : () -> ()
        %mul3A_223 = arith.constant 8 : i32
        %mul3A_224 = arith.muli %add3A_216, %mul3A_223 : i32
        "tpu.region"() ({
          %run_scoped3A_225 = tpu.sem_alloc : memref<!tpu.dma_semaphore, #tpu.memory_space<semaphore_mem>>
          %dma_start3A_226 = arith.constant 0 : i32
          %dma_start3A_227 = arith.constant 0 : i32
          %dma_start3A_228 = tpu.memref_slice %arg8[%rem3A_220, %dma_start3A_226, %dma_start3A_227] : memref<2x8x128xi32, #tpu.memory_space<vmem>> -> memref<1x8x128xi32, #tpu.memory_space<vmem>>
          %dma_start3A_229 = tpu.memref_squeeze %dma_start3A_228 : memref<1x8x128xi32, #tpu.memory_space<vmem>> -> memref<8x128xi32, #tpu.memory_space<vmem>>
          %dma_start3A_230 = arith.constant 0 : i32
          %dma_start3A_231 = tpu.memref_slice %arg4[%add3A, %mul3A_224, %dma_start3A_230] : memref<32x80x128xi32, #tpu.memory_space<hbm>> -> memref<1x8x128xi32, #tpu.memory_space<hbm>>
          %dma_start3A_232 = tpu.memref_squeeze %dma_start3A_231 : memref<1x8x128xi32, #tpu.memory_space<hbm>> -> memref<8x128xi32, #tpu.memory_space<hbm>>
          %dma_start3A_233 = arith.constant 0 : i32
          %dma_start3A_234 = arith.constant 0 : i32
          %dma_start3A_235 = tpu.memref_slice %arg8[%rem3A_220, %dma_start3A_233, %dma_start3A_234] : memref<2x8x128xi32, #tpu.memory_space<vmem>> -> memref<1x8x128xi32, #tpu.memory_space<vmem>>
          %dma_start3A_236 = tpu.memref_squeeze %dma_start3A_235 : memref<1x8x128xi32, #tpu.memory_space<vmem>> -> memref<8x128xi32, #tpu.memory_space<vmem>>
          %dma_start3A_237 = arith.constant 0 : i32
          %dma_start3A_238 = tpu.memref_slice %arg4[%add3A, %mul3A_224, %dma_start3A_237] : memref<32x80x128xi32, #tpu.memory_space<hbm>> -> memref<1x8x128xi32, #tpu.memory_space<hbm>>
          %dma_start3A_239 = tpu.memref_squeeze %dma_start3A_238 : memref<1x8x128xi32, #tpu.memory_space<hbm>> -> memref<8x128xi32, #tpu.memory_space<hbm>>
          tpu.enqueue_dma source(%dma_start3A_239 : memref<8x128xi32, #tpu.memory_space<hbm>>) target(%dma_start3A_236 : memref<8x128xi32, #tpu.memory_space<vmem>>) target_semaphore(%run_scoped3A_225 : memref<!tpu.dma_semaphore, #tpu.memory_space<semaphore_mem>>)
          %dma_wait3A_240 = arith.constant 0 : i32
          %dma_wait3A_241 = arith.constant 0 : i32
          %dma_wait3A_242 = tpu.memref_slice %arg8[%rem3A_220, %dma_wait3A_240, %dma_wait3A_241] : memref<2x8x128xi32, #tpu.memory_space<vmem>> -> memref<1x8x128xi32, #tpu.memory_space<vmem>>
          %dma_wait3A_243 = tpu.memref_squeeze %dma_wait3A_242 : memref<1x8x128xi32, #tpu.memory_space<vmem>> -> memref<8x128xi32, #tpu.memory_space<vmem>>
          %dma_wait3A_244 = arith.constant 0 : i32
          %dma_wait3A_245 = tpu.memref_slice %arg4[%add3A, %mul3A_224, %dma_wait3A_244] : memref<32x80x128xi32, #tpu.memory_space<hbm>> -> memref<1x8x128xi32, #tpu.memory_space<hbm>>
          %dma_wait3A_246 = tpu.memref_squeeze %dma_wait3A_245 : memref<1x8x128xi32, #tpu.memory_space<hbm>> -> memref<8x128xi32, #tpu.memory_space<hbm>>
          %dma_wait3A_247 = arith.constant 0 : i32
          %dma_wait3A_248 = arith.constant 0 : i32
          %dma_wait3A_249 = tpu.memref_slice %arg8[%rem3A_220, %dma_wait3A_247, %dma_wait3A_248] : memref<2x8x128xi32, #tpu.memory_space<vmem>> -> memref<1x8x128xi32, #tpu.memory_space<vmem>>
          %dma_wait3A_250 = tpu.memref_squeeze %dma_wait3A_249 : memref<1x8x128xi32, #tpu.memory_space<vmem>> -> memref<8x128xi32, #tpu.memory_space<vmem>>
          %dma_wait3A_251 = arith.constant 0 : i32
          %dma_wait3A_252 = tpu.memref_slice %arg4[%add3A, %mul3A_224, %dma_wait3A_251] : memref<32x80x128xi32, #tpu.memory_space<hbm>> -> memref<1x8x128xi32, #tpu.memory_space<hbm>>
          %dma_wait3A_253 = tpu.memref_squeeze %dma_wait3A_252 : memref<1x8x128xi32, #tpu.memory_space<hbm>> -> memref<8x128xi32, #tpu.memory_space<hbm>>
          tpu.wait_dma2 semaphore(%run_scoped3A_225 : memref<!tpu.dma_semaphore, #tpu.memory_space<semaphore_mem>>) src(%dma_wait3A_253 : memref<8x128xi32, #tpu.memory_space<hbm>>) dst(%dma_wait3A_250 : memref<8x128xi32, #tpu.memory_space<vmem>>)
          tpu.yield
        }) : () -> ()
      } else {
      }
      %add3A_136 = arith.constant 1 : i32
      %add3A_137 = arith.addi %while3A_98, %add3A_136 : i32
      %jit3A_138 = arith.constant 8 : i32
      %div3A_139 = arith.divsi %add3A_137, %jit3A_138 : i32
      %sign3A_140 = arith.constant 0 : i32
      %sign3A_141 = arith.cmpi sgt, %add3A_137, %sign3A_140 : i32
      %sign3A_142 = arith.extui %sign3A_141 : i1 to i32
      %sign3A_143 = arith.constant 0 : i32
      %sign3A_144 = arith.cmpi slt, %add3A_137, %sign3A_143 : i32
      %sign3A_145 = arith.extui %sign3A_144 : i1 to i32
      %sign3A_146 = arith.subi %sign3A_142, %sign3A_145 : i32
      %sign3A_147 = arith.constant 0 : i32
      %sign3A_148 = arith.cmpi sgt, %jit3A_138, %sign3A_147 : i32
      %sign3A_149 = arith.extui %sign3A_148 : i1 to i32
      %sign3A_150 = arith.constant 0 : i32
      %sign3A_151 = arith.cmpi slt, %jit3A_138, %sign3A_150 : i32
      %sign3A_152 = arith.extui %sign3A_151 : i1 to i32
      %sign3A_153 = arith.subi %sign3A_149, %sign3A_152 : i32
      %ne3A_154 = arith.cmpi ne, %sign3A_146, %sign3A_153 : i32
      %rem3A_155 = arith.remsi %add3A_137, %jit3A_138 : i32
      %ne3A_156 = arith.constant 0 : i32
      %ne3A_157 = arith.cmpi ne, %rem3A_155, %ne3A_156 : i32
      %and3A_158 = arith.andi %ne3A_154, %ne3A_157 : i1
      %sub3A_159 = arith.constant 1 : i32
      %sub3A_160 = arith.subi %div3A_139, %sub3A_159 : i32
      %select_n3A_161 = arith.select %and3A_158, %sub3A_160, %div3A_139 : i32
      %mul3A_162 = arith.constant 8 : i32
      %mul3A_163 = arith.muli %select_n3A_161, %mul3A_162 : i32
      %sub3A_164 = arith.subi %add3A_137, %mul3A_163 : i32
      %rem3A_165 = arith.constant 2 : i32
      %rem3A_166 = arith.remsi %select_n3A_161, %rem3A_165 : i32
      %rem3A_167 = arith.constant 2 : i32
      %rem3A_168 = arith.remsi %add3A_137, %rem3A_167 : i32
      %lt3A_169 = arith.cmpi slt, %add3A_137, %select_n3A : i32
      %convert_element_type3A_170 = arith.extui %lt3A_169 : i1 to i32
      %cond3A_171 = arith.constant 0 : i32
      %cond3A_172 = arith.cmpi ne, %convert_element_type3A_170, %cond3A_171 : i32
      scf.if %cond3A_172 {
        %dma_start3A_215 = arith.constant 0 : i32
        %dma_start3A_216 = arith.constant 0 : i32
        %dma_start3A_217 = tpu.memref_slice %arg9[%rem3A_168, %dma_start3A_215, %dma_start3A_216] : memref<2x128x128xf32, #tpu.memory_space<vmem>> -> memref<1x128x128xf32, #tpu.memory_space<vmem>>
        %dma_start3A_218 = tpu.memref_squeeze %dma_start3A_217 : memref<1x128x128xf32, #tpu.memory_space<vmem>> -> memref<128x128xf32, #tpu.memory_space<vmem>>
        %dma_start3A_219 = arith.constant 0 : i32
        %dma_start3A_220 = tpu.memref_slice %arg7[%rem3A_166, %sub3A_164, %dma_start3A_219] : memref<2x8x128xi32, #tpu.memory_space<vmem>> -> memref<1x1x128xi32, #tpu.memory_space<vmem>>
        %dma_start3A_221 = tpu.memref_squeeze %dma_start3A_220 : memref<1x1x128xi32, #tpu.memory_space<vmem>> -> memref<128xi32, #tpu.memory_space<vmem>>
        %dma_start3A_222 = arith.constant 0 : i32
        %dma_start3A_223 = arith.constant 0 : i32
        %dma_start3A_224 = tpu.memref_slice %arg2[%dma_start3A_222, %dma_start3A_223] : memref<10240x128xf32, #tpu.memory_space<hbm>> -> memref<10240x128xf32, #tpu.memory_space<hbm>>
        %dma_start3A_225 = tpu.memref_slice %arg12[%rem3A_168] : memref<2x!tpu.dma_semaphore, #tpu.memory_space<semaphore_mem>> -> memref<1x!tpu.dma_semaphore, #tpu.memory_space<semaphore_mem>>
        %dma_start3A_226 = tpu.memref_squeeze %dma_start3A_225 : memref<1x!tpu.dma_semaphore, #tpu.memory_space<semaphore_mem>> -> memref<!tpu.dma_semaphore, #tpu.memory_space<semaphore_mem>>
        tpu.enqueue_indirect_dma source(%dma_start3A_224 : memref<10240x128xf32, #tpu.memory_space<hbm>>) target(%dma_start3A_218 : memref<128x128xf32, #tpu.memory_space<vmem>>) offsets(%dma_start3A_221 : memref<128xi32, #tpu.memory_space<vmem>>) semaphore(%dma_start3A_226 : memref<!tpu.dma_semaphore, #tpu.memory_space<semaphore_mem>>)
      } else {
      }
      %dma_wait3A = arith.constant 0 : i32
      %dma_wait3A_173 = arith.constant 0 : i32
      %dma_wait3A_174 = tpu.memref_slice %arg9[%rem3A_129, %dma_wait3A, %dma_wait3A_173] : memref<2x128x128xf32, #tpu.memory_space<vmem>> -> memref<1x128x128xf32, #tpu.memory_space<vmem>>
      %dma_wait3A_175 = tpu.memref_squeeze %dma_wait3A_174 : memref<1x128x128xf32, #tpu.memory_space<vmem>> -> memref<128x128xf32, #tpu.memory_space<vmem>>
      %dma_wait3A_176 = arith.constant 0 : i32
      %dma_wait3A_177 = tpu.memref_slice %arg7[%rem3A_127, %sub3A_125, %dma_wait3A_176] : memref<2x8x128xi32, #tpu.memory_space<vmem>> -> memref<1x1x128xi32, #tpu.memory_space<vmem>>
      %dma_wait3A_178 = tpu.memref_squeeze %dma_wait3A_177 : memref<1x1x128xi32, #tpu.memory_space<vmem>> -> memref<128xi32, #tpu.memory_space<vmem>>
      %dma_wait3A_179 = arith.constant 0 : i32
      %dma_wait3A_180 = arith.constant 0 : i32
      %dma_wait3A_181 = tpu.memref_slice %arg2[%dma_wait3A_179, %dma_wait3A_180] : memref<10240x128xf32, #tpu.memory_space<hbm>> -> memref<10240x128xf32, #tpu.memory_space<hbm>>
      %dma_wait3A_182 = tpu.memref_slice %arg12[%rem3A_129] : memref<2x!tpu.dma_semaphore, #tpu.memory_space<semaphore_mem>> -> memref<1x!tpu.dma_semaphore, #tpu.memory_space<semaphore_mem>>
      %dma_wait3A_183 = tpu.memref_squeeze %dma_wait3A_182 : memref<1x!tpu.dma_semaphore, #tpu.memory_space<semaphore_mem>> -> memref<!tpu.dma_semaphore, #tpu.memory_space<semaphore_mem>>
      tpu.wait_indirect_dma semaphore(%dma_wait3A_183 : memref<!tpu.dma_semaphore, #tpu.memory_space<semaphore_mem>>) src(%dma_wait3A_181 : memref<10240x128xf32, #tpu.memory_space<hbm>>) dst(%dma_wait3A_175 : memref<128x128xf32, #tpu.memory_space<vmem>>)
      "tpu.region"() ({
        %run_scoped3A_215 = tpu.sem_alloc : memref<!tpu.dma_semaphore, #tpu.memory_space<semaphore_mem>>
        %dma_start3A_216 = arith.constant 0 : i32
        %dma_start3A_217 = arith.constant 0 : i32
        %dma_start3A_218 = tpu.memref_slice %arg9[%rem3A_129, %dma_start3A_216, %dma_start3A_217] : memref<2x128x128xf32, #tpu.memory_space<vmem>> -> memref<1x128x128xf32, #tpu.memory_space<vmem>>
        %dma_start3A_219 = tpu.memref_squeeze %dma_start3A_218 : memref<1x128x128xf32, #tpu.memory_space<vmem>> -> memref<128x128xf32, #tpu.memory_space<vmem>>
        %dma_start3A_220 = arith.constant 0 : i32
        %dma_start3A_221 = tpu.memref_slice %arg8[%rem3A_127, %sub3A_125, %dma_start3A_220] : memref<2x8x128xi32, #tpu.memory_space<vmem>> -> memref<1x1x128xi32, #tpu.memory_space<vmem>>
        %dma_start3A_222 = tpu.memref_squeeze %dma_start3A_221 : memref<1x1x128xi32, #tpu.memory_space<vmem>> -> memref<128xi32, #tpu.memory_space<vmem>>
        %dma_start3A_223 = arith.constant 0 : i32
        %dma_start3A_224 = arith.constant 0 : i32
        %dma_start3A_225 = tpu.memref_slice %arg10[%dma_start3A_223, %dma_start3A_224] : memref<10240x128xf32, #tpu.memory_space<vmem_shared>> -> memref<10240x128xf32, #tpu.memory_space<vmem_shared>>
        tpu.enqueue_indirect_dma source(%dma_start3A_219 : memref<128x128xf32, #tpu.memory_space<vmem>>) target(%dma_start3A_225 : memref<10240x128xf32, #tpu.memory_space<vmem_shared>>) offsets(%dma_start3A_222 : memref<128xi32, #tpu.memory_space<vmem>>) semaphore(%run_scoped3A_215 : memref<!tpu.dma_semaphore, #tpu.memory_space<semaphore_mem>>) {add = true}
        %dma_wait3A_226 = arith.constant 0 : i32
        %dma_wait3A_227 = arith.constant 0 : i32
        %dma_wait3A_228 = tpu.memref_slice %arg9[%rem3A_129, %dma_wait3A_226, %dma_wait3A_227] : memref<2x128x128xf32, #tpu.memory_space<vmem>> -> memref<1x128x128xf32, #tpu.memory_space<vmem>>
        %dma_wait3A_229 = tpu.memref_squeeze %dma_wait3A_228 : memref<1x128x128xf32, #tpu.memory_space<vmem>> -> memref<128x128xf32, #tpu.memory_space<vmem>>
        %dma_wait3A_230 = arith.constant 0 : i32
        %dma_wait3A_231 = tpu.memref_slice %arg8[%rem3A_127, %sub3A_125, %dma_wait3A_230] : memref<2x8x128xi32, #tpu.memory_space<vmem>> -> memref<1x1x128xi32, #tpu.memory_space<vmem>>
        %dma_wait3A_232 = tpu.memref_squeeze %dma_wait3A_231 : memref<1x1x128xi32, #tpu.memory_space<vmem>> -> memref<128xi32, #tpu.memory_space<vmem>>
        %dma_wait3A_233 = arith.constant 0 : i32
        %dma_wait3A_234 = arith.constant 0 : i32
        %dma_wait3A_235 = tpu.memref_slice %arg10[%dma_wait3A_233, %dma_wait3A_234] : memref<10240x128xf32, #tpu.memory_space<vmem_shared>> -> memref<10240x128xf32, #tpu.memory_space<vmem_shared>>
        tpu.wait_indirect_dma semaphore(%run_scoped3A_215 : memref<!tpu.dma_semaphore, #tpu.memory_space<semaphore_mem>>) src(%dma_wait3A_229 : memref<128x128xf32, #tpu.memory_space<vmem>>) dst(%dma_wait3A_235 : memref<10240x128xf32, #tpu.memory_space<vmem_shared>>)
        tpu.yield
      }) : () -> ()
      %get3A = arith.index_cast %rem3A_127 : i32 to index
      %get3A_184 = arith.index_cast %sub3A_125 : i32 to index
      %get3A_185 = arith.constant 0 : index
      %get3A_186 = tpu.vector_load %arg8[%get3A, %get3A_184, %get3A_185] {strides = array<i32>} : memref<2x8x128xi32, #tpu.memory_space<vmem>>, vector<16xi32>,
      tpu.vector_store_idx %arg11[%get3A_186], %broadcast_in_dim3A_3 {add = true} : memref<10240xf32, #tpu.memory_space<vmem>>[vector<16xi32>], vector<16xf32>,
      %get3A_187 = arith.index_cast %rem3A_127 : i32 to index
      %get3A_188 = arith.index_cast %sub3A_125 : i32 to index
      %get3A_189 = arith.constant 16 : index
      %get3A_190 = tpu.vector_load %arg8[%get3A_187, %get3A_188, %get3A_189] {strides = array<i32>} : memref<2x8x128xi32, #tpu.memory_space<vmem>>, vector<16xi32>,
      tpu.vector_store_idx %arg11[%get3A_190], %broadcast_in_dim3A_3 {add = true} : memref<10240xf32, #tpu.memory_space<vmem>>[vector<16xi32>], vector<16xf32>,
      %get3A_191 = arith.index_cast %rem3A_127 : i32 to index
      %get3A_192 = arith.index_cast %sub3A_125 : i32 to index
      %get3A_193 = arith.constant 32 : index
      %get3A_194 = tpu.vector_load %arg8[%get3A_191, %get3A_192, %get3A_193] {strides = array<i32>} : memref<2x8x128xi32, #tpu.memory_space<vmem>>, vector<16xi32>,
      tpu.vector_store_idx %arg11[%get3A_194], %broadcast_in_dim3A_3 {add = true} : memref<10240xf32, #tpu.memory_space<vmem>>[vector<16xi32>], vector<16xf32>,
      %get3A_195 = arith.index_cast %rem3A_127 : i32 to index
      %get3A_196 = arith.index_cast %sub3A_125 : i32 to index
      %get3A_197 = arith.constant 48 : index
      %get3A_198 = tpu.vector_load %arg8[%get3A_195, %get3A_196, %get3A_197] {strides = array<i32>} : memref<2x8x128xi32, #tpu.memory_space<vmem>>, vector<16xi32>,
      tpu.vector_store_idx %arg11[%get3A_198], %broadcast_in_dim3A_3 {add = true} : memref<10240xf32, #tpu.memory_space<vmem>>[vector<16xi32>], vector<16xf32>,
      %get3A_199 = arith.index_cast %rem3A_127 : i32 to index
      %get3A_200 = arith.index_cast %sub3A_125 : i32 to index
      %get3A_201 = arith.constant 64 : index
      %get3A_202 = tpu.vector_load %arg8[%get3A_199, %get3A_200, %get3A_201] {strides = array<i32>} : memref<2x8x128xi32, #tpu.memory_space<vmem>>, vector<16xi32>,
      tpu.vector_store_idx %arg11[%get3A_202], %broadcast_in_dim3A_3 {add = true} : memref<10240xf32, #tpu.memory_space<vmem>>[vector<16xi32>], vector<16xf32>,
      %get3A_203 = arith.index_cast %rem3A_127 : i32 to index
      %get3A_204 = arith.index_cast %sub3A_125 : i32 to index
      %get3A_205 = arith.constant 80 : index
      %get3A_206 = tpu.vector_load %arg8[%get3A_203, %get3A_204, %get3A_205] {strides = array<i32>} : memref<2x8x128xi32, #tpu.memory_space<vmem>>, vector<16xi32>,
      tpu.vector_store_idx %arg11[%get3A_206], %broadcast_in_dim3A_3 {add = true} : memref<10240xf32, #tpu.memory_space<vmem>>[vector<16xi32>], vector<16xf32>,
      %get3A_207 = arith.index_cast %rem3A_127 : i32 to index
      %get3A_208 = arith.index_cast %sub3A_125 : i32 to index
      %get3A_209 = arith.constant 96 : index
      %get3A_210 = tpu.vector_load %arg8[%get3A_207, %get3A_208, %get3A_209] {strides = array<i32>} : memref<2x8x128xi32, #tpu.memory_space<vmem>>, vector<16xi32>,
      tpu.vector_store_idx %arg11[%get3A_210], %broadcast_in_dim3A_3 {add = true} : memref<10240xf32, #tpu.memory_space<vmem>>[vector<16xi32>], vector<16xf32>,
      %get3A_211 = arith.index_cast %rem3A_127 : i32 to index
      %get3A_212 = arith.index_cast %sub3A_125 : i32 to index
      %get3A_213 = arith.constant 112 : index
      %get3A_214 = tpu.vector_load %arg8[%get3A_211, %get3A_212, %get3A_213] {strides = array<i32>} : memref<2x8x128xi32, #tpu.memory_space<vmem>>, vector<16xi32>,
      tpu.vector_store_idx %arg11[%get3A_214], %broadcast_in_dim3A_3 {add = true} : memref<10240xf32, #tpu.memory_space<vmem>>[vector<16xi32>], vector<16xf32>,
    }
    %barrier3A_77 = arith.constant 0 : index
    tpu.barrier barrier_id(%barrier3A_77)
    %add3A_78 = arith.constant 0 : i32
    %add3A_79 = arith.addi %mul3A_10, %add3A_78 : i32
    %run_scoped3A_80 = arith.constant 0 : i32
    "tpu.region"() ({
      %run_scoped3A_98 = tpu.sem_alloc : memref<!tpu.dma_semaphore, #tpu.memory_space<semaphore_mem>>
      %dma_start3A_99 = arith.constant 0 : i32
      %dma_start3A_100 = arith.constant 0 : i32
      %dma_start3A_101 = tpu.memref_slice %arg9[%run_scoped3A_80, %dma_start3A_99, %dma_start3A_100] : memref<2x128x128xf32, #tpu.memory_space<vmem>> -> memref<1x128x128xf32, #tpu.memory_space<vmem>>
      %dma_start3A_102 = tpu.memref_squeeze %dma_start3A_101 : memref<1x128x128xf32, #tpu.memory_space<vmem>> -> memref<128x128xf32, #tpu.memory_space<vmem>>
      %dma_start3A_103 = arith.constant 0 : i32
      %dma_start3A_104 = tpu.memref_slice %arg10[%add3A_79, %dma_start3A_103] : memref<10240x128xf32, #tpu.memory_space<vmem_shared>> -> memref<128x128xf32, #tpu.memory_space<vmem_shared>>
      %dma_start3A_105 = arith.constant 0 : i32
      %dma_start3A_106 = arith.constant 0 : i32
      %dma_start3A_107 = tpu.memref_slice %arg9[%run_scoped3A_80, %dma_start3A_105, %dma_start3A_106] : memref<2x128x128xf32, #tpu.memory_space<vmem>> -> memref<1x128x128xf32, #tpu.memory_space<vmem>>
      %dma_start3A_108 = tpu.memref_squeeze %dma_start3A_107 : memref<1x128x128xf32, #tpu.memory_space<vmem>> -> memref<128x128xf32, #tpu.memory_space<vmem>>
      %dma_start3A_109 = arith.constant 0 : i32
      %dma_start3A_110 = tpu.memref_slice %arg10[%add3A_79, %dma_start3A_109] : memref<10240x128xf32, #tpu.memory_space<vmem_shared>> -> memref<128x128xf32, #tpu.memory_space<vmem_shared>>
      tpu.enqueue_dma source(%dma_start3A_110 : memref<128x128xf32, #tpu.memory_space<vmem_shared>>) target(%dma_start3A_108 : memref<128x128xf32, #tpu.memory_space<vmem>>) target_semaphore(%run_scoped3A_98 : memref<!tpu.dma_semaphore, #tpu.memory_space<semaphore_mem>>)
      %dma_wait3A = arith.constant 0 : i32
      %dma_wait3A_111 = arith.constant 0 : i32
      %dma_wait3A_112 = tpu.memref_slice %arg9[%run_scoped3A_80, %dma_wait3A, %dma_wait3A_111] : memref<2x128x128xf32, #tpu.memory_space<vmem>> -> memref<1x128x128xf32, #tpu.memory_space<vmem>>
      %dma_wait3A_113 = tpu.memref_squeeze %dma_wait3A_112 : memref<1x128x128xf32, #tpu.memory_space<vmem>> -> memref<128x128xf32, #tpu.memory_space<vmem>>
      %dma_wait3A_114 = arith.constant 0 : i32
      %dma_wait3A_115 = tpu.memref_slice %arg10[%add3A_79, %dma_wait3A_114] : memref<10240x128xf32, #tpu.memory_space<vmem_shared>> -> memref<128x128xf32, #tpu.memory_space<vmem_shared>>
      %dma_wait3A_116 = arith.constant 0 : i32
      %dma_wait3A_117 = arith.constant 0 : i32
      %dma_wait3A_118 = tpu.memref_slice %arg9[%run_scoped3A_80, %dma_wait3A_116, %dma_wait3A_117] : memref<2x128x128xf32, #tpu.memory_space<vmem>> -> memref<1x128x128xf32, #tpu.memory_space<vmem>>
      %dma_wait3A_119 = tpu.memref_squeeze %dma_wait3A_118 : memref<1x128x128xf32, #tpu.memory_space<vmem>> -> memref<128x128xf32, #tpu.memory_space<vmem>>
      %dma_wait3A_120 = arith.constant 0 : i32
      %dma_wait3A_121 = tpu.memref_slice %arg10[%add3A_79, %dma_wait3A_120] : memref<10240x128xf32, #tpu.memory_space<vmem_shared>> -> memref<128x128xf32, #tpu.memory_space<vmem_shared>>
      tpu.wait_dma2 semaphore(%run_scoped3A_98 : memref<!tpu.dma_semaphore, #tpu.memory_space<semaphore_mem>>) src(%dma_wait3A_121 : memref<128x128xf32, #tpu.memory_space<vmem_shared>>) dst(%dma_wait3A_119 : memref<128x128xf32, #tpu.memory_space<vmem>>)
      tpu.yield
    }) : () -> ()
    %run_scoped3A_81 = arith.constant 0 : i32
    "tpu.region"() ({
      %run_scoped3A_98 = tpu.sem_alloc : memref<!tpu.dma_semaphore, #tpu.memory_space<semaphore_mem>>
      %dma_start3A_99 = arith.constant 0 : i32
      %dma_start3A_100 = arith.constant 0 : i32
      %dma_start3A_101 = tpu.memref_slice %arg9[%run_scoped3A_81, %dma_start3A_99, %dma_start3A_100] : memref<2x128x128xf32, #tpu.memory_space<vmem>> -> memref<1x128x128xf32, #tpu.memory_space<vmem>>
      %dma_start3A_102 = tpu.memref_squeeze %dma_start3A_101 : memref<1x128x128xf32, #tpu.memory_space<vmem>> -> memref<128x128xf32, #tpu.memory_space<vmem>>
      %dma_start3A_103 = arith.constant 0 : i32
      %dma_start3A_104 = tpu.memref_slice %arg5[%arg0, %add3A_79, %dma_start3A_103] : memref<2x10240x128xf32, #tpu.memory_space<hbm>> -> memref<1x128x128xf32, #tpu.memory_space<hbm>>
      %dma_start3A_105 = tpu.memref_squeeze %dma_start3A_104 : memref<1x128x128xf32, #tpu.memory_space<hbm>> -> memref<128x128xf32, #tpu.memory_space<hbm>>
      %dma_start3A_106 = arith.constant 0 : i32
      %dma_start3A_107 = tpu.memref_slice %arg5[%arg0, %add3A_79, %dma_start3A_106] : memref<2x10240x128xf32, #tpu.memory_space<hbm>> -> memref<1x128x128xf32, #tpu.memory_space<hbm>>
      %dma_start3A_108 = tpu.memref_squeeze %dma_start3A_107 : memref<1x128x128xf32, #tpu.memory_space<hbm>> -> memref<128x128xf32, #tpu.memory_space<hbm>>
      %dma_start3A_109 = arith.constant 0 : i32
      %dma_start3A_110 = arith.constant 0 : i32
      %dma_start3A_111 = tpu.memref_slice %arg9[%run_scoped3A_81, %dma_start3A_109, %dma_start3A_110] : memref<2x128x128xf32, #tpu.memory_space<vmem>> -> memref<1x128x128xf32, #tpu.memory_space<vmem>>
      %dma_start3A_112 = tpu.memref_squeeze %dma_start3A_111 : memref<1x128x128xf32, #tpu.memory_space<vmem>> -> memref<128x128xf32, #tpu.memory_space<vmem>>
      tpu.enqueue_dma source(%dma_start3A_112 : memref<128x128xf32, #tpu.memory_space<vmem>>) target(%dma_start3A_108 : memref<128x128xf32, #tpu.memory_space<hbm>>) target_semaphore(%run_scoped3A_98 : memref<!tpu.dma_semaphore, #tpu.memory_space<semaphore_mem>>)
      %dma_wait3A = arith.constant 0 : i32
      %dma_wait3A_113 = arith.constant 0 : i32
      %dma_wait3A_114 = tpu.memref_slice %arg9[%run_scoped3A_81, %dma_wait3A, %dma_wait3A_113] : memref<2x128x128xf32, #tpu.memory_space<vmem>> -> memref<1x128x128xf32, #tpu.memory_space<vmem>>
      %dma_wait3A_115 = tpu.memref_squeeze %dma_wait3A_114 : memref<1x128x128xf32, #tpu.memory_space<vmem>> -> memref<128x128xf32, #tpu.memory_space<vmem>>
      %dma_wait3A_116 = arith.constant 0 : i32
      %dma_wait3A_117 = tpu.memref_slice %arg5[%arg0, %add3A_79, %dma_wait3A_116] : memref<2x10240x128xf32, #tpu.memory_space<hbm>> -> memref<1x128x128xf32, #tpu.memory_space<hbm>>
      %dma_wait3A_118 = tpu.memref_squeeze %dma_wait3A_117 : memref<1x128x128xf32, #tpu.memory_space<hbm>> -> memref<128x128xf32, #tpu.memory_space<hbm>>
      %dma_wait3A_119 = arith.constant 0 : i32
      %dma_wait3A_120 = tpu.memref_slice %arg5[%arg0, %add3A_79, %dma_wait3A_119] : memref<2x10240x128xf32, #tpu.memory_space<hbm>> -> memref<1x128x128xf32, #tpu.memory_space<hbm>>
      %dma_wait3A_121 = tpu.memref_squeeze %dma_wait3A_120 : memref<1x128x128xf32, #tpu.memory_space<hbm>> -> memref<128x128xf32, #tpu.memory_space<hbm>>
      %dma_wait3A_122 = arith.constant 0 : i32
      %dma_wait3A_123 = arith.constant 0 : i32
      %dma_wait3A_124 = tpu.memref_slice %arg9[%run_scoped3A_81, %dma_wait3A_122, %dma_wait3A_123] : memref<2x128x128xf32, #tpu.memory_space<vmem>> -> memref<1x128x128xf32, #tpu.memory_space<vmem>>
      %dma_wait3A_125 = tpu.memref_squeeze %dma_wait3A_124 : memref<1x128x128xf32, #tpu.memory_space<vmem>> -> memref<128x128xf32, #tpu.memory_space<vmem>>
      tpu.wait_dma2 semaphore(%run_scoped3A_98 : memref<!tpu.dma_semaphore, #tpu.memory_space<semaphore_mem>>) src(%dma_wait3A_125 : memref<128x128xf32, #tpu.memory_space<vmem>>) dst(%dma_wait3A_121 : memref<128x128xf32, #tpu.memory_space<hbm>>)
      tpu.yield
    }) : () -> ()
    %add3A_82 = arith.constant 128 : i32
    %add3A_83 = arith.addi %mul3A_10, %add3A_82 : i32
    %run_scoped3A_84 = arith.constant 1 : i32
    "tpu.region"() ({
      %run_scoped3A_98 = tpu.sem_alloc : memref<!tpu.dma_semaphore, #tpu.memory_space<semaphore_mem>>
      %dma_start3A_99 = arith.constant 0 : i32
      %dma_start3A_100 = arith.constant 0 : i32
      %dma_start3A_101 = tpu.memref_slice %arg9[%run_scoped3A_84, %dma_start3A_99, %dma_start3A_100] : memref<2x128x128xf32, #tpu.memory_space<vmem>> -> memref<1x128x128xf32, #tpu.memory_space<vmem>>
      %dma_start3A_102 = tpu.memref_squeeze %dma_start3A_101 : memref<1x128x128xf32, #tpu.memory_space<vmem>> -> memref<128x128xf32, #tpu.memory_space<vmem>>
      %dma_start3A_103 = arith.constant 0 : i32
      %dma_start3A_104 = tpu.memref_slice %arg10[%add3A_83, %dma_start3A_103] : memref<10240x128xf32, #tpu.memory_space<vmem_shared>> -> memref<128x128xf32, #tpu.memory_space<vmem_shared>>
      %dma_start3A_105 = arith.constant 0 : i32
      %dma_start3A_106 = arith.constant 0 : i32
      %dma_start3A_107 = tpu.memref_slice %arg9[%run_scoped3A_84, %dma_start3A_105, %dma_start3A_106] : memref<2x128x128xf32, #tpu.memory_space<vmem>> -> memref<1x128x128xf32, #tpu.memory_space<vmem>>
      %dma_start3A_108 = tpu.memref_squeeze %dma_start3A_107 : memref<1x128x128xf32, #tpu.memory_space<vmem>> -> memref<128x128xf32, #tpu.memory_space<vmem>>
      %dma_start3A_109 = arith.constant 0 : i32
      %dma_start3A_110 = tpu.memref_slice %arg10[%add3A_83, %dma_start3A_109] : memref<10240x128xf32, #tpu.memory_space<vmem_shared>> -> memref<128x128xf32, #tpu.memory_space<vmem_shared>>
      tpu.enqueue_dma source(%dma_start3A_110 : memref<128x128xf32, #tpu.memory_space<vmem_shared>>) target(%dma_start3A_108 : memref<128x128xf32, #tpu.memory_space<vmem>>) target_semaphore(%run_scoped3A_98 : memref<!tpu.dma_semaphore, #tpu.memory_space<semaphore_mem>>)
      %dma_wait3A = arith.constant 0 : i32
      %dma_wait3A_111 = arith.constant 0 : i32
      %dma_wait3A_112 = tpu.memref_slice %arg9[%run_scoped3A_84, %dma_wait3A, %dma_wait3A_111] : memref<2x128x128xf32, #tpu.memory_space<vmem>> -> memref<1x128x128xf32, #tpu.memory_space<vmem>>
      %dma_wait3A_113 = tpu.memref_squeeze %dma_wait3A_112 : memref<1x128x128xf32, #tpu.memory_space<vmem>> -> memref<128x128xf32, #tpu.memory_space<vmem>>
      %dma_wait3A_114 = arith.constant 0 : i32
      %dma_wait3A_115 = tpu.memref_slice %arg10[%add3A_83, %dma_wait3A_114] : memref<10240x128xf32, #tpu.memory_space<vmem_shared>> -> memref<128x128xf32, #tpu.memory_space<vmem_shared>>
      %dma_wait3A_116 = arith.constant 0 : i32
      %dma_wait3A_117 = arith.constant 0 : i32
      %dma_wait3A_118 = tpu.memref_slice %arg9[%run_scoped3A_84, %dma_wait3A_116, %dma_wait3A_117] : memref<2x128x128xf32, #tpu.memory_space<vmem>> -> memref<1x128x128xf32, #tpu.memory_space<vmem>>
      %dma_wait3A_119 = tpu.memref_squeeze %dma_wait3A_118 : memref<1x128x128xf32, #tpu.memory_space<vmem>> -> memref<128x128xf32, #tpu.memory_space<vmem>>
      %dma_wait3A_120 = arith.constant 0 : i32
      %dma_wait3A_121 = tpu.memref_slice %arg10[%add3A_83, %dma_wait3A_120] : memref<10240x128xf32, #tpu.memory_space<vmem_shared>> -> memref<128x128xf32, #tpu.memory_space<vmem_shared>>
      tpu.wait_dma2 semaphore(%run_scoped3A_98 : memref<!tpu.dma_semaphore, #tpu.memory_space<semaphore_mem>>) src(%dma_wait3A_121 : memref<128x128xf32, #tpu.memory_space<vmem_shared>>) dst(%dma_wait3A_119 : memref<128x128xf32, #tpu.memory_space<vmem>>)
      tpu.yield
    }) : () -> ()
    %run_scoped3A_85 = arith.constant 1 : i32
    "tpu.region"() ({
      %run_scoped3A_98 = tpu.sem_alloc : memref<!tpu.dma_semaphore, #tpu.memory_space<semaphore_mem>>
      %dma_start3A_99 = arith.constant 0 : i32
      %dma_start3A_100 = arith.constant 0 : i32
      %dma_start3A_101 = tpu.memref_slice %arg9[%run_scoped3A_85, %dma_start3A_99, %dma_start3A_100] : memref<2x128x128xf32, #tpu.memory_space<vmem>> -> memref<1x128x128xf32, #tpu.memory_space<vmem>>
      %dma_start3A_102 = tpu.memref_squeeze %dma_start3A_101 : memref<1x128x128xf32, #tpu.memory_space<vmem>> -> memref<128x128xf32, #tpu.memory_space<vmem>>
      %dma_start3A_103 = arith.constant 0 : i32
      %dma_start3A_104 = tpu.memref_slice %arg5[%arg0, %add3A_83, %dma_start3A_103] : memref<2x10240x128xf32, #tpu.memory_space<hbm>> -> memref<1x128x128xf32, #tpu.memory_space<hbm>>
      %dma_start3A_105 = tpu.memref_squeeze %dma_start3A_104 : memref<1x128x128xf32, #tpu.memory_space<hbm>> -> memref<128x128xf32, #tpu.memory_space<hbm>>
      %dma_start3A_106 = arith.constant 0 : i32
      %dma_start3A_107 = tpu.memref_slice %arg5[%arg0, %add3A_83, %dma_start3A_106] : memref<2x10240x128xf32, #tpu.memory_space<hbm>> -> memref<1x128x128xf32, #tpu.memory_space<hbm>>
      %dma_start3A_108 = tpu.memref_squeeze %dma_start3A_107 : memref<1x128x128xf32, #tpu.memory_space<hbm>> -> memref<128x128xf32, #tpu.memory_space<hbm>>
      %dma_start3A_109 = arith.constant 0 : i32
      %dma_start3A_110 = arith.constant 0 : i32
      %dma_start3A_111 = tpu.memref_slice %arg9[%run_scoped3A_85, %dma_start3A_109, %dma_start3A_110] : memref<2x128x128xf32, #tpu.memory_space<vmem>> -> memref<1x128x128xf32, #tpu.memory_space<vmem>>
      %dma_start3A_112 = tpu.memref_squeeze %dma_start3A_111 : memref<1x128x128xf32, #tpu.memory_space<vmem>> -> memref<128x128xf32, #tpu.memory_space<vmem>>
      tpu.enqueue_dma source(%dma_start3A_112 : memref<128x128xf32, #tpu.memory_space<vmem>>) target(%dma_start3A_108 : memref<128x128xf32, #tpu.memory_space<hbm>>) target_semaphore(%run_scoped3A_98 : memref<!tpu.dma_semaphore, #tpu.memory_space<semaphore_mem>>)
      %dma_wait3A = arith.constant 0 : i32
      %dma_wait3A_113 = arith.constant 0 : i32
      %dma_wait3A_114 = tpu.memref_slice %arg9[%run_scoped3A_85, %dma_wait3A, %dma_wait3A_113] : memref<2x128x128xf32, #tpu.memory_space<vmem>> -> memref<1x128x128xf32, #tpu.memory_space<vmem>>
      %dma_wait3A_115 = tpu.memref_squeeze %dma_wait3A_114 : memref<1x128x128xf32, #tpu.memory_space<vmem>> -> memref<128x128xf32, #tpu.memory_space<vmem>>
      %dma_wait3A_116 = arith.constant 0 : i32
      %dma_wait3A_117 = tpu.memref_slice %arg5[%arg0, %add3A_83, %dma_wait3A_116] : memref<2x10240x128xf32, #tpu.memory_space<hbm>> -> memref<1x128x128xf32, #tpu.memory_space<hbm>>
      %dma_wait3A_118 = tpu.memref_squeeze %dma_wait3A_117 : memref<1x128x128xf32, #tpu.memory_space<hbm>> -> memref<128x128xf32, #tpu.memory_space<hbm>>
      %dma_wait3A_119 = arith.constant 0 : i32
      %dma_wait3A_120 = tpu.memref_slice %arg5[%arg0, %add3A_83, %dma_wait3A_119] : memref<2x10240x128xf32, #tpu.memory_space<hbm>> -> memref<1x128x128xf32, #tpu.memory_space<hbm>>
      %dma_wait3A_121 = tpu.memref_squeeze %dma_wait3A_120 : memref<1x128x128xf32, #tpu.memory_space<hbm>> -> memref<128x128xf32, #tpu.memory_space<hbm>>
      %dma_wait3A_122 = arith.constant 0 : i32
      %dma_wait3A_123 = arith.constant 0 : i32
      %dma_wait3A_124 = tpu.memref_slice %arg9[%run_scoped3A_85, %dma_wait3A_122, %dma_wait3A_123] : memref<2x128x128xf32, #tpu.memory_space<vmem>> -> memref<1x128x128xf32, #tpu.memory_space<vmem>>
      %dma_wait3A_125 = tpu.memref_squeeze %dma_wait3A_124 : memref<1x128x128xf32, #tpu.memory_space<vmem>> -> memref<128x128xf32, #tpu.memory_space<vmem>>
      tpu.wait_dma2 semaphore(%run_scoped3A_98 : memref<!tpu.dma_semaphore, #tpu.memory_space<semaphore_mem>>) src(%dma_wait3A_125 : memref<128x128xf32, #tpu.memory_space<vmem>>) dst(%dma_wait3A_121 : memref<128x128xf32, #tpu.memory_space<hbm>>)
      tpu.yield
    }) : () -> ()
    %add3A_86 = arith.constant 256 : i32
    %add3A_87 = arith.addi %mul3A_10, %add3A_86 : i32
    %run_scoped3A_88 = arith.constant 0 : i32
    "tpu.region"() ({
      %run_scoped3A_98 = tpu.sem_alloc : memref<!tpu.dma_semaphore, #tpu.memory_space<semaphore_mem>>
      %dma_start3A_99 = arith.constant 0 : i32
      %dma_start3A_100 = arith.constant 0 : i32
      %dma_start3A_101 = tpu.memref_slice %arg9[%run_scoped3A_88, %dma_start3A_99, %dma_start3A_100] : memref<2x128x128xf32, #tpu.memory_space<vmem>> -> memref<1x128x128xf32, #tpu.memory_space<vmem>>
      %dma_start3A_102 = tpu.memref_squeeze %dma_start3A_101 : memref<1x128x128xf32, #tpu.memory_space<vmem>> -> memref<128x128xf32, #tpu.memory_space<vmem>>
      %dma_start3A_103 = arith.constant 0 : i32
      %dma_start3A_104 = tpu.memref_slice %arg10[%add3A_87, %dma_start3A_103] : memref<10240x128xf32, #tpu.memory_space<vmem_shared>> -> memref<128x128xf32, #tpu.memory_space<vmem_shared>>
      %dma_start3A_105 = arith.constant 0 : i32
      %dma_start3A_106 = arith.constant 0 : i32
      %dma_start3A_107 = tpu.memref_slice %arg9[%run_scoped3A_88, %dma_start3A_105, %dma_start3A_106] : memref<2x128x128xf32, #tpu.memory_space<vmem>> -> memref<1x128x128xf32, #tpu.memory_space<vmem>>
      %dma_start3A_108 = tpu.memref_squeeze %dma_start3A_107 : memref<1x128x128xf32, #tpu.memory_space<vmem>> -> memref<128x128xf32, #tpu.memory_space<vmem>>
      %dma_start3A_109 = arith.constant 0 : i32
      %dma_start3A_110 = tpu.memref_slice %arg10[%add3A_87, %dma_start3A_109] : memref<10240x128xf32, #tpu.memory_space<vmem_shared>> -> memref<128x128xf32, #tpu.memory_space<vmem_shared>>
      tpu.enqueue_dma source(%dma_start3A_110 : memref<128x128xf32, #tpu.memory_space<vmem_shared>>) target(%dma_start3A_108 : memref<128x128xf32, #tpu.memory_space<vmem>>) target_semaphore(%run_scoped3A_98 : memref<!tpu.dma_semaphore, #tpu.memory_space<semaphore_mem>>)
      %dma_wait3A = arith.constant 0 : i32
      %dma_wait3A_111 = arith.constant 0 : i32
      %dma_wait3A_112 = tpu.memref_slice %arg9[%run_scoped3A_88, %dma_wait3A, %dma_wait3A_111] : memref<2x128x128xf32, #tpu.memory_space<vmem>> -> memref<1x128x128xf32, #tpu.memory_space<vmem>>
      %dma_wait3A_113 = tpu.memref_squeeze %dma_wait3A_112 : memref<1x128x128xf32, #tpu.memory_space<vmem>> -> memref<128x128xf32, #tpu.memory_space<vmem>>
      %dma_wait3A_114 = arith.constant 0 : i32
      %dma_wait3A_115 = tpu.memref_slice %arg10[%add3A_87, %dma_wait3A_114] : memref<10240x128xf32, #tpu.memory_space<vmem_shared>> -> memref<128x128xf32, #tpu.memory_space<vmem_shared>>
      %dma_wait3A_116 = arith.constant 0 : i32
      %dma_wait3A_117 = arith.constant 0 : i32
      %dma_wait3A_118 = tpu.memref_slice %arg9[%run_scoped3A_88, %dma_wait3A_116, %dma_wait3A_117] : memref<2x128x128xf32, #tpu.memory_space<vmem>> -> memref<1x128x128xf32, #tpu.memory_space<vmem>>
      %dma_wait3A_119 = tpu.memref_squeeze %dma_wait3A_118 : memref<1x128x128xf32, #tpu.memory_space<vmem>> -> memref<128x128xf32, #tpu.memory_space<vmem>>
      %dma_wait3A_120 = arith.constant 0 : i32
      %dma_wait3A_121 = tpu.memref_slice %arg10[%add3A_87, %dma_wait3A_120] : memref<10240x128xf32, #tpu.memory_space<vmem_shared>> -> memref<128x128xf32, #tpu.memory_space<vmem_shared>>
      tpu.wait_dma2 semaphore(%run_scoped3A_98 : memref<!tpu.dma_semaphore, #tpu.memory_space<semaphore_mem>>) src(%dma_wait3A_121 : memref<128x128xf32, #tpu.memory_space<vmem_shared>>) dst(%dma_wait3A_119 : memref<128x128xf32, #tpu.memory_space<vmem>>)
      tpu.yield
    }) : () -> ()
    %run_scoped3A_89 = arith.constant 0 : i32
    "tpu.region"() ({
      %run_scoped3A_98 = tpu.sem_alloc : memref<!tpu.dma_semaphore, #tpu.memory_space<semaphore_mem>>
      %dma_start3A_99 = arith.constant 0 : i32
      %dma_start3A_100 = arith.constant 0 : i32
      %dma_start3A_101 = tpu.memref_slice %arg9[%run_scoped3A_89, %dma_start3A_99, %dma_start3A_100] : memref<2x128x128xf32, #tpu.memory_space<vmem>> -> memref<1x128x128xf32, #tpu.memory_space<vmem>>
      %dma_start3A_102 = tpu.memref_squeeze %dma_start3A_101 : memref<1x128x128xf32, #tpu.memory_space<vmem>> -> memref<128x128xf32, #tpu.memory_space<vmem>>
      %dma_start3A_103 = arith.constant 0 : i32
      %dma_start3A_104 = tpu.memref_slice %arg5[%arg0, %add3A_87, %dma_start3A_103] : memref<2x10240x128xf32, #tpu.memory_space<hbm>> -> memref<1x128x128xf32, #tpu.memory_space<hbm>>
      %dma_start3A_105 = tpu.memref_squeeze %dma_start3A_104 : memref<1x128x128xf32, #tpu.memory_space<hbm>> -> memref<128x128xf32, #tpu.memory_space<hbm>>
      %dma_start3A_106 = arith.constant 0 : i32
      %dma_start3A_107 = tpu.memref_slice %arg5[%arg0, %add3A_87, %dma_start3A_106] : memref<2x10240x128xf32, #tpu.memory_space<hbm>> -> memref<1x128x128xf32, #tpu.memory_space<hbm>>
      %dma_start3A_108 = tpu.memref_squeeze %dma_start3A_107 : memref<1x128x128xf32, #tpu.memory_space<hbm>> -> memref<128x128xf32, #tpu.memory_space<hbm>>
      %dma_start3A_109 = arith.constant 0 : i32
      %dma_start3A_110 = arith.constant 0 : i32
      %dma_start3A_111 = tpu.memref_slice %arg9[%run_scoped3A_89, %dma_start3A_109, %dma_start3A_110] : memref<2x128x128xf32, #tpu.memory_space<vmem>> -> memref<1x128x128xf32, #tpu.memory_space<vmem>>
      %dma_start3A_112 = tpu.memref_squeeze %dma_start3A_111 : memref<1x128x128xf32, #tpu.memory_space<vmem>> -> memref<128x128xf32, #tpu.memory_space<vmem>>
      tpu.enqueue_dma source(%dma_start3A_112 : memref<128x128xf32, #tpu.memory_space<vmem>>) target(%dma_start3A_108 : memref<128x128xf32, #tpu.memory_space<hbm>>) target_semaphore(%run_scoped3A_98 : memref<!tpu.dma_semaphore, #tpu.memory_space<semaphore_mem>>)
      %dma_wait3A = arith.constant 0 : i32
      %dma_wait3A_113 = arith.constant 0 : i32
      %dma_wait3A_114 = tpu.memref_slice %arg9[%run_scoped3A_89, %dma_wait3A, %dma_wait3A_113] : memref<2x128x128xf32, #tpu.memory_space<vmem>> -> memref<1x128x128xf32, #tpu.memory_space<vmem>>
      %dma_wait3A_115 = tpu.memref_squeeze %dma_wait3A_114 : memref<1x128x128xf32, #tpu.memory_space<vmem>> -> memref<128x128xf32, #tpu.memory_space<vmem>>
      %dma_wait3A_116 = arith.constant 0 : i32
      %dma_wait3A_117 = tpu.memref_slice %arg5[%arg0, %add3A_87, %dma_wait3A_116] : memref<2x10240x128xf32, #tpu.memory_space<hbm>> -> memref<1x128x128xf32, #tpu.memory_space<hbm>>
      %dma_wait3A_118 = tpu.memref_squeeze %dma_wait3A_117 : memref<1x128x128xf32, #tpu.memory_space<hbm>> -> memref<128x128xf32, #tpu.memory_space<hbm>>
      %dma_wait3A_119 = arith.constant 0 : i32
      %dma_wait3A_120 = tpu.memref_slice %arg5[%arg0, %add3A_87, %dma_wait3A_119] : memref<2x10240x128xf32, #tpu.memory_space<hbm>> -> memref<1x128x128xf32, #tpu.memory_space<hbm>>
      %dma_wait3A_121 = tpu.memref_squeeze %dma_wait3A_120 : memref<1x128x128xf32, #tpu.memory_space<hbm>> -> memref<128x128xf32, #tpu.memory_space<hbm>>
      %dma_wait3A_122 = arith.constant 0 : i32
      %dma_wait3A_123 = arith.constant 0 : i32
      %dma_wait3A_124 = tpu.memref_slice %arg9[%run_scoped3A_89, %dma_wait3A_122, %dma_wait3A_123] : memref<2x128x128xf32, #tpu.memory_space<vmem>> -> memref<1x128x128xf32, #tpu.memory_space<vmem>>
      %dma_wait3A_125 = tpu.memref_squeeze %dma_wait3A_124 : memref<1x128x128xf32, #tpu.memory_space<vmem>> -> memref<128x128xf32, #tpu.memory_space<vmem>>
      tpu.wait_dma2 semaphore(%run_scoped3A_98 : memref<!tpu.dma_semaphore, #tpu.memory_space<semaphore_mem>>) src(%dma_wait3A_125 : memref<128x128xf32, #tpu.memory_space<vmem>>) dst(%dma_wait3A_121 : memref<128x128xf32, #tpu.memory_space<hbm>>)
      tpu.yield
    }) : () -> ()
    %add3A_90 = arith.constant 384 : i32
    %add3A_91 = arith.addi %mul3A_10, %add3A_90 : i32
    %run_scoped3A_92 = arith.constant 1 : i32
    "tpu.region"() ({
      %run_scoped3A_98 = tpu.sem_alloc : memref<!tpu.dma_semaphore, #tpu.memory_space<semaphore_mem>>
      %dma_start3A_99 = arith.constant 0 : i32
      %dma_start3A_100 = arith.constant 0 : i32
      %dma_start3A_101 = tpu.memref_slice %arg9[%run_scoped3A_92, %dma_start3A_99, %dma_start3A_100] : memref<2x128x128xf32, #tpu.memory_space<vmem>> -> memref<1x128x128xf32, #tpu.memory_space<vmem>>
      %dma_start3A_102 = tpu.memref_squeeze %dma_start3A_101 : memref<1x128x128xf32, #tpu.memory_space<vmem>> -> memref<128x128xf32, #tpu.memory_space<vmem>>
      %dma_start3A_103 = arith.constant 0 : i32
      %dma_start3A_104 = tpu.memref_slice %arg10[%add3A_91, %dma_start3A_103] : memref<10240x128xf32, #tpu.memory_space<vmem_shared>> -> memref<128x128xf32, #tpu.memory_space<vmem_shared>>
      %dma_start3A_105 = arith.constant 0 : i32
      %dma_start3A_106 = arith.constant 0 : i32
      %dma_start3A_107 = tpu.memref_slice %arg9[%run_scoped3A_92, %dma_start3A_105, %dma_start3A_106] : memref<2x128x128xf32, #tpu.memory_space<vmem>> -> memref<1x128x128xf32, #tpu.memory_space<vmem>>
      %dma_start3A_108 = tpu.memref_squeeze %dma_start3A_107 : memref<1x128x128xf32, #tpu.memory_space<vmem>> -> memref<128x128xf32, #tpu.memory_space<vmem>>
      %dma_start3A_109 = arith.constant 0 : i32
      %dma_start3A_110 = tpu.memref_slice %arg10[%add3A_91, %dma_start3A_109] : memref<10240x128xf32, #tpu.memory_space<vmem_shared>> -> memref<128x128xf32, #tpu.memory_space<vmem_shared>>
      tpu.enqueue_dma source(%dma_start3A_110 : memref<128x128xf32, #tpu.memory_space<vmem_shared>>) target(%dma_start3A_108 : memref<128x128xf32, #tpu.memory_space<vmem>>) target_semaphore(%run_scoped3A_98 : memref<!tpu.dma_semaphore, #tpu.memory_space<semaphore_mem>>)
      %dma_wait3A = arith.constant 0 : i32
      %dma_wait3A_111 = arith.constant 0 : i32
      %dma_wait3A_112 = tpu.memref_slice %arg9[%run_scoped3A_92, %dma_wait3A, %dma_wait3A_111] : memref<2x128x128xf32, #tpu.memory_space<vmem>> -> memref<1x128x128xf32, #tpu.memory_space<vmem>>
      %dma_wait3A_113 = tpu.memref_squeeze %dma_wait3A_112 : memref<1x128x128xf32, #tpu.memory_space<vmem>> -> memref<128x128xf32, #tpu.memory_space<vmem>>
      %dma_wait3A_114 = arith.constant 0 : i32
      %dma_wait3A_115 = tpu.memref_slice %arg10[%add3A_91, %dma_wait3A_114] : memref<10240x128xf32, #tpu.memory_space<vmem_shared>> -> memref<128x128xf32, #tpu.memory_space<vmem_shared>>
      %dma_wait3A_116 = arith.constant 0 : i32
      %dma_wait3A_117 = arith.constant 0 : i32
      %dma_wait3A_118 = tpu.memref_slice %arg9[%run_scoped3A_92, %dma_wait3A_116, %dma_wait3A_117] : memref<2x128x128xf32, #tpu.memory_space<vmem>> -> memref<1x128x128xf32, #tpu.memory_space<vmem>>
      %dma_wait3A_119 = tpu.memref_squeeze %dma_wait3A_118 : memref<1x128x128xf32, #tpu.memory_space<vmem>> -> memref<128x128xf32, #tpu.memory_space<vmem>>
      %dma_wait3A_120 = arith.constant 0 : i32
      %dma_wait3A_121 = tpu.memref_slice %arg10[%add3A_91, %dma_wait3A_120] : memref<10240x128xf32, #tpu.memory_space<vmem_shared>> -> memref<128x128xf32, #tpu.memory_space<vmem_shared>>
      tpu.wait_dma2 semaphore(%run_scoped3A_98 : memref<!tpu.dma_semaphore, #tpu.memory_space<semaphore_mem>>) src(%dma_wait3A_121 : memref<128x128xf32, #tpu.memory_space<vmem_shared>>) dst(%dma_wait3A_119 : memref<128x128xf32, #tpu.memory_space<vmem>>)
      tpu.yield
    }) : () -> ()
    %run_scoped3A_93 = arith.constant 1 : i32
    "tpu.region"() ({
      %run_scoped3A_98 = tpu.sem_alloc : memref<!tpu.dma_semaphore, #tpu.memory_space<semaphore_mem>>
      %dma_start3A_99 = arith.constant 0 : i32
      %dma_start3A_100 = arith.constant 0 : i32
      %dma_start3A_101 = tpu.memref_slice %arg9[%run_scoped3A_93, %dma_start3A_99, %dma_start3A_100] : memref<2x128x128xf32, #tpu.memory_space<vmem>> -> memref<1x128x128xf32, #tpu.memory_space<vmem>>
      %dma_start3A_102 = tpu.memref_squeeze %dma_start3A_101 : memref<1x128x128xf32, #tpu.memory_space<vmem>> -> memref<128x128xf32, #tpu.memory_space<vmem>>
      %dma_start3A_103 = arith.constant 0 : i32
      %dma_start3A_104 = tpu.memref_slice %arg5[%arg0, %add3A_91, %dma_start3A_103] : memref<2x10240x128xf32, #tpu.memory_space<hbm>> -> memref<1x128x128xf32, #tpu.memory_space<hbm>>
      %dma_start3A_105 = tpu.memref_squeeze %dma_start3A_104 : memref<1x128x128xf32, #tpu.memory_space<hbm>> -> memref<128x128xf32, #tpu.memory_space<hbm>>
      %dma_start3A_106 = arith.constant 0 : i32
      %dma_start3A_107 = tpu.memref_slice %arg5[%arg0, %add3A_91, %dma_start3A_106] : memref<2x10240x128xf32, #tpu.memory_space<hbm>> -> memref<1x128x128xf32, #tpu.memory_space<hbm>>
      %dma_start3A_108 = tpu.memref_squeeze %dma_start3A_107 : memref<1x128x128xf32, #tpu.memory_space<hbm>> -> memref<128x128xf32, #tpu.memory_space<hbm>>
      %dma_start3A_109 = arith.constant 0 : i32
      %dma_start3A_110 = arith.constant 0 : i32
      %dma_start3A_111 = tpu.memref_slice %arg9[%run_scoped3A_93, %dma_start3A_109, %dma_start3A_110] : memref<2x128x128xf32, #tpu.memory_space<vmem>> -> memref<1x128x128xf32, #tpu.memory_space<vmem>>
      %dma_start3A_112 = tpu.memref_squeeze %dma_start3A_111 : memref<1x128x128xf32, #tpu.memory_space<vmem>> -> memref<128x128xf32, #tpu.memory_space<vmem>>
      tpu.enqueue_dma source(%dma_start3A_112 : memref<128x128xf32, #tpu.memory_space<vmem>>) target(%dma_start3A_108 : memref<128x128xf32, #tpu.memory_space<hbm>>) target_semaphore(%run_scoped3A_98 : memref<!tpu.dma_semaphore, #tpu.memory_space<semaphore_mem>>)
      %dma_wait3A = arith.constant 0 : i32
      %dma_wait3A_113 = arith.constant 0 : i32
      %dma_wait3A_114 = tpu.memref_slice %arg9[%run_scoped3A_93, %dma_wait3A, %dma_wait3A_113] : memref<2x128x128xf32, #tpu.memory_space<vmem>> -> memref<1x128x128xf32, #tpu.memory_space<vmem>>
      %dma_wait3A_115 = tpu.memref_squeeze %dma_wait3A_114 : memref<1x128x128xf32, #tpu.memory_space<vmem>> -> memref<128x128xf32, #tpu.memory_space<vmem>>
      %dma_wait3A_116 = arith.constant 0 : i32
      %dma_wait3A_117 = tpu.memref_slice %arg5[%arg0, %add3A_91, %dma_wait3A_116] : memref<2x10240x128xf32, #tpu.memory_space<hbm>> -> memref<1x128x128xf32, #tpu.memory_space<hbm>>
      %dma_wait3A_118 = tpu.memref_squeeze %dma_wait3A_117 : memref<1x128x128xf32, #tpu.memory_space<hbm>> -> memref<128x128xf32, #tpu.memory_space<hbm>>
      %dma_wait3A_119 = arith.constant 0 : i32
      %dma_wait3A_120 = tpu.memref_slice %arg5[%arg0, %add3A_91, %dma_wait3A_119] : memref<2x10240x128xf32, #tpu.memory_space<hbm>> -> memref<1x128x128xf32, #tpu.memory_space<hbm>>
      %dma_wait3A_121 = tpu.memref_squeeze %dma_wait3A_120 : memref<1x128x128xf32, #tpu.memory_space<hbm>> -> memref<128x128xf32, #tpu.memory_space<hbm>>
      %dma_wait3A_122 = arith.constant 0 : i32
      %dma_wait3A_123 = arith.constant 0 : i32
      %dma_wait3A_124 = tpu.memref_slice %arg9[%run_scoped3A_93, %dma_wait3A_122, %dma_wait3A_123] : memref<2x128x128xf32, #tpu.memory_space<vmem>> -> memref<1x128x128xf32, #tpu.memory_space<vmem>>
      %dma_wait3A_125 = tpu.memref_squeeze %dma_wait3A_124 : memref<1x128x128xf32, #tpu.memory_space<vmem>> -> memref<128x128xf32, #tpu.memory_space<vmem>>
      tpu.wait_dma2 semaphore(%run_scoped3A_98 : memref<!tpu.dma_semaphore, #tpu.memory_space<semaphore_mem>>) src(%dma_wait3A_125 : memref<128x128xf32, #tpu.memory_space<vmem>>) dst(%dma_wait3A_121 : memref<128x128xf32, #tpu.memory_space<hbm>>)
      tpu.yield
    }) : () -> ()
    %add3A_94 = arith.constant 512 : i32
    %add3A_95 = arith.addi %mul3A_10, %add3A_94 : i32
    %run_scoped3A_96 = arith.constant 0 : i32
    "tpu.region"() ({
      %run_scoped3A_98 = tpu.sem_alloc : memref<!tpu.dma_semaphore, #tpu.memory_space<semaphore_mem>>
      %dma_start3A_99 = arith.constant 0 : i32
      %dma_start3A_100 = arith.constant 0 : i32
      %dma_start3A_101 = tpu.memref_slice %arg9[%run_scoped3A_96, %dma_start3A_99, %dma_start3A_100] : memref<2x128x128xf32, #tpu.memory_space<vmem>> -> memref<1x128x128xf32, #tpu.memory_space<vmem>>
      %dma_start3A_102 = tpu.memref_squeeze %dma_start3A_101 : memref<1x128x128xf32, #tpu.memory_space<vmem>> -> memref<128x128xf32, #tpu.memory_space<vmem>>
      %dma_start3A_103 = arith.constant 0 : i32
      %dma_start3A_104 = tpu.memref_slice %arg10[%add3A_95, %dma_start3A_103] : memref<10240x128xf32, #tpu.memory_space<vmem_shared>> -> memref<128x128xf32, #tpu.memory_space<vmem_shared>>
      %dma_start3A_105 = arith.constant 0 : i32
      %dma_start3A_106 = arith.constant 0 : i32
      %dma_start3A_107 = tpu.memref_slice %arg9[%run_scoped3A_96, %dma_start3A_105, %dma_start3A_106] : memref<2x128x128xf32, #tpu.memory_space<vmem>> -> memref<1x128x128xf32, #tpu.memory_space<vmem>>
      %dma_start3A_108 = tpu.memref_squeeze %dma_start3A_107 : memref<1x128x128xf32, #tpu.memory_space<vmem>> -> memref<128x128xf32, #tpu.memory_space<vmem>>
      %dma_start3A_109 = arith.constant 0 : i32
      %dma_start3A_110 = tpu.memref_slice %arg10[%add3A_95, %dma_start3A_109] : memref<10240x128xf32, #tpu.memory_space<vmem_shared>> -> memref<128x128xf32, #tpu.memory_space<vmem_shared>>
      tpu.enqueue_dma source(%dma_start3A_110 : memref<128x128xf32, #tpu.memory_space<vmem_shared>>) target(%dma_start3A_108 : memref<128x128xf32, #tpu.memory_space<vmem>>) target_semaphore(%run_scoped3A_98 : memref<!tpu.dma_semaphore, #tpu.memory_space<semaphore_mem>>)
      %dma_wait3A = arith.constant 0 : i32
      %dma_wait3A_111 = arith.constant 0 : i32
      %dma_wait3A_112 = tpu.memref_slice %arg9[%run_scoped3A_96, %dma_wait3A, %dma_wait3A_111] : memref<2x128x128xf32, #tpu.memory_space<vmem>> -> memref<1x128x128xf32, #tpu.memory_space<vmem>>
      %dma_wait3A_113 = tpu.memref_squeeze %dma_wait3A_112 : memref<1x128x128xf32, #tpu.memory_space<vmem>> -> memref<128x128xf32, #tpu.memory_space<vmem>>
      %dma_wait3A_114 = arith.constant 0 : i32
      %dma_wait3A_115 = tpu.memref_slice %arg10[%add3A_95, %dma_wait3A_114] : memref<10240x128xf32, #tpu.memory_space<vmem_shared>> -> memref<128x128xf32, #tpu.memory_space<vmem_shared>>
      %dma_wait3A_116 = arith.constant 0 : i32
      %dma_wait3A_117 = arith.constant 0 : i32
      %dma_wait3A_118 = tpu.memref_slice %arg9[%run_scoped3A_96, %dma_wait3A_116, %dma_wait3A_117] : memref<2x128x128xf32, #tpu.memory_space<vmem>> -> memref<1x128x128xf32, #tpu.memory_space<vmem>>
      %dma_wait3A_119 = tpu.memref_squeeze %dma_wait3A_118 : memref<1x128x128xf32, #tpu.memory_space<vmem>> -> memref<128x128xf32, #tpu.memory_space<vmem>>
      %dma_wait3A_120 = arith.constant 0 : i32
      %dma_wait3A_121 = tpu.memref_slice %arg10[%add3A_95, %dma_wait3A_120] : memref<10240x128xf32, #tpu.memory_space<vmem_shared>> -> memref<128x128xf32, #tpu.memory_space<vmem_shared>>
      tpu.wait_dma2 semaphore(%run_scoped3A_98 : memref<!tpu.dma_semaphore, #tpu.memory_space<semaphore_mem>>) src(%dma_wait3A_121 : memref<128x128xf32, #tpu.memory_space<vmem_shared>>) dst(%dma_wait3A_119 : memref<128x128xf32, #tpu.memory_space<vmem>>)
      tpu.yield
    }) : () -> ()
    %run_scoped3A_97 = arith.constant 0 : i32
    "tpu.region"() ({
      %run_scoped3A_98 = tpu.sem_alloc : memref<!tpu.dma_semaphore, #tpu.memory_space<semaphore_mem>>
      %dma_start3A_99 = arith.constant 0 : i32
      %dma_start3A_100 = arith.constant 0 : i32
      %dma_start3A_101 = tpu.memref_slice %arg9[%run_scoped3A_97, %dma_start3A_99, %dma_start3A_100] : memref<2x128x128xf32, #tpu.memory_space<vmem>> -> memref<1x128x128xf32, #tpu.memory_space<vmem>>
      %dma_start3A_102 = tpu.memref_squeeze %dma_start3A_101 : memref<1x128x128xf32, #tpu.memory_space<vmem>> -> memref<128x128xf32, #tpu.memory_space<vmem>>
      %dma_start3A_103 = arith.constant 0 : i32
      %dma_start3A_104 = tpu.memref_slice %arg5[%arg0, %add3A_95, %dma_start3A_103] : memref<2x10240x128xf32, #tpu.memory_space<hbm>> -> memref<1x128x128xf32, #tpu.memory_space<hbm>>
      %dma_start3A_105 = tpu.memref_squeeze %dma_start3A_104 : memref<1x128x128xf32, #tpu.memory_space<hbm>> -> memref<128x128xf32, #tpu.memory_space<hbm>>
      %dma_start3A_106 = arith.constant 0 : i32
      %dma_start3A_107 = tpu.memref_slice %arg5[%arg0, %add3A_95, %dma_start3A_106] : memref<2x10240x128xf32, #tpu.memory_space<hbm>> -> memref<1x128x128xf32, #tpu.memory_space<hbm>>
      %dma_start3A_108 = tpu.memref_squeeze %dma_start3A_107 : memref<1x128x128xf32, #tpu.memory_space<hbm>> -> memref<128x128xf32, #tpu.memory_space<hbm>>
      %dma_start3A_109 = arith.constant 0 : i32
      %dma_start3A_110 = arith.constant 0 : i32
      %dma_start3A_111 = tpu.memref_slice %arg9[%run_scoped3A_97, %dma_start3A_109, %dma_start3A_110] : memref<2x128x128xf32, #tpu.memory_space<vmem>> -> memref<1x128x128xf32, #tpu.memory_space<vmem>>
      %dma_start3A_112 = tpu.memref_squeeze %dma_start3A_111 : memref<1x128x128xf32, #tpu.memory_space<vmem>> -> memref<128x128xf32, #tpu.memory_space<vmem>>
      tpu.enqueue_dma source(%dma_start3A_112 : memref<128x128xf32, #tpu.memory_space<vmem>>) target(%dma_start3A_108 : memref<128x128xf32, #tpu.memory_space<hbm>>) target_semaphore(%run_scoped3A_98 : memref<!tpu.dma_semaphore, #tpu.memory_space<semaphore_mem>>)
      %dma_wait3A = arith.constant 0 : i32
      %dma_wait3A_113 = arith.constant 0 : i32
      %dma_wait3A_114 = tpu.memref_slice %arg9[%run_scoped3A_97, %dma_wait3A, %dma_wait3A_113] : memref<2x128x128xf32, #tpu.memory_space<vmem>> -> memref<1x128x128xf32, #tpu.memory_space<vmem>>
      %dma_wait3A_115 = tpu.memref_squeeze %dma_wait3A_114 : memref<1x128x128xf32, #tpu.memory_space<vmem>> -> memref<128x128xf32, #tpu.memory_space<vmem>>
      %dma_wait3A_116 = arith.constant 0 : i32
      %dma_wait3A_117 = tpu.memref_slice %arg5[%arg0, %add3A_95, %dma_wait3A_116] : memref<2x10240x128xf32, #tpu.memory_space<hbm>> -> memref<1x128x128xf32, #tpu.memory_space<hbm>>
      %dma_wait3A_118 = tpu.memref_squeeze %dma_wait3A_117 : memref<1x128x128xf32, #tpu.memory_space<hbm>> -> memref<128x128xf32, #tpu.memory_space<hbm>>
      %dma_wait3A_119 = arith.constant 0 : i32
      %dma_wait3A_120 = tpu.memref_slice %arg5[%arg0, %add3A_95, %dma_wait3A_119] : memref<2x10240x128xf32, #tpu.memory_space<hbm>> -> memref<1x128x128xf32, #tpu.memory_space<hbm>>
      %dma_wait3A_121 = tpu.memref_squeeze %dma_wait3A_120 : memref<1x128x128xf32, #tpu.memory_space<hbm>> -> memref<128x128xf32, #tpu.memory_space<hbm>>
      %dma_wait3A_122 = arith.constant 0 : i32
      %dma_wait3A_123 = arith.constant 0 : i32
      %dma_wait3A_124 = tpu.memref_slice %arg9[%run_scoped3A_97, %dma_wait3A_122, %dma_wait3A_123] : memref<2x128x128xf32, #tpu.memory_space<vmem>> -> memref<1x128x128xf32, #tpu.memory_space<vmem>>
      %dma_wait3A_125 = tpu.memref_squeeze %dma_wait3A_124 : memref<1x128x128xf32, #tpu.memory_space<vmem>> -> memref<128x128xf32, #tpu.memory_space<vmem>>
      tpu.wait_dma2 semaphore(%run_scoped3A_98 : memref<!tpu.dma_semaphore, #tpu.memory_space<semaphore_mem>>) src(%dma_wait3A_125 : memref<128x128xf32, #tpu.memory_space<vmem>>) dst(%dma_wait3A_121 : memref<128x128xf32, #tpu.memory_space<hbm>>)
      tpu.yield
    }) : () -> ()
    "tpu.region"() ({
      %run_scoped3A_98 = tpu.sem_alloc : memref<!tpu.dma_semaphore, #tpu.memory_space<semaphore_mem>>
      %dma_start3A_99 = arith.constant 0 : i32
      %dma_start3A_100 = tpu.memref_slice %arg6[%add3A, %dma_start3A_99] : memref<32x10240xf32, #tpu.memory_space<hbm>> -> memref<1x10240xf32, #tpu.memory_space<hbm>>
      %dma_start3A_101 = tpu.memref_squeeze %dma_start3A_100 : memref<1x10240xf32, #tpu.memory_space<hbm>> -> memref<10240xf32, #tpu.memory_space<hbm>>
      %dma_start3A_102 = arith.constant 0 : i32
      %dma_start3A_103 = tpu.memref_slice %arg6[%add3A, %dma_start3A_102] : memref<32x10240xf32, #tpu.memory_space<hbm>> -> memref<1x10240xf32, #tpu.memory_space<hbm>>
      %dma_start3A_104 = tpu.memref_squeeze %dma_start3A_103 : memref<1x10240xf32, #tpu.memory_space<hbm>> -> memref<10240xf32, #tpu.memory_space<hbm>>
      tpu.enqueue_dma source(%arg11 : memref<10240xf32, #tpu.memory_space<vmem>>) target(%dma_start3A_104 : memref<10240xf32, #tpu.memory_space<hbm>>) target_semaphore(%run_scoped3A_98 : memref<!tpu.dma_semaphore, #tpu.memory_space<semaphore_mem>>)
      %dma_wait3A = arith.constant 0 : i32
      %dma_wait3A_105 = tpu.memref_slice %arg6[%add3A, %dma_wait3A] : memref<32x10240xf32, #tpu.memory_space<hbm>> -> memref<1x10240xf32, #tpu.memory_space<hbm>>
      %dma_wait3A_106 = tpu.memref_squeeze %dma_wait3A_105 : memref<1x10240xf32, #tpu.memory_space<hbm>> -> memref<10240xf32, #tpu.memory_space<hbm>>
      %dma_wait3A_107 = arith.constant 0 : i32
      %dma_wait3A_108 = tpu.memref_slice %arg6[%add3A, %dma_wait3A_107] : memref<32x10240xf32, #tpu.memory_space<hbm>> -> memref<1x10240xf32, #tpu.memory_space<hbm>>
      %dma_wait3A_109 = tpu.memref_squeeze %dma_wait3A_108 : memref<1x10240xf32, #tpu.memory_space<hbm>> -> memref<10240xf32, #tpu.memory_space<hbm>>
      tpu.wait_dma2 semaphore(%run_scoped3A_98 : memref<!tpu.dma_semaphore, #tpu.memory_space<semaphore_mem>>) src(%arg11 : memref<10240xf32, #tpu.memory_space<vmem>>) dst(%dma_wait3A_109 : memref<10240xf32, #tpu.memory_space<hbm>>)
      tpu.yield
    }) : () -> ()
    return
  }
}

module attributes {stable_mosaic.version = 14 : i64} {
  func.func @_tc_layer_body(%arg0: i32, %arg1: memref<2x2048x128xf32, #tpu.memory_space<vmem>>, %arg2: memref<32x2048xf32, #tpu.memory_space<vmem>>, %arg3: memref<2048x128xf32, #tpu.memory_space<vmem>>, %arg4: memref<128x128xf32, #tpu.memory_space<vmem>>, %arg5: memref<1x128xf32, #tpu.memory_space<vmem>>, %arg6: memref<128x128xf32, #tpu.memory_space<vmem>>, %arg7: memref<2048x128xf32, #tpu.memory_space<vmem>>) attributes {dimension_semantics = [#tpu.dimension_semantics<arbitrary>], iteration_bounds = array<i64: 5>, scalar_prefetch = 0 : i64, scratch_operands = 0 : i64, tpu.core_type = #tpu.core_type<tc>, window_params = [{transform_indices = @transform_0, window_bounds = array<i64: 2, 2048, 128>}, {transform_indices = @transform_1, window_bounds = array<i64: 32, 2048>}, {transform_indices = @transform_2, window_bounds = array<i64: 2048, 128>}, {pipeline_mode = #tpu.pipeline_mode<synchronous>, transform_indices = @transform_3, window_bounds = array<i64: 128, 128>}, {pipeline_mode = #tpu.pipeline_mode<synchronous>, transform_indices = @transform_4, window_bounds = array<i64: 1, 128>}, {pipeline_mode = #tpu.pipeline_mode<synchronous>, transform_indices = @transform_5, window_bounds = array<i64: 128, 128>}, {transform_indices = @transform_6, window_bounds = array<i64: 2048, 128>}]} {
    %get3A = arith.constant 0 : index
    %get3A_0 = arith.constant 0 : index
    %get3A_1 = vector.load %arg2[%get3A, %get3A_0] : memref<32x2048xf32, #tpu.memory_space<vmem>>, vector<32x2048xf32>
    %reduce_sum3A = arith.constant dense<0.000000e+00> : vector<2048xf32>
    %reduce_sum3A_2 = vector.multi_reduction <add>, %get3A_1, %reduce_sum3A [0] : vector<32x2048xf32> to vector<2048xf32>
    %get3A_3 = arith.constant 0 : index
    %get3A_4 = arith.constant 0 : index
    %get3A_5 = arith.constant 0 : index
    %get3A_6 = vector.load %arg1[%get3A_3, %get3A_4, %get3A_5] : memref<2x2048x128xf32, #tpu.memory_space<vmem>>, vector<1x2048x128xf32>
    %get3A_7 = vector.shape_cast %get3A_6 : vector<1x2048x128xf32> to vector<2048x128xf32>
    %get3A_8 = arith.constant 1 : index
    %get3A_9 = arith.constant 0 : index
    %get3A_10 = arith.constant 0 : index
    %get3A_11 = vector.load %arg1[%get3A_8, %get3A_9, %get3A_10] : memref<2x2048x128xf32, #tpu.memory_space<vmem>>, vector<1x2048x128xf32>
    %get3A_12 = vector.shape_cast %get3A_11 : vector<1x2048x128xf32> to vector<2048x128xf32>
    %add3A = arith.addf %get3A_7, %get3A_12 : vector<2048x128xf32>
    %max3A = arith.constant 1.000000e+00 : f32
    %max3A_13 = vector.broadcast %max3A : f32 to vector<2048xf32>
    %max3A_14 = arith.maximumf %reduce_sum3A_2, %max3A_13 : vector<2048xf32>
    %broadcast_in_dim3A = vector.shape_cast %max3A_14 : vector<2048xf32> to vector<2048x1xf32>
    %div3A = vector.broadcast %broadcast_in_dim3A : vector<2048x1xf32> to vector<2048x128xf32>
    %div3A_15 = arith.divf %add3A, %div3A : vector<2048x128xf32>
    %get3A_16 = arith.constant 0 : index
    %get3A_17 = arith.constant 0 : index
    %get3A_18 = vector.load %arg4[%get3A_16, %get3A_17] : memref<128x128xf32, #tpu.memory_space<vmem>>, vector<128x128xf32>
    %dot_general3A = arith.constant dense<0.000000e+00> : vector<2048x128xf32>
    %dot_general3A_19 = tpu.matmul %div3A_15, %get3A_18, %dot_general3A {dimension_numbers = #tpu.dot_dimension_numbers<[1], [1], [0], [0], [0, 0, 1, 0], [], []>, transpose_lhs_hint = false} : vector<2048x128xf32>, vector<128x128xf32>, vector<2048x128xf32> -> vector<2048x128xf32>
    %get3A_20 = arith.constant 0 : index
    %get3A_21 = arith.constant 0 : index
    %get3A_22 = vector.load %arg3[%get3A_20, %get3A_21] : memref<2048x128xf32, #tpu.memory_space<vmem>>, vector<2048x128xf32>
    %get3A_23 = arith.constant 0 : index
    %get3A_24 = arith.constant 0 : index
    %get3A_25 = vector.load %arg6[%get3A_23, %get3A_24] : memref<128x128xf32, #tpu.memory_space<vmem>>, vector<128x128xf32>
    %dot_general3A_26 = arith.constant dense<0.000000e+00> : vector<2048x128xf32>
    %dot_general3A_27 = tpu.matmul %get3A_22, %get3A_25, %dot_general3A_26 {dimension_numbers = #tpu.dot_dimension_numbers<[1], [1], [0], [0], [0, 0, 1, 0], [], []>, transpose_lhs_hint = false} : vector<2048x128xf32>, vector<128x128xf32>, vector<2048x128xf32> -> vector<2048x128xf32>
    %add3A_28 = arith.addf %dot_general3A_19, %dot_general3A_27 : vector<2048x128xf32>
    %get3A_29 = arith.constant 0 : index
    %get3A_30 = arith.constant 0 : index
    %get3A_31 = vector.load %arg5[%get3A_29, %get3A_30] : memref<1x128xf32, #tpu.memory_space<vmem>>, vector<1x128xf32>
    %add3A_32 = vector.broadcast %get3A_31 : vector<1x128xf32> to vector<2048x128xf32>
    %add3A_33 = arith.addf %add3A_28, %add3A_32 : vector<2048x128xf32>
    %max3A_34 = arith.constant 0.000000e+00 : f32
    %max3A_35 = vector.broadcast %max3A_34 : f32 to vector<2048x128xf32>
    %max3A_36 = arith.maximumf %add3A_33, %max3A_35 : vector<2048x128xf32>
    %swap3A = arith.constant 0 : index
    %swap3A_37 = arith.constant 0 : index
    %swap3A_38 = vector.load %arg7[%swap3A, %swap3A_37] : memref<2048x128xf32, #tpu.memory_space<vmem>>, vector<2048x128xf32>
    tpu.vector_store %arg7[%swap3A, %swap3A_37], %max3A_36 {strides = array<i32>} : memref<2048x128xf32, #tpu.memory_space<vmem>>, vector<2048x128xf32>,
    return
  }
  func.func @transform_0(%arg0: i32) -> (i32, i32, i32) {
    %c0_i32 = arith.constant 0 : i32
    %c0_i32_0 = arith.constant 0 : i32
    %c0_i32_1 = arith.constant 0 : i32
    return %c0_i32, %arg0, %c0_i32_0 : i32, i32, i32
  }
  func.func @transform_1(%arg0: i32) -> (i32, i32) {
    %c0_i32 = arith.constant 0 : i32
    %c0_i32_0 = arith.constant 0 : i32
    return %c0_i32, %arg0 : i32, i32
  }
  func.func @transform_2(%arg0: i32) -> (i32, i32) {
    %c0_i32 = arith.constant 0 : i32
    %c0_i32_0 = arith.constant 0 : i32
    return %arg0, %c0_i32 : i32, i32
  }
  func.func @transform_3(%arg0: i32) -> (i32, i32) {
    %c0_i32 = arith.constant 0 : i32
    %c0_i32_0 = arith.constant 0 : i32
    %c0_i32_1 = arith.constant 0 : i32
    return %c0_i32, %c0_i32_0 : i32, i32
  }
  func.func @transform_4(%arg0: i32) -> (i32, i32) {
    %c0_i32 = arith.constant 0 : i32
    %c0_i32_0 = arith.constant 0 : i32
    %c0_i32_1 = arith.constant 0 : i32
    return %c0_i32, %c0_i32_0 : i32, i32
  }
  func.func @transform_5(%arg0: i32) -> (i32, i32) {
    %c0_i32 = arith.constant 0 : i32
    %c0_i32_0 = arith.constant 0 : i32
    %c0_i32_1 = arith.constant 0 : i32
    return %c0_i32, %c0_i32_0 : i32, i32
  }
  func.func @transform_6(%arg0: i32) -> (i32, i32) {
    %c0_i32 = arith.constant 0 : i32
    %c0_i32_0 = arith.constant 0 : i32
    return %arg0, %c0_i32 : i32, i32
  }
}

module attributes {stable_mosaic.version = 14 : i64} {
  func.func @_tc_layer_body(%arg0: i32, %arg1: memref<2x2048x128xf32, #tpu.memory_space<vmem>>, %arg2: memref<32x2048xf32, #tpu.memory_space<vmem>>, %arg3: memref<2048x128xf32, #tpu.memory_space<vmem>>, %arg4: memref<128x128xf32, #tpu.memory_space<vmem>>, %arg5: memref<1x128xf32, #tpu.memory_space<vmem>>, %arg6: memref<128x128xf32, #tpu.memory_space<vmem>>, %arg7: memref<2048x128xf32, #tpu.memory_space<vmem>>) attributes {dimension_semantics = [#tpu.dimension_semantics<arbitrary>], iteration_bounds = array<i64: 5>, scalar_prefetch = 0 : i64, scratch_operands = 0 : i64, tpu.core_type = #tpu.core_type<tc>, window_params = [{transform_indices = @transform_0, window_bounds = array<i64: 2, 2048, 128>}, {transform_indices = @transform_1, window_bounds = array<i64: 32, 2048>}, {transform_indices = @transform_2, window_bounds = array<i64: 2048, 128>}, {pipeline_mode = #tpu.pipeline_mode<synchronous>, transform_indices = @transform_3, window_bounds = array<i64: 128, 128>}, {pipeline_mode = #tpu.pipeline_mode<synchronous>, transform_indices = @transform_4, window_bounds = array<i64: 1, 128>}, {pipeline_mode = #tpu.pipeline_mode<synchronous>, transform_indices = @transform_5, window_bounds = array<i64: 128, 128>}, {transform_indices = @transform_6, window_bounds = array<i64: 2048, 128>}]} {
    %get3A = arith.constant 0 : index
    %get3A_0 = arith.constant 0 : index
    %get3A_1 = vector.load %arg2[%get3A, %get3A_0] : memref<32x2048xf32, #tpu.memory_space<vmem>>, vector<32x2048xf32>
    %reduce_sum3A = arith.constant dense<0.000000e+00> : vector<2048xf32>
    %reduce_sum3A_2 = vector.multi_reduction <add>, %get3A_1, %reduce_sum3A [0] : vector<32x2048xf32> to vector<2048xf32>
    %get3A_3 = arith.constant 0 : index
    %get3A_4 = arith.constant 0 : index
    %get3A_5 = arith.constant 0 : index
    %get3A_6 = vector.load %arg1[%get3A_3, %get3A_4, %get3A_5] : memref<2x2048x128xf32, #tpu.memory_space<vmem>>, vector<1x2048x128xf32>
    %get3A_7 = vector.shape_cast %get3A_6 : vector<1x2048x128xf32> to vector<2048x128xf32>
    %get3A_8 = arith.constant 1 : index
    %get3A_9 = arith.constant 0 : index
    %get3A_10 = arith.constant 0 : index
    %get3A_11 = vector.load %arg1[%get3A_8, %get3A_9, %get3A_10] : memref<2x2048x128xf32, #tpu.memory_space<vmem>>, vector<1x2048x128xf32>
    %get3A_12 = vector.shape_cast %get3A_11 : vector<1x2048x128xf32> to vector<2048x128xf32>
    %add3A = arith.addf %get3A_7, %get3A_12 : vector<2048x128xf32>
    %max3A = arith.constant 1.000000e+00 : f32
    %max3A_13 = vector.broadcast %max3A : f32 to vector<2048xf32>
    %max3A_14 = arith.maximumf %reduce_sum3A_2, %max3A_13 : vector<2048xf32>
    %broadcast_in_dim3A = vector.shape_cast %max3A_14 : vector<2048xf32> to vector<2048x1xf32>
    %div3A = vector.broadcast %broadcast_in_dim3A : vector<2048x1xf32> to vector<2048x128xf32>
    %div3A_15 = arith.divf %add3A, %div3A : vector<2048x128xf32>
    %get3A_16 = arith.constant 0 : index
    %get3A_17 = arith.constant 0 : index
    %get3A_18 = vector.load %arg4[%get3A_16, %get3A_17] : memref<128x128xf32, #tpu.memory_space<vmem>>, vector<128x128xf32>
    %dot_general3A = arith.constant dense<0.000000e+00> : vector<2048x128xf32>
    %dot_general3A_19 = tpu.matmul %div3A_15, %get3A_18, %dot_general3A {dimension_numbers = #tpu.dot_dimension_numbers<[1], [1], [0], [0], [0, 0, 1, 0], [], []>, transpose_lhs_hint = false} : vector<2048x128xf32>, vector<128x128xf32>, vector<2048x128xf32> -> vector<2048x128xf32>
    %get3A_20 = arith.constant 0 : index
    %get3A_21 = arith.constant 0 : index
    %get3A_22 = vector.load %arg3[%get3A_20, %get3A_21] : memref<2048x128xf32, #tpu.memory_space<vmem>>, vector<2048x128xf32>
    %get3A_23 = arith.constant 0 : index
    %get3A_24 = arith.constant 0 : index
    %get3A_25 = vector.load %arg6[%get3A_23, %get3A_24] : memref<128x128xf32, #tpu.memory_space<vmem>>, vector<128x128xf32>
    %dot_general3A_26 = arith.constant dense<0.000000e+00> : vector<2048x128xf32>
    %dot_general3A_27 = tpu.matmul %get3A_22, %get3A_25, %dot_general3A_26 {dimension_numbers = #tpu.dot_dimension_numbers<[1], [1], [0], [0], [0, 0, 1, 0], [], []>, transpose_lhs_hint = false} : vector<2048x128xf32>, vector<128x128xf32>, vector<2048x128xf32> -> vector<2048x128xf32>
    %add3A_28 = arith.addf %dot_general3A_19, %dot_general3A_27 : vector<2048x128xf32>
    %get3A_29 = arith.constant 0 : index
    %get3A_30 = arith.constant 0 : index
    %get3A_31 = vector.load %arg5[%get3A_29, %get3A_30] : memref<1x128xf32, #tpu.memory_space<vmem>>, vector<1x128xf32>
    %add3A_32 = vector.broadcast %get3A_31 : vector<1x128xf32> to vector<2048x128xf32>
    %add3A_33 = arith.addf %add3A_28, %add3A_32 : vector<2048x128xf32>
    %swap3A = arith.constant 0 : index
    %swap3A_34 = arith.constant 0 : index
    %swap3A_35 = vector.load %arg7[%swap3A, %swap3A_34] : memref<2048x128xf32, #tpu.memory_space<vmem>>, vector<2048x128xf32>
    tpu.vector_store %arg7[%swap3A, %swap3A_34], %add3A_33 {strides = array<i32>} : memref<2048x128xf32, #tpu.memory_space<vmem>>, vector<2048x128xf32>,
    return
  }
  func.func @transform_0(%arg0: i32) -> (i32, i32, i32) {
    %c0_i32 = arith.constant 0 : i32
    %c0_i32_0 = arith.constant 0 : i32
    %c0_i32_1 = arith.constant 0 : i32
    return %c0_i32, %arg0, %c0_i32_0 : i32, i32, i32
  }
  func.func @transform_1(%arg0: i32) -> (i32, i32) {
    %c0_i32 = arith.constant 0 : i32
    %c0_i32_0 = arith.constant 0 : i32
    return %c0_i32, %arg0 : i32, i32
  }
  func.func @transform_2(%arg0: i32) -> (i32, i32) {
    %c0_i32 = arith.constant 0 : i32
    %c0_i32_0 = arith.constant 0 : i32
    return %arg0, %c0_i32 : i32, i32
  }
  func.func @transform_3(%arg0: i32) -> (i32, i32) {
    %c0_i32 = arith.constant 0 : i32
    %c0_i32_0 = arith.constant 0 : i32
    %c0_i32_1 = arith.constant 0 : i32
    return %c0_i32, %c0_i32_0 : i32, i32
  }
  func.func @transform_4(%arg0: i32) -> (i32, i32) {
    %c0_i32 = arith.constant 0 : i32
    %c0_i32_0 = arith.constant 0 : i32
    %c0_i32_1 = arith.constant 0 : i32
    return %c0_i32, %c0_i32_0 : i32, i32
  }
  func.func @transform_5(%arg0: i32) -> (i32, i32) {
    %c0_i32 = arith.constant 0 : i32
    %c0_i32_0 = arith.constant 0 : i32
    %c0_i32_1 = arith.constant 0 : i32
    return %c0_i32, %c0_i32_0 : i32, i32
  }
  func.func @transform_6(%arg0: i32) -> (i32, i32) {
    %c0_i32 = arith.constant 0 : i32
    %c0_i32_0 = arith.constant 0 : i32
    return %arg0, %c0_i32 : i32, i32
  }
}

</mosaic_0001>

<sc_bundles>
// kernel: kernel.6.cloned.1.call-start
scs
__scs_entry_jumppad:
0x0: {  	(pc) =	sbr.rel $0x88, $3  }
0x1: {  	(tag) =	ssettag $0x0;
	lr =	simm.s32 $0x1  }
0x2: {  	[smem:$0x3F99] =	sst lr;
	_ =	strace $0xD0000000  }
0x3: {  	_ = 	snop  }
0x4: {  	_ = 	snop  }
0x5: {  	_ = 	snop  }
0x6: {  	_ = 	snop  }
0x7: {  	_ = 	snop  }
__scs_overlays_trampoline_lowered:
0x8: {  	[smem:$0x3FA8] =	sst s0  }
0x9: {  	[smem:$0x3FA9] =	sst s1  }
0xa: {  	[smem:$0x3FAA] =	sst s2  }
0xb: {  	[smem:$0x3FAB] =	sst s3  }
0xc: {  	[smem:$0x3FAC] =	sst s4  }
0xd: {  	[smem:$0x3FAD] =	sst s5  }
0xe: {  	[smem:$0x3FAE] =	sst s6  }
0xf: {  	[smem:$0x3FAF] =	sst s7  }
0x10: {  	[smem:$0x3FB0] =	sst s8  }
0x11: {  	[smem:$0x3FB1] =	sst s9;
	s0 =	simm.s32 @!p0 $0x0  }
0x12: {  	s1 =	sld [smem:$0x3F97];
	s0 =	simm.s32 @p0 $0x1  }
0x13: {  	[smem:$0x3FB2] =	sst s0;
	s0 =	simm.s32 @!p1 $0x0  }
0x14: {  	s2 =	sld [smem:$0x3F96];
	s0 =	simm.s32 @p1 $0x1  }
0x15: {  	[smem:$0x3FB3] =	sst s0;
	s0 =	simm.s32 @!p2 $0x0  }
0x16: {  	s3 =	sld [smem:$0x3FDB];
	s0 =	simm.s32 @p2 $0x1  }
0x17: {  	s4 =	simm.s32 $0x1BF5;
	[smem:$0x3FB5] =	sst s0  }
0x18: {  	s0 =	sld [smem:$0x3F98];
	_ =	swait.ge [sflag:s4], $0x0  }
0x19: {  	s7 =	sld [smem:$0x3F99]  }
0x1a: {  	s8 =	sadd.s32 $0xFFFFE003, lr  }
0x1b: {  	s9 =	sadd.s32 $0xFFFFFEF7, lr;
	s5 =	simm.s32 $0xFFFFFFFF;
	p2 =	slt.u32 s8, $0xFFFFF086  }
0x1c: {  	p1 =	slt.u32 s9, $0xF7A;
	s5 =	simm.s32 @!p2 $0x0  }
0x1d: {  	s5 =	simm.s32 @p1 $0x1;
	p0 =	seq.s32 s7, s2  }
0x1e: {  	s7 =	smul.u32 @!p0 $0xF7A, s2;
	p2 =	seq.s32 @!p0 s5, $0x0  }
0x1f: {  	s9 =	smul.u32 $0xF7A, s1;
	s8 =	simm.s32 @!p0 $0x1BF5;
	p2 =	por !p2, p0  }
0x20: {  	[sflag:s8] =	ssyncset.s32 @!p0 $0xFFFFF086;
	s6 =	sadd.s32 @!p0 s3, s7;
	s7 =	simm.s32 @!p0 $0x108  }
0x21: {  	s3 =	sadd.s32 s3, s9;
	s6 =	sadd.s32 @!p0 $0x88, s6;
	s7 =	simm.s32 @p2 $0x1082  }
0x22: {  	[simem:s7], [sflag:s8] =	dma.local @!p0 [hbm:s6], $0xF7A  }
0x23: {  	s9 =	sor.u32 $0xD0000000, s2;
	s6 =	simm.s32 $0x108;
	_ =	swait.ge @!p0 [sflag:s8], $0x0  }
0x24: {  	s3 =	sadd.s32 $0x88, s3;
	s6 =	simm.s32 @!p1 $0x1082;
	[sflag:s4] =	ssyncset.s32 $0xFFFFF086  }
0x25: {  	[simem:s6], [sflag:s4] =	dma.local [hbm:s3], $0xF7A  }
0x26: {  	[smem:$0x3F99] =	sst s1;
	(tag) =	ssettag s2;
	_ =	strace s9  }
0x27: {  	s1 =	sld [smem:$0x3FA9]  }
0x28: {  	s2 =	sld [smem:$0x3FAA]  }
0x29: {  	s4 =	sld [smem:$0x3FAC]  }
0x2a: {  	p0 =	seq.s32 s5, $0x0;
	s5 =	sld [smem:$0x3FAD]  }
0x2b: {  	s6 =	sld [smem:$0x3FAE]  }
0x2c: {  	s7 =	sld [smem:$0x3FAF]  }
0x2d: {  	s3 =	simm.s32 $0x108;
	s8 =	sld [smem:$0x3FB0]  }
0x2e: {  	s3 =	simm.s32 @!p0 $0x1082;
	s9 =	sld [smem:$0x3FB1]  }
0x2f: {  	lr =	sadd.s32 s0, s3;
	s0 =	sld [smem:$0x3FA8]  }
0x30: {  	s3 =	sld [smem:$0x3FAB]  }
0x31: {  	[smem:$0x3FB4] =	sst s10  }
0x32: {  	s10 =	sld [smem:$0x3FB2];
	_ =	sdelay $0x3  }
0x33: {  	p0 =	seq.s32 s10, $0x1;
	s10 =	sld [smem:$0x3FB4];
	_ =	sdelay $0x3  }
0x34: {  	[smem:$0x3FB4] =	sst s10  }
0x35: {  	s10 =	sld [smem:$0x3FB3];
	_ =	sdelay $0x3  }
0x36: {  	p1 =	seq.s32 s10, $0x1;
	s10 =	sld [smem:$0x3FB4];
	_ =	sdelay $0x3  }
0x37: {  	[smem:$0x3FB4] =	sst s10  }
0x38: {  	s10 =	sld [smem:$0x3FB5]  }
0x39: {  	_ = 	snop;
	(pc) =	sbr.ind lr, $3  }
0x3a: {  	_ = 	snop  }
0x3b: {  	_ = 	snop  }
0x3c: {  	p2 =	seq.s32 s10, $0x1;
	s10 =	sld [smem:$0x3FB4]  }
0x3d: {  	_ =	shalt  }
0x3e: {  	_ =	shalt  }
0x3f: {  	_ =	shalt  }
0x40: {  	_ =	shalt  }
0x41: {  	_ =	shalt  }
0x42: {  	_ =	shalt  }
0x43: {  	_ =	shalt  }
0x44: {  	_ =	shalt  }
0x45: {  	_ =	shalt  }
0x46: {  	_ =	shalt  }
0x47: {  	_ =	shalt  }
0x48: {  	_ =	shalt  }
0x49: {  	_ =	shalt  }
0x4a: {  	_ =	shalt  }
0x4b: {  	_ =	shalt  }
0x4c: {  	_ =	shalt  }
0x4d: {  	_ =	shalt  }
0x4e: {  	_ =	shalt  }
0x4f: {  	_ =	shalt  }
0x50: {  	_ =	shalt  }
0x51: {  	_ =	shalt  }
0x52: {  	_ =	shalt  }
0x53: {  	_ =	shalt  }
0x54: {  	_ =	shalt  }
0x55: {  	_ =	shalt  }
0x56: {  	_ =	shalt  }
0x57: {  	_ =	shalt  }
0x58: {  	_ =	shalt  }
0x59: {  	_ =	shalt  }
0x5a: {  	_ =	shalt  }
0x5b: {  	_ =	shalt  }
0x5c: {  	_ =	shalt  }
0x5d: {  	_ =	shalt  }
0x5e: {  	_ =	shalt  }
0x5f: {  	_ =	shalt  }
0x60: {  	_ =	shalt  }
0x61: {  	_ =	shalt  }
0x62: {  	_ =	shalt  }
0x63: {  	_ =	shalt  }
0x64: {  	_ =	shalt  }
0x65: {  	_ =	shalt  }
0x66: {  	_ =	shalt  }
0x67: {  	_ =	shalt  }
0x68: {  	_ =	shalt  }
0x69: {  	_ =	shalt  }
0x6a: {  	_ =	shalt  }
0x6b: {  	_ =	shalt  }
0x6c: {  	_ =	shalt  }
0x6d: {  	_ =	shalt  }
0x6e: {  	_ =	shalt  }
0x6f: {  	_ =	shalt  }
0x70: {  	_ =	shalt  }
0x71: {  	_ =	shalt  }
0x72: {  	_ =	shalt  }
0x73: {  	_ =	shalt  }
0x74: {  	_ =	shalt  }
0x75: {  	_ =	shalt  }
0x76: {  	_ =	shalt  }
0x77: {  	_ =	shalt  }
0x78: {  	_ =	shalt  }
0x79: {  	_ =	shalt  }
0x7a: {  	_ =	shalt  }
0x7b: {  	_ =	shalt  }
0x7c: {  	_ =	shalt  }
0x7d: {  	_ =	shalt  }
0x7e: {  	_ =	shalt  }
0x7f: {  	_ =	shalt  }
0x80: {  	_ =	shalt  }
0x81: {  	_ =	shalt  }
0x82: {  	_ =	shalt  }
0x83: {  	_ =	shalt  }
0x84: {  	_ =	shalt  }
0x85: {  	_ =	shalt  }
0x86: {  	_ =	shalt  }
0x87: {  	_ =	shalt  }
.Lfunc_end0:
.L_simem_size_0:
called_computation_lowered:
.L_overlay_start_0:
0x88: {  	s2 =	sld [smem:$0x3FD9]  }
0x89: {  	s3 =	sld [smem:$0x3FFE];
	_ =	sdelay $0x1  }
0x8a: {  	s1 =	srdreg.scid  }
0x8b: {  	s0 =	sand.u32 $0x1, s1  }
0x8c: {  	s17 =	sshll.u32 s0, $0xA;
	s2 =	sadd.s32 s3, s2  }
0x8d: {  	s2 =	sadd.s32 s2, s17  }
0x8e: {  	[smem:$0x3FC0] =	sst s2  }
0x8f: {  	_ = 	snop  }
0x90: {  	s2 =	sld [smem:$0x3FD0];
	(tm) =	ssettm $0x1  }
0x91: {  	s18 =	sld [smem:$0x3FFB];
	_ =	sdelay $0x3  }
0x92: {  	_ =	strace s18  }
0x93: {  	s3 =	sld [smem:$0x3FFC];
	_ =	sdelay $0x3  }
0x94: {  	_ =	strace s3  }
0x95: {  	s3 =	sld [smem:$0x3FFD];
	_ =	sdelay $0x3  }
0x96: {  	_ =	strace s3  }
0x97: {  	_ =	strace $0x8FFFFFFF  }
0x98: {  	s19 =	sld [smem:$0x3FDB];
	_ =	sdelay $0x1  }
0x99: {  	s4 =	simm.s32 $_scs_section_size  }
0x9a: {  	s5 =	simm.s32 $_size__tile_overlayer_lowered;
	s6 =	simm.s32 $_tile_overlayer_lowered  }
0x9b: {  	s22 =	simm.s32 $0x1BFF;
	s21 =	sshll.u32 s6, $0x1;
	s3 =	sadd.s32 s4, s19  }
0x9c: {  	s7 =	simm.s32 $0x0;
	s20 =	sshll.u32 s5, $0x1;
	s5 =	sadd.s32 s21, s3  }
0x9d: {  	[timem:s7], [sflag:s22] =	dma.local [hbm:s5], s20  }
0x9e: {  	_ =	swait.ge [sflag:s22], s20  }
0x9f: {  	s4 =	ssub.s32 $0x0, s20;
	[sflag:s22] =	ssyncset.done $0x0  }
0xa0: {  	[sflag:s22] =	ssyncadd.s32 s4;
	_ =	sdelay $0x1  }
0xa1: {  	s23 =	simm.s32 $0x1B8B  }
0xa2: {  	_ =	swait.ge [sflag:s23], $0x1  }
0xa3: {  	[sflag:s23] =	ssyncset.done $0x0  }
0xa4: {  	s25 =	simm.s32 $0x1B8E;
	s24 =	sld [smem:$0x3FFE];
	[sflag:s23] =	ssyncadd.s32 $0xFFFFFFFF  }
0xa5: {  	s26 =	simm.s32 $execute0_lowered;
	[smem:$0x3FD2] =	sst s25  }
0xa6: {  	s5 =	sshll.u32 s26, $0x1;
	_ =	strace $0x80000046;
	[dreg:$0x1] =	wrdreg $0xFFFFFFFF  }
0xa7: {  	s28 =	simm.s32 $_size_execute0_lowered;
	s3 =	sadd.s32 s3, s5;
	[dreg:$0x0] =	wrdreg $0x0  }
0xa8: {  	s5 =	sshll.u32 s28, $0x1;
	[dreg:$0x2] =	wrdreg s3  }
0xa9: {  	[dreg:$0x3] =	wrdreg s5  }
0xaa: {  	[dreg:$0x4] =	wrdreg $0xC0  }
0xab: {  	_ =	task [dreg:s7], $0x5FFFF  }
0xac: {  	[dreg:$0x1] =	wrdreg $0xFFFFFFFF  }
0xad: {  	[dreg:$0x0] =	wrdreg $0x60  }
0xae: {  	[dreg:$0x2] =	wrdreg s24  }
0xaf: {  	[dreg:$0x3] =	wrdreg s2  }
0xb0: {  	[dreg:$0x4] =	wrdreg $0x90000  }
0xb1: {  	[dreg:$0x5] =	wrdreg $0x9  }
0xb2: {  	_ =	task.clear_ibuf [dreg:s7], $0x6FFFF;
	_ =	strace $0x90000046  }
0xb3: {  	s29 =	simm.s32 $0x9;
	_ =	strace $0x80000048  }
0xb4: {  	_ =	swait.ge [sflag:s29], $0x1  }
0xb5: {  	[sflag:s29] =	ssyncadd.s32 $0xFFFFFFFF  }
0xb6: {  	_ =	strace $0x90000048  }
0xb7: {  	_ =	sfence  }
0xb8: {  	s30 =	sld [smem:$0x0];
	_ =	sdelay $0x2  }
0xb9: {  	s31 =	sshll.u32 s1, $0xD;
	s1 =	sshrl.u32 s1, $0x2  }
0xba: {  	s3 =	sand.u32 $0x4000, s31;
	s1 =	sadd.s32 s1, s30  }
0xbb: {  	s0 =	sor.u32 s3, s0;
	s1 =	sshll.u32 s1, $0x11  }
0xbc: {  	s0 =	sor.u32 s1, s0  }
0xbd: {  	s0 =	sadd.s32 $0x8F2B, s0  }
0xbe: {  	[sflag:s0] =	ssyncadd.remote.s32 $0x1  }
0xbf: {  	_ =	sfence.sel $0xFFFF  }
0xc0: {  	[dreg:$0x0] =	wrdreg $0xFFFFFFFF;
	(pc) =	sbr.abs _section_cstart, $3  }
0xc1: {  	[dreg:$0x1] =	wrdreg $0xFFFFFFFF  }
0xc2: {  	_ =	task.clear_ibuf [dreg:s7], $0x2FFFF;
	_ =	strace $0x9FFFFFFF  }
0xc3: {  	(tm) =	ssettm $0x7FFFFFFF  }
tec
execute0_lowered:
.L_overlay_start_1:
0x0: {  	(tag) =	ssettag $0x1  }
0x1: {  	s0 =	rddreg [dreg:$0x0]  }
0x2: {  	s1 =	rddreg [dreg:$0x1]  }
0x3: {  	s2 =	rddreg [dreg:$0x2]  }
0x4: {  	s3 =	srdreg.scid;
	s4 =	simm.s32 $0x0;
	s12 =	stileid.u32  }
0x5: {  	s23 =	simm.s32 $0x3;
	s28 =	simm.s32 $0x5000;
	s30 =	simm.s32 $0x0  }
0x6: {  	s3 =	sand.u32 $0x1, s3;
	[smem:$0x7FF] =	sst s4;
	s9 =	smul.u32 $0x50000, s12  }
0x7: {  	s8 =	sshll.u32 s12, $0x7;
	s19 =	sadd.s32 $0x35200, s0;
	s14 =	smul.u32 $0x14000, s12  }
0x8: {  	s5 =	sshll.u32 s3, $0x4;
	_ =	strace $0x80000047;
	s8 =	sand.u32 $0x380, s8  }
0x9: {  	s25 =	ssub.s32 $0x2, s3;
	s3 =	smul.u32 $0x140000, s3;
	s10 =	sor.u32 s12, s5  }
0xa: {  	s5 =	sadd.s32 $0xD200, s0;
	s11 =	sshrl.u32 s25, $0x1;
	s26 =	sshrl.u32 s9, $0x2  }
0xb: {  	s15 =	sadd.s32 $0x4000, s14;
	s17 =	sadd.s32 $0x8000, s14;
	s18 =	sadd.s32 $0xC000, s14  }
0xc: {  	s20 =	sadd.s32 $0x10000, s14;
	s6 =	sshrl.u32 s10, $0x3;
	s21 =	ssub.s32 s25, s11  }
0xd: {  	s9 =	sadd.s32 s17, s2;
	s10 =	smul.u32 $0x2800, s10;
	s11 =	sadd.s32 s18, s2  }
0xe: {  	s12 =	sadd.s32 s20, s2;
	s22 =	sadd.s32 s14, s3;
	s17 =	sadd.s32 s3, s17  }
0xf: {  	s18 =	sadd.s32 s3, s18;
	s25 =	simm.s32 $0x80;
	s7 =	smul.u32 $0x14000, s6  }
0x10: {  	s6 =	sadd.s32 $0x3200, s0;
	s29 =	sshrl.u32 s22, $0x3;
	s17 =	sshrl.u32 s17, $0x3  }
0x11: {  	s18 =	sshrl.u32 s18, $0x3;
	s21 =	smax.u32 s21, $0x1;
	s22 =	simm.s32 $0x1000  }
0x12: {  	s16 =	sshrl.u32 s10, $0x3;
	s17 =	sadd.s32 s19, s17;
	s18 =	sadd.s32 s19, s18  }
0x13: {  	s7 =	sor.u32 s8, s7;
	s8 =	sadd.s32 s15, s2;
	s13 =	sadd.s32 s1, s16  }
.Ltmp0:
0x14: {  	s15 =	sadd.s32 s3, s15;
	s14 =	sadd.s32 s6, s16;
	(pc) =	sbr.rel .LBB2_1-.Ltmp0, $4  }
0x15: {  	s3 =	sadd.s32 s3, s20;
	s7 =	sshrl.u32 s7, $0x3;
	[dreg:$0x4] =	wrdreg s13  }
0x16: {  	s31 =	sshrl.u32 s15, $0x3;
	s15 =	sadd.s32 s19, s29;
	s3 =	sshrl.u32 s3, $0x3  }
0x17: {  	s0 =	sadd.s32 s7, s0;
	s7 =	sadd.s32 s26, s2;
	s16 =	sadd.s32 s19, s31  }
0x18: {  	v0 =	vimm.f32 $0.0e+00;
	v1 =	vimm.f32 $1.000000000e+00;
	s19 =	sadd.s32 s19, s3;
	s26 =	simm.s32 $0x1D000;
	s20 =	sadd.s32 $0x85200, s0  }
.LBB2_12:
0x19: {  	[bflag:$0x0] =	sbarrier.arrive $0xFFFF  }
0x1a: {  	[tilespmem:s22], [sflag:$0x3] =	stream.linear.gather [spmem:s7], $0x4000, $0x38;
	[tilespmem:$0x1F800] =	vst v63  }
0x1b: {  	_ =	swait.ge [sflag:s23], $0x4000  }
0x1c: {  	[sflag:s23] =	ssyncset.done $0x0  }
0x1d: {  	[sflag:s23] =	ssyncadd.s32 $0xFFFFC000  }
0x1e: {  	[hbm4b:s15+s4] =	stream.linear.scatter [tilespmem:s22], [sflag:$0x3], $0x4000, $0x38;
	[tilespmem:$0x1F800] =	vst v63  }
0x1f: {  	_ =	swait.ge [sflag:s23], $0x4000  }
0x20: {  	[sflag:s23] =	ssyncset.done $0x0  }
0x21: {  	[sflag:s23] =	ssyncadd.s32 $0xFFFFC000  }
0x22: {  	[tilespmem:s28], [sflag:$0x3] =	stream.linear.gather [spmem:s8], $0x4000, $0x38;
	[tilespmem:$0x1F800] =	vst v63  }
0x23: {  	_ =	swait.ge [sflag:s23], $0x4000  }
0x24: {  	[sflag:s23] =	ssyncset.done $0x0  }
0x25: {  	[sflag:s23] =	ssyncadd.s32 $0xFFFFC000  }
0x26: {  	[hbm4b:s16+s4] =	stream.linear.scatter [tilespmem:s28], [sflag:$0x3], $0x4000, $0x38;
	[tilespmem:$0x1F800] =	vst v63  }
0x27: {  	_ =	swait.ge [sflag:s23], $0x4000  }
0x28: {  	[sflag:s23] =	ssyncset.done $0x0  }
0x29: {  	[sflag:s23] =	ssyncadd.s32 $0xFFFFC000  }
0x2a: {  	[tilespmem:s22], [sflag:$0x3] =	stream.linear.gather [spmem:s9], $0x4000, $0x38;
	[tilespmem:$0x1F800] =	vst v63  }
0x2b: {  	_ =	swait.ge [sflag:s23], $0x4000  }
0x2c: {  	[sflag:s23] =	ssyncset.done $0x0  }
0x2d: {  	[sflag:s23] =	ssyncadd.s32 $0xFFFFC000  }
0x2e: {  	[hbm4b:s17+s4] =	stream.linear.scatter [tilespmem:s22], [sflag:$0x3], $0x4000, $0x38;
	[tilespmem:$0x1F800] =	vst v63  }
0x2f: {  	_ =	swait.ge [sflag:s23], $0x4000  }
0x30: {  	[sflag:s23] =	ssyncset.done $0x0  }
0x31: {  	[sflag:s23] =	ssyncadd.s32 $0xFFFFC000  }
0x32: {  	[tilespmem:s28], [sflag:$0x3] =	stream.linear.gather [spmem:s11], $0x4000, $0x38;
	[tilespmem:$0x1F800] =	vst v63  }
0x33: {  	_ =	swait.ge [sflag:s23], $0x4000  }
0x34: {  	[sflag:s23] =	ssyncset.done $0x0  }
0x35: {  	[sflag:s23] =	ssyncadd.s32 $0xFFFFC000  }
0x36: {  	[hbm4b:s18+s4] =	stream.linear.scatter [tilespmem:s28], [sflag:$0x3], $0x4000, $0x38;
	[tilespmem:$0x1F800] =	vst v63  }
0x37: {  	_ =	swait.ge [sflag:s23], $0x4000  }
0x38: {  	[sflag:s23] =	ssyncset.done $0x0  }
0x39: {  	[sflag:s23] =	ssyncadd.s32 $0xFFFFC000  }
0x3a: {  	[tilespmem:s22], [sflag:$0x3] =	stream.linear.gather [spmem:s12], $0x4000, $0x38;
	[tilespmem:$0x1F800] =	vst v63  }
0x3b: {  	_ =	swait.ge [sflag:s23], $0x4000  }
0x3c: {  	[sflag:s23] =	ssyncset.done $0x0  }
0x3d: {  	[sflag:s23] =	ssyncadd.s32 $0xFFFFC000  }
0x3e: {  	[hbm4b:s19+s4] =	stream.linear.scatter [tilespmem:s22], [sflag:$0x3], $0x4000, $0x38;
	[tilespmem:$0x1F800] =	vst v63  }
0x3f: {  	s30 =	sadd.s32 $0x1, s30;
	_ =	swait.ge [sflag:s23], $0x4000  }
0x40: {  	p0 =	sne.s32 s30, s21;
	[sflag:s23] =	ssyncset.done $0x0  }
.Ltmp1:
0x41: {  	s0 =	simm.s32 $0x400;
	[sflag:s23] =	ssyncadd.s32 $0xFFFFC000;
	(pc) =	sbr.rel @!p0 .LBB2_13-.Ltmp1, $4  }
0x42: {  	[hbm4b:s20+s25] =	stream.strided.scatter [tilespmem:s26], [sflag:$0x3], $0x2800, s0, s25, $0x38;
	[tilespmem:$0x1F800] =	vst v63  }
0x43: {  	_ =	swait.ge [sflag:s23], $0x2800  }
0x44: {  	[sflag:s23] =	ssyncset.done $0x0  }
0x45: {  	[sflag:s23] =	ssyncadd.s32 $0xFFFFD800  }
.LBB2_1:
0x46: {  	s0 =	simm.s32 $0x0;
	s3 =	simm.s32 $0x200  }
.LBB2_2:
0x47: {  	p0 =	sne.s32 s3, $0xFE00;
	[tilespmem:s0+$0x1070] =	vst v0  }
0x48: {  	[tilespmem:s0+$0x1000] =	vst v0  }
0x49: {  	[tilespmem:s0+$0x1010] =	vst v0  }
.Ltmp2:
0x4a: {  	[tilespmem:s0+$0x1020] =	vst v0;
	(pc) =	sbr.rel @p0 .LBB2_2-.Ltmp2, $4  }
0x4b: {  	[tilespmem:s0+$0x1030] =	vst v0  }
0x4c: {  	[tilespmem:s0+$0x1040] =	vst v0  }
0x4d: {  	[tilespmem:s0+$0x1050] =	vst v0  }
0x4e: {  	[tilespmem:s0+$0x1060] =	vst v0;
	s0 =	sshra.s32 s3, $0x2;
	s3 =	sadd.s32 $0x200, s3  }
0x4f: {  	[tilespmem:s0+$0x1070] =	vst v0  }
0x50: {  	[tilespmem:s0+$0x1000] =	vst v0  }
0x51: {  	[tilespmem:s0+$0x1010] =	vst v0  }
0x52: {  	[tilespmem:s0+$0x1020] =	vst v0  }
0x53: {  	[tilespmem:s0+$0x1030] =	vst v0  }
0x54: {  	[tilespmem:s0+$0x1040] =	vst v0  }
0x55: {  	[tilespmem:s0+$0x1050] =	vst v0  }
0x56: {  	[tilespmem:s0+$0x1060] =	vst v0  }
0x57: {  	[spmem:s7] =	stream.linear.scatter [tilespmem:s22], [sflag:$0x3], $0x4000, $0x38;
	[tilespmem:$0x1F800] =	vst v63  }
0x58: {  	_ =	swait.ge [sflag:s23], $0x4000  }
0x59: {  	[sflag:s23] =	ssyncset.done $0x0  }
0x5a: {  	[sflag:s23] =	ssyncadd.s32 $0xFFFFC000  }
0x5b: {  	[spmem:s8] =	stream.linear.scatter [tilespmem:s22], [sflag:$0x3], $0x4000, $0x38;
	[tilespmem:$0x1F800] =	vst v63  }
0x5c: {  	_ =	swait.ge [sflag:s23], $0x4000  }
0x5d: {  	[sflag:s23] =	ssyncset.done $0x0  }
0x5e: {  	[sflag:s23] =	ssyncadd.s32 $0xFFFFC000  }
0x5f: {  	[spmem:s9] =	stream.linear.scatter [tilespmem:s22], [sflag:$0x3], $0x4000, $0x38;
	[tilespmem:$0x1F800] =	vst v63  }
0x60: {  	_ =	swait.ge [sflag:s23], $0x4000  }
0x61: {  	[sflag:s23] =	ssyncset.done $0x0  }
0x62: {  	[sflag:s23] =	ssyncadd.s32 $0xFFFFC000  }
0x63: {  	[spmem:s11] =	stream.linear.scatter [tilespmem:s22], [sflag:$0x3], $0x4000, $0x38;
	[tilespmem:$0x1F800] =	vst v63  }
0x64: {  	_ =	swait.ge [sflag:s23], $0x4000  }
0x65: {  	[sflag:s23] =	ssyncset.done $0x0  }
0x66: {  	[sflag:s23] =	ssyncadd.s32 $0xFFFFC000  }
0x67: {  	[spmem:s12] =	stream.linear.scatter [tilespmem:s22], [sflag:$0x3], $0x4000, $0x38;
	[tilespmem:$0x1F800] =	vst v63  }
0x68: {  	_ =	swait.ge [sflag:s23], $0x4000  }
0x69: {  	[sflag:s23] =	ssyncset.done $0x0  }
0x6a: {  	s0 =	simm.s32 $0x40;
	s3 =	simm.s32 $0x0;
	[sflag:s23] =	ssyncadd.s32 $0xFFFFC000  }
.LBB2_4:
0x6b: {  	p0 =	sne.s32 s0, $0x9FC0;
	[tilespmem:s3+$0x1D000] =	vst v0;
	s3 =	smov.u32 s0;
	s0 =	sadd.s32 $0x40, s0  }
.Ltmp3:
0x6c: {  	(pc) =	sbr.rel @p0 .LBB2_4-.Ltmp3, $2  }
0x6d: {  	_ =	sdelay $0x2  }
0x6e: {  	s3 =	sshra.s32 s3, $0x2  }
0x6f: {  	[tilespmem:s3+$0x1D000] =	vst v0  }
0x70: {  	[bflag:$0x0] =	sbarrier.arrive $0xFFFF  }
0x71: {  	s31 =	simm.s32 $0x0;
	s0 =	rddreg [dreg:$0x4]  }
0x72: {  	[tilespmem:s31], [sflag:$0x3] =	stream.linear.gather [hbm4b:s0+s31], $0x400, $0x38;
	[tilespmem:$0x1F800] =	vst v63  }
0x73: {  	_ =	swait.ge [sflag:s23], $0x400  }
0x74: {  	[sflag:s23] =	ssyncset.done $0x0  }
0x75: {  	s29 =	simm.s32 $0x800;
	[sflag:s23] =	ssyncadd.s32 $0xFFFFFC00  }
0x76: {  	[tilespmem:s29], [sflag:$0x3] =	stream.linear.gather [hbm4b:s14+s31], $0x400, $0x38;
	[tilespmem:$0x1F800] =	vst v63  }
.Ltmp4:
0x77: {  	_ = 	snop;
	(pc) =	sbr.rel .LBB2_6-.Ltmp4, $4  }
0x78: {  	_ =	swait.ge [sflag:s23], $0x400  }
0x79: {  	[sflag:s23] =	ssyncset.done $0x0  }
0x7a: {  	[sflag:s23] =	ssyncadd.s32 $0xFFFFFC00  }
0x7b: {  	[tilespmem:s22], [sflag:$0x1] =	stream.indirect.gather [hbm4b:s5+s25], $0x80, s31, s25, $0xb8;
	[tilespmem:$0x1F800] =	vst v63  }
.LBB2_7:
0x7c: {  	s0 =	sadd.s32 $0x400, s3  }
0x7d: {  	s24 =	sadd.s32 s10, s0  }
0x7e: {  	s24 =	sshrl.u32 s24, $0x3  }
0x7f: {  	s0 =	sand.u32 $0x400, s0;
	s29 =	sadd.s32 s1, s24  }
0x80: {  	[tilespmem:s0], [sflag:$0x3] =	stream.linear.gather [hbm4b:s29+s4], $0x400, $0x38;
	[tilespmem:$0x1F800] =	vst v63  }
0x81: {  	_ =	swait.ge [sflag:s23], $0x400  }
0x82: {  	[sflag:s23] =	ssyncset.done $0x0  }
0x83: {  	s24 =	sadd.s32 s6, s24;
	s0 =	sor.u32 $0x800, s0;
	[sflag:s23] =	ssyncadd.s32 $0xFFFFFC00  }
0x84: {  	[tilespmem:s0], [sflag:$0x3] =	stream.linear.gather [hbm4b:s24+s4], $0x400, $0x38;
	[tilespmem:$0x1F800] =	vst v63  }
0x85: {  	_ =	swait.ge [sflag:s23], $0x400  }
0x86: {  	[sflag:s23] =	ssyncset.done $0x0  }
0x87: {  	s0 =	sor.u32 $0x1, s31;
	[sflag:s23] =	ssyncadd.s32 $0xFFFFFC00  }
.LBB2_10:
0x88: {  	s24 =	sand.u32 $0x1, s0  }
0x89: {  	s13 =	sshll.u32 s0, $0x7;
	s29 =	sshll.u32 s24, $0xE  }
0x8a: {  	s13 =	sand.u32 $0x780, s13;
	s24 =	sadd.s32 $0x1, s24;
	s29 =	sor.u32 $0x1000, s29  }
0x8b: {  	[tilespmem:s29], [sflag:s24] =	stream.indirect.gather [hbm4b:s5+s25], $0x80, s13, s25, $0xb8;
	[tilespmem:$0x1F800] =	vst v63  }
.LBB2_11:
0x8c: {  	s13 =	sand.u32 $0x1, s31  }
0x8d: {  	s29 =	sshll.u32 s31, $0x7;
	s24 =	sadd.s32 $0x1, s13  }
0x8e: {  	s3 =	sand.u32 $0x400, s3;
	s29 =	sand.u32 $0x380, s29;
	_ =	swait.ge [sflag:s24], $0x4000  }
0x8f: {  	s13 =	sshll.u32 s13, $0xE;
	s3 =	sor.u32 s29, s3;
	[sflag:s24] =	ssyncset.done $0x0  }
0x90: {  	s13 =	sor.u32 $0x1000, s13;
	s29 =	sor.u32 $0x800, s3;
	[sflag:s24] =	ssyncadd.s32 $0xFFFFC000  }
0x91: {  	[spmem:s2] =	stream.indirect.scatter.add.f32 [tilespmem:s13], [sflag:$0x3], $0x80, s29, s25, $0xb8;
	[tilespmem:$0x1F800] =	vst v63  }
0x92: {  	_ =	swait.ge [sflag:s23], $0x4000  }
0x93: {  	[sflag:s23] =	ssyncset.done $0x0  }
0x94: {  	[sflag:s23] =	ssyncadd.s32 $0xFFFFC000  }
0x95: {  	v2 =	vld [tilespmem:s3+$0x800];
	_ =	sdelay $0x7  }
0x96: {  	[tilespmem:v2+s26+$0x0] =	vst.idx.add.f32.msk $0xffff, v1  }
0x97: {  	v2 =	vld [tilespmem:s3+$0x810];
	_ =	sdelay $0x7  }
0x98: {  	[tilespmem:v2+s26+$0x0] =	vst.idx.add.f32.msk $0xffff, v1  }
0x99: {  	v2 =	vld [tilespmem:s3+$0x820];
	_ =	sdelay $0x7  }
0x9a: {  	[tilespmem:v2+s26+$0x0] =	vst.idx.add.f32.msk $0xffff, v1  }
0x9b: {  	v2 =	vld [tilespmem:s3+$0x830];
	_ =	sdelay $0x7  }
0x9c: {  	[tilespmem:v2+s26+$0x0] =	vst.idx.add.f32.msk $0xffff, v1  }
0x9d: {  	v2 =	vld [tilespmem:s3+$0x840];
	_ =	sdelay $0x7  }
0x9e: {  	[tilespmem:v2+s26+$0x0] =	vst.idx.add.f32.msk $0xffff, v1  }
0x9f: {  	v2 =	vld [tilespmem:s3+$0x850];
	_ =	sdelay $0x7  }
0xa0: {  	[tilespmem:v2+s26+$0x0] =	vst.idx.add.f32.msk $0xffff, v1  }
0xa1: {  	v2 =	vld [tilespmem:s3+$0x860];
	_ =	sdelay $0x7  }
0xa2: {  	[tilespmem:v2+s26+$0x0] =	vst.idx.add.f32.msk $0xffff, v1  }
0xa3: {  	v2 =	vld [tilespmem:s3+$0x870];
	_ =	sdelay $0x2  }
0xa4: {  	p0 =	slt.u32 s0, $0x50  }
.Ltmp5:
0xa5: {  	_ = 	snop;
	(pc) =	sbr.rel @!p0 .LBB2_12-.Ltmp5, $2  }
0xa6: {  	_ =	sdelay $0x2  }
0xa7: {  	s31 =	smov.u32 s0;
	[tilespmem:v2+s26+$0x0] =	vst.idx.add.f32.msk $0xffff, v1  }
.LBB2_6:
0xa8: {  	s0 =	sand.u32 $0x7, s31;
	p0 =	sgt.u32 s31, $0x47  }
0xa9: {  	p1 =	sne.s32 @!p0 s0, $0x0  }
0xaa: {  	p0 =	por p0, p1  }
.Ltmp6:
0xab: {  	_ = 	snop;
	(pc) =	sbr.rel @!p0 .LBB2_7-.Ltmp6, $3  }
0xac: {  	_ =	sdelay $0x1  }
0xad: {  	s29 =	sshrl.u32 s31, $0x3  }
0xae: {  	s3 =	sshll.u32 s29, $0xA  }
0xaf: {  	p0 =	seq.s32 s31, $0x4F  }
.Ltmp7:
0xb0: {  	_ = 	snop;
	(pc) =	sbr.rel @p0 .LBB2_11-.Ltmp7, $2  }
0xb1: {  	_ =	sdelay $0x2  }
0xb2: {  	s0 =	simm.s32 $0x50  }
.Ltmp8:
0xb3: {  	(pc) =	sbr.rel .LBB2_10-.Ltmp8, $2  }
0xb4: {  	_ =	sdelay $0x2  }
0xb5: {  	s0 =	sadd.s32 $0x1, s31  }
.LBB2_13:
0xb6: {  	_ =	sfence.sel $0x180000  }
0xb7: {  	[bflag:$0x0] =	sbarrier.arrive $0xFFFF  }
0xb8: {  	_ =	strace $0x90000047  }
0xb9: {  	s0 =	stileid.u32;
	[bflag:$0x2] =	sbarrier.arrive $0xFFFF  }
0xba: {  	p0 =	sne.s32 s0, $0x0;
	s0 =	rddreg [dreg:$0x3]  }
0xbb: {  	s0 =	sadd.s32 @!p0 $0x100000, s0  }
0xbc: {  	[sflag:s0] =	ssyncadd.tile.s32 @!p0 $0x1;
	_ =	shalt  }
.Lfunc_end2:
_tile_overlayer_lowered:
.L_overlay_start_2:
0xbd: {  	(tag) =	ssettag $0x2  }
0xbe: {  	s0 =	rddreg [dreg:$0x0];
	s2 =	stileid.u32  }
0xbf: {  	s1 =	rddreg [dreg:$0x1];
	p0 =	sne.s32 s2, $0x0  }
0xc0: {  	s3 =	rddreg [dreg:$0x2];
	[bflag:$0x3] =	sbarrier.arrive $0xFFFF;
	s2 =	simm.s32 @!p0 $0x1C03  }
0xc1: {  	[timem:s3], [sflag:s2] =	dma.local @!p0 [hbm:s0], s1  }
0xc2: {  	s0 =	simm.s32 @!p0 $0x3  }
0xc3: {  	_ =	swait.ge @!p0 [sflag:s0], s1  }
0xc4: {  	s1 =	ssub.s32 @!p0 $0x0, s1;
	[sflag:s0] =	ssyncset.done @!p0 $0x0  }
0xc5: {  	[sflag:s0] =	ssyncadd.s32 @!p0 s1  }
0xc6: {  	[bflag:$0x3] =	sbarrier.arrive $0xFFFF  }
0xc7: {  	_ =	shalt  }

// kernel: kernel.9.cloned.1.call-start
scs
__scs_entry_jumppad:
0x0: {  	(pc) =	sbr.rel $0x88, $3  }
0x1: {  	(tag) =	ssettag $0x0;
	lr =	simm.s32 $0x1  }
0x2: {  	[smem:$0x3F99] =	sst lr;
	_ =	strace $0xD0000000  }
0x3: {  	_ = 	snop  }
0x4: {  	_ = 	snop  }
0x5: {  	_ = 	snop  }
0x6: {  	_ = 	snop  }
0x7: {  	_ = 	snop  }
__scs_overlays_trampoline_lowered:
0x8: {  	[smem:$0x3FA8] =	sst s0  }
0x9: {  	[smem:$0x3FA9] =	sst s1  }
0xa: {  	[smem:$0x3FAA] =	sst s2  }
0xb: {  	[smem:$0x3FAB] =	sst s3  }
0xc: {  	[smem:$0x3FAC] =	sst s4  }
0xd: {  	[smem:$0x3FAD] =	sst s5  }
0xe: {  	[smem:$0x3FAE] =	sst s6  }
0xf: {  	[smem:$0x3FAF] =	sst s7  }
0x10: {  	[smem:$0x3FB0] =	sst s8  }
0x11: {  	[smem:$0x3FB1] =	sst s9;
	s0 =	simm.s32 @!p0 $0x0  }
0x12: {  	s1 =	sld [smem:$0x3F97];
	s0 =	simm.s32 @p0 $0x1  }
0x13: {  	[smem:$0x3FB2] =	sst s0;
	s0 =	simm.s32 @!p1 $0x0  }
0x14: {  	s2 =	sld [smem:$0x3F96];
	s0 =	simm.s32 @p1 $0x1  }
0x15: {  	[smem:$0x3FB3] =	sst s0;
	s0 =	simm.s32 @!p2 $0x0  }
0x16: {  	s3 =	sld [smem:$0x3FDB];
	s0 =	simm.s32 @p2 $0x1  }
0x17: {  	s4 =	simm.s32 $0x1BF5;
	[smem:$0x3FB5] =	sst s0  }
0x18: {  	s0 =	sld [smem:$0x3F98];
	_ =	swait.ge [sflag:s4], $0x0  }
0x19: {  	s7 =	sld [smem:$0x3F99]  }
0x1a: {  	s8 =	sadd.s32 $0xFFFFE003, lr  }
0x1b: {  	s9 =	sadd.s32 $0xFFFFFEF7, lr;
	s5 =	simm.s32 $0xFFFFFFFF;
	p2 =	slt.u32 s8, $0xFFFFF086  }
0x1c: {  	p1 =	slt.u32 s9, $0xF7A;
	s5 =	simm.s32 @!p2 $0x0  }
0x1d: {  	s5 =	simm.s32 @p1 $0x1;
	p0 =	seq.s32 s7, s2  }
0x1e: {  	s7 =	smul.u32 @!p0 $0xF7A, s2;
	p2 =	seq.s32 @!p0 s5, $0x0  }
0x1f: {  	s9 =	smul.u32 $0xF7A, s1;
	s8 =	simm.s32 @!p0 $0x1BF5;
	p2 =	por !p2, p0  }
0x20: {  	[sflag:s8] =	ssyncset.s32 @!p0 $0xFFFFF086;
	s6 =	sadd.s32 @!p0 s3, s7;
	s7 =	simm.s32 @!p0 $0x108  }
0x21: {  	s3 =	sadd.s32 s3, s9;
	s6 =	sadd.s32 @!p0 $0x88, s6;
	s7 =	simm.s32 @p2 $0x1082  }
0x22: {  	[simem:s7], [sflag:s8] =	dma.local @!p0 [hbm:s6], $0xF7A  }
0x23: {  	s9 =	sor.u32 $0xD0000000, s2;
	s6 =	simm.s32 $0x108;
	_ =	swait.ge @!p0 [sflag:s8], $0x0  }
0x24: {  	s3 =	sadd.s32 $0x88, s3;
	s6 =	simm.s32 @!p1 $0x1082;
	[sflag:s4] =	ssyncset.s32 $0xFFFFF086  }
0x25: {  	[simem:s6], [sflag:s4] =	dma.local [hbm:s3], $0xF7A  }
0x26: {  	[smem:$0x3F99] =	sst s1;
	(tag) =	ssettag s2;
	_ =	strace s9  }
0x27: {  	s1 =	sld [smem:$0x3FA9]  }
0x28: {  	s2 =	sld [smem:$0x3FAA]  }
0x29: {  	s4 =	sld [smem:$0x3FAC]  }
0x2a: {  	p0 =	seq.s32 s5, $0x0;
	s5 =	sld [smem:$0x3FAD]  }
0x2b: {  	s6 =	sld [smem:$0x3FAE]  }
0x2c: {  	s7 =	sld [smem:$0x3FAF]  }
0x2d: {  	s3 =	simm.s32 $0x108;
	s8 =	sld [smem:$0x3FB0]  }
0x2e: {  	s3 =	simm.s32 @!p0 $0x1082;
	s9 =	sld [smem:$0x3FB1]  }
0x2f: {  	lr =	sadd.s32 s0, s3;
	s0 =	sld [smem:$0x3FA8]  }
0x30: {  	s3 =	sld [smem:$0x3FAB]  }
0x31: {  	[smem:$0x3FB4] =	sst s10  }
0x32: {  	s10 =	sld [smem:$0x3FB2];
	_ =	sdelay $0x3  }
0x33: {  	p0 =	seq.s32 s10, $0x1;
	s10 =	sld [smem:$0x3FB4];
	_ =	sdelay $0x3  }
0x34: {  	[smem:$0x3FB4] =	sst s10  }
0x35: {  	s10 =	sld [smem:$0x3FB3];
	_ =	sdelay $0x3  }
0x36: {  	p1 =	seq.s32 s10, $0x1;
	s10 =	sld [smem:$0x3FB4];
	_ =	sdelay $0x3  }
0x37: {  	[smem:$0x3FB4] =	sst s10  }
0x38: {  	s10 =	sld [smem:$0x3FB5]  }
0x39: {  	_ = 	snop;
	(pc) =	sbr.ind lr, $3  }
0x3a: {  	_ = 	snop  }
0x3b: {  	_ = 	snop  }
0x3c: {  	p2 =	seq.s32 s10, $0x1;
	s10 =	sld [smem:$0x3FB4]  }
0x3d: {  	_ =	shalt  }
0x3e: {  	_ =	shalt  }
0x3f: {  	_ =	shalt  }
0x40: {  	_ =	shalt  }
0x41: {  	_ =	shalt  }
0x42: {  	_ =	shalt  }
0x43: {  	_ =	shalt  }
0x44: {  	_ =	shalt  }
0x45: {  	_ =	shalt  }
0x46: {  	_ =	shalt  }
0x47: {  	_ =	shalt  }
0x48: {  	_ =	shalt  }
0x49: {  	_ =	shalt  }
0x4a: {  	_ =	shalt  }
0x4b: {  	_ =	shalt  }
0x4c: {  	_ =	shalt  }
0x4d: {  	_ =	shalt  }
0x4e: {  	_ =	shalt  }
0x4f: {  	_ =	shalt  }
0x50: {  	_ =	shalt  }
0x51: {  	_ =	shalt  }
0x52: {  	_ =	shalt  }
0x53: {  	_ =	shalt  }
0x54: {  	_ =	shalt  }
0x55: {  	_ =	shalt  }
0x56: {  	_ =	shalt  }
0x57: {  	_ =	shalt  }
0x58: {  	_ =	shalt  }
0x59: {  	_ =	shalt  }
0x5a: {  	_ =	shalt  }
0x5b: {  	_ =	shalt  }
0x5c: {  	_ =	shalt  }
0x5d: {  	_ =	shalt  }
0x5e: {  	_ =	shalt  }
0x5f: {  	_ =	shalt  }
0x60: {  	_ =	shalt  }
0x61: {  	_ =	shalt  }
0x62: {  	_ =	shalt  }
0x63: {  	_ =	shalt  }
0x64: {  	_ =	shalt  }
0x65: {  	_ =	shalt  }
0x66: {  	_ =	shalt  }
0x67: {  	_ =	shalt  }
0x68: {  	_ =	shalt  }
0x69: {  	_ =	shalt  }
0x6a: {  	_ =	shalt  }
0x6b: {  	_ =	shalt  }
0x6c: {  	_ =	shalt  }
0x6d: {  	_ =	shalt  }
0x6e: {  	_ =	shalt  }
0x6f: {  	_ =	shalt  }
0x70: {  	_ =	shalt  }
0x71: {  	_ =	shalt  }
0x72: {  	_ =	shalt  }
0x73: {  	_ =	shalt  }
0x74: {  	_ =	shalt  }
0x75: {  	_ =	shalt  }
0x76: {  	_ =	shalt  }
0x77: {  	_ =	shalt  }
0x78: {  	_ =	shalt  }
0x79: {  	_ =	shalt  }
0x7a: {  	_ =	shalt  }
0x7b: {  	_ =	shalt  }
0x7c: {  	_ =	shalt  }
0x7d: {  	_ =	shalt  }
0x7e: {  	_ =	shalt  }
0x7f: {  	_ =	shalt  }
0x80: {  	_ =	shalt  }
0x81: {  	_ =	shalt  }
0x82: {  	_ =	shalt  }
0x83: {  	_ =	shalt  }
0x84: {  	_ =	shalt  }
0x85: {  	_ =	shalt  }
0x86: {  	_ =	shalt  }
0x87: {  	_ =	shalt  }
.Lfunc_end0:
.L_simem_size_0:
called_computation.1_lowered:
.L_overlay_start_0:
0x88: {  	s2 =	sld [smem:$0x3FD9]  }
0x89: {  	s3 =	sld [smem:$0x3FFE];
	_ =	sdelay $0x1  }
0x8a: {  	s1 =	srdreg.scid  }
0x8b: {  	s0 =	sand.u32 $0x1, s1  }
0x8c: {  	s17 =	sshll.u32 s0, $0xA;
	s2 =	sadd.s32 s3, s2  }
0x8d: {  	s2 =	sadd.s32 s2, s17  }
0x8e: {  	[smem:$0x3FC0] =	sst s2  }
0x8f: {  	_ = 	snop  }
0x90: {  	s2 =	sld [smem:$0x3FD0];
	(tm) =	ssettm $0x1  }
0x91: {  	s18 =	sld [smem:$0x3FFB];
	_ =	sdelay $0x3  }
0x92: {  	_ =	strace s18  }
0x93: {  	s3 =	sld [smem:$0x3FFC];
	_ =	sdelay $0x3  }
0x94: {  	_ =	strace s3  }
0x95: {  	s3 =	sld [smem:$0x3FFD];
	_ =	sdelay $0x3  }
0x96: {  	_ =	strace s3  }
0x97: {  	_ =	strace $0x8FFFFFFF  }
0x98: {  	s19 =	sld [smem:$0x3FDB];
	_ =	sdelay $0x1  }
0x99: {  	s4 =	simm.s32 $_scs_section_size  }
0x9a: {  	s5 =	simm.s32 $_size__tile_overlayer_lowered;
	s6 =	simm.s32 $_tile_overlayer_lowered  }
0x9b: {  	s22 =	simm.s32 $0x1BFF;
	s21 =	sshll.u32 s6, $0x1;
	s3 =	sadd.s32 s4, s19  }
0x9c: {  	s7 =	simm.s32 $0x0;
	s20 =	sshll.u32 s5, $0x1;
	s5 =	sadd.s32 s21, s3  }
0x9d: {  	[timem:s7], [sflag:s22] =	dma.local [hbm:s5], s20  }
0x9e: {  	_ =	swait.ge [sflag:s22], s20  }
0x9f: {  	s4 =	ssub.s32 $0x0, s20;
	[sflag:s22] =	ssyncset.done $0x0  }
0xa0: {  	[sflag:s22] =	ssyncadd.s32 s4;
	_ =	sdelay $0x1  }
0xa1: {  	s23 =	simm.s32 $0x1B8B  }
0xa2: {  	_ =	swait.ge [sflag:s23], $0x1  }
0xa3: {  	[sflag:s23] =	ssyncset.done $0x0  }
0xa4: {  	s25 =	simm.s32 $0x1B8E;
	s24 =	sld [smem:$0x3FFE];
	[sflag:s23] =	ssyncadd.s32 $0xFFFFFFFF  }
0xa5: {  	s26 =	simm.s32 $execute0_lowered;
	[smem:$0x3FD2] =	sst s25  }
0xa6: {  	s5 =	sshll.u32 s26, $0x1;
	_ =	strace $0x80000049;
	[dreg:$0x1] =	wrdreg $0xFFFFFFFF  }
0xa7: {  	s28 =	simm.s32 $_size_execute0_lowered;
	s3 =	sadd.s32 s3, s5;
	[dreg:$0x0] =	wrdreg $0x0  }
0xa8: {  	s5 =	sshll.u32 s28, $0x1;
	[dreg:$0x2] =	wrdreg s3  }
0xa9: {  	[dreg:$0x3] =	wrdreg s5  }
0xaa: {  	[dreg:$0x4] =	wrdreg $0xC0  }
0xab: {  	_ =	task [dreg:s7], $0x5FFFF  }
0xac: {  	[dreg:$0x1] =	wrdreg $0xFFFFFFFF  }
0xad: {  	[dreg:$0x0] =	wrdreg $0x60  }
0xae: {  	[dreg:$0x2] =	wrdreg s24  }
0xaf: {  	[dreg:$0x3] =	wrdreg s2  }
0xb0: {  	[dreg:$0x4] =	wrdreg $0x90000  }
0xb1: {  	[dreg:$0x5] =	wrdreg $0x9  }
0xb2: {  	_ =	task.clear_ibuf [dreg:s7], $0x6FFFF;
	_ =	strace $0x90000049  }
0xb3: {  	s29 =	simm.s32 $0x9;
	_ =	strace $0x8000004B  }
0xb4: {  	_ =	swait.ge [sflag:s29], $0x1  }
0xb5: {  	[sflag:s29] =	ssyncadd.s32 $0xFFFFFFFF  }
0xb6: {  	_ =	strace $0x9000004B  }
0xb7: {  	_ =	sfence  }
0xb8: {  	s30 =	sld [smem:$0x0];
	_ =	sdelay $0x2  }
0xb9: {  	s31 =	sshll.u32 s1, $0xD;
	s1 =	sshrl.u32 s1, $0x2  }
0xba: {  	s3 =	sand.u32 $0x4000, s31;
	s1 =	sadd.s32 s1, s30  }
0xbb: {  	s0 =	sor.u32 s3, s0;
	s1 =	sshll.u32 s1, $0x11  }
0xbc: {  	s0 =	sor.u32 s1, s0  }
0xbd: {  	s0 =	sadd.s32 $0x8F2B, s0  }
0xbe: {  	[sflag:s0] =	ssyncadd.remote.s32 $0x1  }
0xbf: {  	_ =	sfence.sel $0xFFFF  }
0xc0: {  	[dreg:$0x0] =	wrdreg $0xFFFFFFFF;
	(pc) =	sbr.abs _section_cstart, $3  }
0xc1: {  	[dreg:$0x1] =	wrdreg $0xFFFFFFFF  }
0xc2: {  	_ =	task.clear_ibuf [dreg:s7], $0x2FFFF;
	_ =	strace $0x9FFFFFFF  }
0xc3: {  	(tm) =	ssettm $0x7FFFFFFF  }
tec
execute0_lowered:
.L_overlay_start_1:
0x0: {  	(tag) =	ssettag $0x1  }
0x1: {  	s7 =	rddreg [dreg:$0x0]  }
0x2: {  	s1 =	rddreg [dreg:$0x1]  }
0x3: {  	s2 =	rddreg [dreg:$0x2]  }
0x4: {  	s3 =	simm.s32 $0x0;
	s8 =	srdreg.scid;
	s0 =	stileid.u32  }
0x5: {  	s24 =	simm.s32 $0x80;
	s25 =	simm.s32 $0x5000;
	[smem:$0x7FF] =	sst s3  }
0x6: {  	s5 =	sadd.s32 $0xD200, s7;
	s6 =	sadd.s32 $0x3200, s7;
	s28 =	smul.u32 $0x50000, s0  }
0x7: {  	s11 =	sand.u32 $0x1, s8;
	s19 =	sadd.s32 $0x35200, s7;
	s14 =	smul.u32 $0x14000, s0  }
0x8: {  	_ =	strace $0x8000004A;
	s26 =	ssub.s32 $0x2, s11;
	s10 =	sshll.u32 s11, $0x4  }
0x9: {  	s22 =	smul.u32 $0x140000, s11;
	s9 =	sshrl.u32 s26, $0x1;
	s10 =	sor.u32 s0, s10  }
0xa: {  	s29 =	sshrl.u32 s28, $0x2;
	s15 =	sadd.s32 $0x4000, s14;
	s17 =	sadd.s32 $0x8000, s14  }
0xb: {  	s18 =	sadd.s32 $0xC000, s14;
	s21 =	sadd.s32 $0x10000, s14;
	s20 =	ssub.s32 s26, s9  }
0xc: {  	s7 =	sadd.s32 s29, s2;
	s8 =	sadd.s32 s15, s2;
	s9 =	sadd.s32 s17, s2  }
0xd: {  	s10 =	smul.u32 $0x2800, s10;
	s11 =	sadd.s32 s18, s2;
	s12 =	sadd.s32 s21, s2  }
0xe: {  	s23 =	sadd.s32 s14, s22;
	s15 =	sadd.s32 s22, s15;
	s17 =	sadd.s32 s22, s17  }
0xf: {  	s18 =	sadd.s32 s22, s18;
	s21 =	sadd.s32 s22, s21;
	s22 =	simm.s32 $0x3  }
0x10: {  	s26 =	simm.s32 $0x0;
	s30 =	sshrl.u32 s23, $0x3;
	s31 =	sshrl.u32 s15, $0x3  }
.Ltmp0:
0x11: {  	s17 =	sshrl.u32 s17, $0x3;
	s18 =	sshrl.u32 s18, $0x3;
	(pc) =	sbr.rel .LBB2_1-.Ltmp0, $4  }
0x12: {  	s21 =	sshrl.u32 s21, $0x3;
	s20 =	smax.u32 s20, $0x1;
	s23 =	simm.s32 $0x800  }
0x13: {  	s16 =	sshrl.u32 s10, $0x3;
	s15 =	sadd.s32 s19, s30;
	s17 =	sadd.s32 s19, s17  }
0x14: {  	s18 =	sadd.s32 s19, s18;
	s13 =	sadd.s32 s1, s16;
	s14 =	sadd.s32 s6, s16  }
0x15: {  	v0 =	vimm.f32 $0.0e+00;
	s16 =	sadd.s32 s19, s31;
	s19 =	sadd.s32 s19, s21;
	s21 =	simm.s32 $0x1000  }
.LBB2_10:
0x16: {  	[bflag:$0x0] =	sbarrier.arrive $0xFFFF  }
0x17: {  	[tilespmem:s21], [sflag:$0x3] =	stream.linear.gather [spmem:s7], $0x4000, $0x38;
	[tilespmem:$0x1D000] =	vst v63  }
0x18: {  	_ =	swait.ge [sflag:s22], $0x4000  }
0x19: {  	[sflag:s22] =	ssyncset.done $0x0  }
0x1a: {  	[sflag:s22] =	ssyncadd.s32 $0xFFFFC000  }
0x1b: {  	[hbm4b:s15+s3] =	stream.linear.scatter [tilespmem:s21], [sflag:$0x3], $0x4000, $0x38;
	[tilespmem:$0x1D000] =	vst v63  }
0x1c: {  	_ =	swait.ge [sflag:s22], $0x4000  }
0x1d: {  	[sflag:s22] =	ssyncset.done $0x0  }
0x1e: {  	[sflag:s22] =	ssyncadd.s32 $0xFFFFC000  }
0x1f: {  	[tilespmem:s25], [sflag:$0x3] =	stream.linear.gather [spmem:s8], $0x4000, $0x38;
	[tilespmem:$0x1D000] =	vst v63  }
0x20: {  	_ =	swait.ge [sflag:s22], $0x4000  }
0x21: {  	[sflag:s22] =	ssyncset.done $0x0  }
0x22: {  	[sflag:s22] =	ssyncadd.s32 $0xFFFFC000  }
0x23: {  	[hbm4b:s16+s3] =	stream.linear.scatter [tilespmem:s25], [sflag:$0x3], $0x4000, $0x38;
	[tilespmem:$0x1D000] =	vst v63  }
0x24: {  	_ =	swait.ge [sflag:s22], $0x4000  }
0x25: {  	[sflag:s22] =	ssyncset.done $0x0  }
0x26: {  	[sflag:s22] =	ssyncadd.s32 $0xFFFFC000  }
0x27: {  	[tilespmem:s21], [sflag:$0x3] =	stream.linear.gather [spmem:s9], $0x4000, $0x38;
	[tilespmem:$0x1D000] =	vst v63  }
0x28: {  	_ =	swait.ge [sflag:s22], $0x4000  }
0x29: {  	[sflag:s22] =	ssyncset.done $0x0  }
0x2a: {  	[sflag:s22] =	ssyncadd.s32 $0xFFFFC000  }
0x2b: {  	[hbm4b:s17+s3] =	stream.linear.scatter [tilespmem:s21], [sflag:$0x3], $0x4000, $0x38;
	[tilespmem:$0x1D000] =	vst v63  }
0x2c: {  	_ =	swait.ge [sflag:s22], $0x4000  }
0x2d: {  	[sflag:s22] =	ssyncset.done $0x0  }
0x2e: {  	[sflag:s22] =	ssyncadd.s32 $0xFFFFC000  }
0x2f: {  	[tilespmem:s25], [sflag:$0x3] =	stream.linear.gather [spmem:s11], $0x4000, $0x38;
	[tilespmem:$0x1D000] =	vst v63  }
0x30: {  	_ =	swait.ge [sflag:s22], $0x4000  }
0x31: {  	[sflag:s22] =	ssyncset.done $0x0  }
0x32: {  	[sflag:s22] =	ssyncadd.s32 $0xFFFFC000  }
0x33: {  	[hbm4b:s18+s3] =	stream.linear.scatter [tilespmem:s25], [sflag:$0x3], $0x4000, $0x38;
	[tilespmem:$0x1D000] =	vst v63  }
0x34: {  	_ =	swait.ge [sflag:s22], $0x4000  }
0x35: {  	[sflag:s22] =	ssyncset.done $0x0  }
0x36: {  	[sflag:s22] =	ssyncadd.s32 $0xFFFFC000  }
0x37: {  	[tilespmem:s21], [sflag:$0x3] =	stream.linear.gather [spmem:s12], $0x4000, $0x38;
	[tilespmem:$0x1D000] =	vst v63  }
0x38: {  	s26 =	sadd.s32 $0x1, s26;
	_ =	swait.ge [sflag:s22], $0x4000  }
0x39: {  	p0 =	sne.s32 s26, s20;
	[sflag:s22] =	ssyncset.done $0x0  }
.Ltmp1:
0x3a: {  	[sflag:s22] =	ssyncadd.s32 $0xFFFFC000;
	(pc) =	sbr.rel @!p0 .LBB2_11-.Ltmp1, $4  }
0x3b: {  	[hbm4b:s19+s3] =	stream.linear.scatter [tilespmem:s21], [sflag:$0x3], $0x4000, $0x38;
	[tilespmem:$0x1D000] =	vst v63  }
0x3c: {  	_ =	swait.ge [sflag:s22], $0x4000  }
0x3d: {  	[sflag:s22] =	ssyncset.done $0x0  }
0x3e: {  	[sflag:s22] =	ssyncadd.s32 $0xFFFFC000  }
.LBB2_1:
0x3f: {  	s28 =	simm.s32 $0x0;
	s29 =	simm.s32 $0x200  }
.LBB2_2:
0x40: {  	p0 =	sne.s32 s29, $0xFE00;
	[tilespmem:s28+$0x1070] =	vst v0  }
0x41: {  	[tilespmem:s28+$0x1000] =	vst v0  }
0x42: {  	[tilespmem:s28+$0x1010] =	vst v0  }
.Ltmp2:
0x43: {  	[tilespmem:s28+$0x1020] =	vst v0;
	(pc) =	sbr.rel @p0 .LBB2_2-.Ltmp2, $4  }
0x44: {  	[tilespmem:s28+$0x1030] =	vst v0  }
0x45: {  	[tilespmem:s28+$0x1040] =	vst v0  }
0x46: {  	[tilespmem:s28+$0x1050] =	vst v0  }
0x47: {  	[tilespmem:s28+$0x1060] =	vst v0;
	s28 =	sshra.s32 s29, $0x2;
	s29 =	sadd.s32 $0x200, s29  }
0x48: {  	[tilespmem:s28+$0x1070] =	vst v0  }
0x49: {  	[tilespmem:s28+$0x1000] =	vst v0  }
0x4a: {  	[tilespmem:s28+$0x1010] =	vst v0  }
0x4b: {  	[tilespmem:s28+$0x1020] =	vst v0  }
0x4c: {  	[tilespmem:s28+$0x1030] =	vst v0  }
0x4d: {  	[tilespmem:s28+$0x1040] =	vst v0  }
0x4e: {  	[tilespmem:s28+$0x1050] =	vst v0  }
0x4f: {  	[tilespmem:s28+$0x1060] =	vst v0  }
0x50: {  	[spmem:s7] =	stream.linear.scatter [tilespmem:s21], [sflag:$0x3], $0x4000, $0x38;
	[tilespmem:$0x1D000] =	vst v63  }
0x51: {  	_ =	swait.ge [sflag:s22], $0x4000  }
0x52: {  	[sflag:s22] =	ssyncset.done $0x0  }
0x53: {  	[sflag:s22] =	ssyncadd.s32 $0xFFFFC000  }
0x54: {  	[spmem:s8] =	stream.linear.scatter [tilespmem:s21], [sflag:$0x3], $0x4000, $0x38;
	[tilespmem:$0x1D000] =	vst v63  }
0x55: {  	_ =	swait.ge [sflag:s22], $0x4000  }
0x56: {  	[sflag:s22] =	ssyncset.done $0x0  }
0x57: {  	[sflag:s22] =	ssyncadd.s32 $0xFFFFC000  }
0x58: {  	[spmem:s9] =	stream.linear.scatter [tilespmem:s21], [sflag:$0x3], $0x4000, $0x38;
	[tilespmem:$0x1D000] =	vst v63  }
0x59: {  	_ =	swait.ge [sflag:s22], $0x4000  }
0x5a: {  	[sflag:s22] =	ssyncset.done $0x0  }
0x5b: {  	[sflag:s22] =	ssyncadd.s32 $0xFFFFC000  }
0x5c: {  	[spmem:s11] =	stream.linear.scatter [tilespmem:s21], [sflag:$0x3], $0x4000, $0x38;
	[tilespmem:$0x1D000] =	vst v63  }
0x5d: {  	_ =	swait.ge [sflag:s22], $0x4000  }
0x5e: {  	[sflag:s22] =	ssyncset.done $0x0  }
0x5f: {  	[sflag:s22] =	ssyncadd.s32 $0xFFFFC000  }
0x60: {  	[spmem:s12] =	stream.linear.scatter [tilespmem:s21], [sflag:$0x3], $0x4000, $0x38;
	[tilespmem:$0x1D000] =	vst v63  }
0x61: {  	_ =	swait.ge [sflag:s22], $0x4000  }
0x62: {  	[sflag:s22] =	ssyncset.done $0x0  }
0x63: {  	[sflag:s22] =	ssyncadd.s32 $0xFFFFC000  }
0x64: {  	s28 =	simm.s32 $0x0;
	[bflag:$0x0] =	sbarrier.arrive $0xFFFF  }
0x65: {  	[tilespmem:s28], [sflag:$0x3] =	stream.linear.gather [hbm4b:s13+s28], $0x400, $0x38;
	[tilespmem:$0x1D000] =	vst v63  }
0x66: {  	_ =	swait.ge [sflag:s22], $0x400  }
0x67: {  	[sflag:s22] =	ssyncset.done $0x0  }
0x68: {  	[sflag:s22] =	ssyncadd.s32 $0xFFFFFC00  }
0x69: {  	[tilespmem:s23], [sflag:$0x3] =	stream.linear.gather [hbm4b:s14+s28], $0x400, $0x38;
	[tilespmem:$0x1D000] =	vst v63  }
.Ltmp3:
0x6a: {  	_ = 	snop;
	(pc) =	sbr.rel .LBB2_4-.Ltmp3, $4  }
0x6b: {  	_ =	swait.ge [sflag:s22], $0x400  }
0x6c: {  	[sflag:s22] =	ssyncset.done $0x0  }
0x6d: {  	[sflag:s22] =	ssyncadd.s32 $0xFFFFFC00  }
0x6e: {  	[tilespmem:s21], [sflag:$0x1] =	stream.indirect.gather [hbm4b:s5+s24], $0x80, s28, s24, $0xb8;
	[tilespmem:$0x1D000] =	vst v63  }
.LBB2_5:
0x6f: {  	s30 =	sadd.s32 $0x400, s29  }
0x70: {  	s31 =	sadd.s32 s10, s30  }
0x71: {  	s31 =	sshrl.u32 s31, $0x3  }
0x72: {  	s30 =	sand.u32 $0x400, s30;
	s0 =	sadd.s32 s1, s31  }
0x73: {  	[tilespmem:s30], [sflag:$0x3] =	stream.linear.gather [hbm4b:s0+s3], $0x400, $0x38;
	[tilespmem:$0x1D000] =	vst v63  }
0x74: {  	_ =	swait.ge [sflag:s22], $0x400  }
0x75: {  	[sflag:s22] =	ssyncset.done $0x0  }
0x76: {  	s4 =	sor.u32 $0x800, s30;
	s30 =	sadd.s32 s6, s31;
	[sflag:s22] =	ssyncadd.s32 $0xFFFFFC00  }
0x77: {  	[tilespmem:s4], [sflag:$0x3] =	stream.linear.gather [hbm4b:s30+s3], $0x400, $0x38;
	[tilespmem:$0x1D000] =	vst v63  }
0x78: {  	_ =	swait.ge [sflag:s22], $0x400  }
0x79: {  	[sflag:s22] =	ssyncset.done $0x0  }
0x7a: {  	s30 =	sor.u32 $0x1, s28;
	[sflag:s22] =	ssyncadd.s32 $0xFFFFFC00  }
.LBB2_8:
0x7b: {  	s0 =	sand.u32 $0x1, s30  }
0x7c: {  	s4 =	sshll.u32 s30, $0x7;
	s31 =	sshll.u32 s0, $0xE  }
0x7d: {  	s4 =	sand.u32 $0x780, s4;
	s0 =	sadd.s32 $0x1, s0;
	s31 =	sor.u32 $0x1000, s31  }
0x7e: {  	[tilespmem:s31], [sflag:s0] =	stream.indirect.gather [hbm4b:s5+s24], $0x80, s4, s24, $0xb8;
	[tilespmem:$0x1D000] =	vst v63  }
.LBB2_9:
0x7f: {  	s0 =	sand.u32 $0x1, s28;
	s28 =	sshll.u32 s28, $0x7  }
0x80: {  	s29 =	sand.u32 $0x400, s29;
	p0 =	slt.u32 s30, $0x50;
	s4 =	sadd.s32 $0x1, s0  }
0x81: {  	s28 =	sand.u32 $0x380, s28;
	s0 =	sshll.u32 s0, $0xE;
	_ =	swait.ge [sflag:s4], $0x4000  }
0x82: {  	s28 =	sor.u32 s28, s29;
	s0 =	sor.u32 $0x1000, s0;
	[sflag:s4] =	ssyncset.done $0x0  }
.Ltmp4:
0x83: {  	s31 =	sor.u32 $0x800, s28;
	[sflag:s4] =	ssyncadd.s32 $0xFFFFC000;
	(pc) =	sbr.rel @!p0 .LBB2_10-.Ltmp4, $4  }
0x84: {  	[spmem:s2] =	stream.indirect.scatter.add.f32 [tilespmem:s0], [sflag:$0x3], $0x80, s31, s24, $0xb8;
	[tilespmem:$0x1D000] =	vst v63  }
0x85: {  	_ =	swait.ge [sflag:s22], $0x4000  }
0x86: {  	[sflag:s22] =	ssyncset.done $0x0  }
0x87: {  	s28 =	smov.u32 s30;
	[sflag:s22] =	ssyncadd.s32 $0xFFFFC000  }
.LBB2_4:
0x88: {  	s29 =	sand.u32 $0x7, s28;
	p0 =	sgt.u32 s28, $0x47  }
0x89: {  	p1 =	sne.s32 @!p0 s29, $0x0  }
0x8a: {  	p0 =	por p0, p1  }
.Ltmp5:
0x8b: {  	_ = 	snop;
	(pc) =	sbr.rel @!p0 .LBB2_5-.Ltmp5, $3  }
0x8c: {  	_ =	sdelay $0x1  }
0x8d: {  	s29 =	sshrl.u32 s28, $0x3  }
0x8e: {  	s29 =	sshll.u32 s29, $0xA  }
0x8f: {  	p0 =	seq.s32 s28, $0x4F  }
.Ltmp6:
0x90: {  	_ = 	snop;
	(pc) =	sbr.rel @p0 .LBB2_9-.Ltmp6, $2  }
0x91: {  	_ =	sdelay $0x2  }
0x92: {  	s30 =	simm.s32 $0x50  }
.Ltmp7:
0x93: {  	(pc) =	sbr.rel .LBB2_8-.Ltmp7, $2  }
0x94: {  	_ =	sdelay $0x2  }
0x95: {  	s30 =	sadd.s32 $0x1, s28  }
.LBB2_11:
0x96: {  	_ =	sfence.sel $0x180000  }
0x97: {  	[bflag:$0x0] =	sbarrier.arrive $0xFFFF  }
0x98: {  	_ =	strace $0x9000004A  }
0x99: {  	s0 =	stileid.u32;
	[bflag:$0x2] =	sbarrier.arrive $0xFFFF  }
0x9a: {  	p0 =	sne.s32 s0, $0x0;
	s0 =	rddreg [dreg:$0x3]  }
0x9b: {  	s0 =	sadd.s32 @!p0 $0x100000, s0  }
0x9c: {  	[sflag:s0] =	ssyncadd.tile.s32 @!p0 $0x1;
	_ =	shalt  }
.Lfunc_end2:
_tile_overlayer_lowered:
.L_overlay_start_2:
0x9d: {  	(tag) =	ssettag $0x2  }
0x9e: {  	s0 =	rddreg [dreg:$0x0];
	s2 =	stileid.u32  }
0x9f: {  	s1 =	rddreg [dreg:$0x1];
	p0 =	sne.s32 s2, $0x0  }
0xa0: {  	s3 =	rddreg [dreg:$0x2];
	[bflag:$0x3] =	sbarrier.arrive $0xFFFF;
	s2 =	simm.s32 @!p0 $0x1C03  }
0xa1: {  	[timem:s3], [sflag:s2] =	dma.local @!p0 [hbm:s0], s1  }
0xa2: {  	s0 =	simm.s32 @!p0 $0x3  }
0xa3: {  	_ =	swait.ge @!p0 [sflag:s0], s1  }
0xa4: {  	s1 =	ssub.s32 @!p0 $0x0, s1;
	[sflag:s0] =	ssyncset.done @!p0 $0x0  }
0xa5: {  	[sflag:s0] =	ssyncadd.s32 @!p0 s1  }
0xa6: {  	[bflag:$0x3] =	sbarrier.arrive $0xFFFF  }
0xa7: {  	_ =	shalt  }

</sc_bundles>
